<compile_context>
chip_gen: v7x
topology: tpu7x:2x2x1
jax: 0.10.2.dev20260603
libtpu: 0.0.44.dev20260713+nightly
codegen_flags: <defaults>
</compile_context>

<pallas_src>
import functools

import jax
import jax.numpy as jnp
from jax import lax
from jax.experimental import pallas as pl
from jax.experimental.pallas import tpu as pltpu
from jax.experimental.pallas import tpu_sc as plsc

L = 16
NC = 2
NS = 16
NW = NC * NS
GRP = 16
UB = 8
US = 4
DEPTH = 64
CROWS = DEPTH + 2 * UB
KTOP = 64
MINNORM = 1.1754944e-38


@functools.lru_cache(maxsize=None)
def _build(nrows, ncols):
    assert ncols % (L * GRP) == 0 and nrows % (2 * NW) == 0
    nch = ncols // L
    ngrp = nch // GRP
    rows_per = nrows // NW

    mesh = plsc.VectorSubcoreMesh(
        core_axis_name="c", subcore_axis_name="s",
        num_cores=NC, num_subcores=NS)

    @functools.partial(
        pl.kernel,
        out_type=jax.ShapeDtypeStruct((nrows, ncols), jnp.float32),
        mesh=mesh,
        compiler_params=pltpu.CompilerParams(needs_layout_passes=False),
        scratch_types=[
            pltpu.VMEM((ncols,), jnp.float32),
            pltpu.VMEM((ncols,), jnp.float32),
            pltpu.VMEM((ncols,), jnp.float32),
            pltpu.VMEM((CROWS * L,), jnp.int32),
            pltpu.VMEM((CROWS * L,), jnp.int32),
            pltpu.VMEM((CROWS * L,), jnp.float32),
            pltpu.VMEM((CROWS * L,), jnp.float32),
            pltpu.SemaphoreType.DMA,
            pltpu.SemaphoreType.DMA,
            pltpu.SemaphoreType.DMA,
        ],
    )
    def topk_mask(x_hbm, out_hbm, rb0, rb1, zbuf, cc0, cc1, cv0, cv1,
                  si0, si1, so):
        wid = lax.axis_index("s") * NC + lax.axis_index("c")
        base = wid * rows_per
        lanes = lax.iota(jnp.int32, L)
        zf = jnp.zeros((L,), jnp.float32)
        onei = jnp.full((L,), 1, jnp.int32)
        inc16 = jnp.full((L,), 16, jnp.int32)
        zi = jnp.zeros((L,), jnp.int32)
        lane15 = jnp.full((L,), 15, jnp.int32)
        ktopv = jnp.full((L,), KTOP, jnp.int32)
        minnv = jnp.full((L,), MINNORM, jnp.float32)
        posclamp = lanes + (DEPTH - 1) * L

        rbufs = (rb0, rb1)
        ccols = (cc0, cc1)
        cvals = (cv0, cv1)
        sins = (si0, si1)

        def z0_body(g, _):
            for j in range(UB):
                zbuf[pl.ds((g * UB + j) * L, L)] = zf
            return 0

        lax.fori_loop(0, nch // UB, z0_body, 0)
        for j in range(CROWS):
            cc0[pl.ds(j * L, L)] = zi
            cc1[pl.ds(j * L, L)] = zi

        pltpu.async_copy(x_hbm.at[base], rb0, si0)
        pltpu.async_copy(x_hbm.at[base + 1], rb1, si1)

        def process(i, b, tf_prev, niter_prev):
            r = base + 2 * i + b
            rowbuf = rbufs[b]
            ccol = ccols[b]
            cval = cvals[b]
            sin = sins[b]
            nccol = ccols[1 - b]
            ncval = cvals[1 - b]

            pltpu.make_async_copy(x_hbm.at[base], rowbuf, sin).wait()

            def grp_body(g, carry):
                m0, m1, m2, m3 = carry
                gmax = zf
                for j in range(GRP):
                    gmax = jnp.maximum(gmax, rowbuf[pl.ds((g * GRP + j) * L, L)])
                t0 = jnp.maximum(m0, gmax)
                b0 = jnp.minimum(m0, gmax)
                t1 = jnp.maximum(m1, b0)
                b1 = jnp.minimum(m1, b0)
                t2 = jnp.maximum(m2, b1)
                b2 = jnp.minimum(m2, b1)
                t3 = jnp.maximum(m3, b2)
                return t0, t1, t2, t3

            _, _, _, m3 = lax.fori_loop(0, ngrp, grp_body, (zf, zf, zf, zf))
            mv0 = jnp.maximum(m3, minnv)
            mv = jnp.negative(plsc.cummax(jnp.negative(mv0))).at[lane15].get(
                mode="promise_in_bounds")

            def b_body(gb, carry):
                off, colv = carry
                vs = [rowbuf[pl.ds((gb * UB + j) * L, L)] for j in range(UB)]
                keeps = [v >= mv for v in vs]
                sels = [jnp.where(k, inc16, zi) for k in keeps]
                cols = [colv + j * L for j in range(UB)]
                for j in range(UB):
                    plsc.store_scatter(ccol, [off], cols[j], mask=keeps[j])
                    off = off + sels[j]
                return jnp.minimum(off, posclamp), colv + UB * L

            off, _ = lax.fori_loop(0, nch // UB, b_body, (lanes, lanes))
            cnt_vec = lax.shift_right_logical(off - lanes, 4)
            nrows_c = jnp.minimum(jnp.max(off) >> 4, DEPTH - 1) + 1
            niter = (nrows_c + (US - 1)) // US

            def g_body(j, rowv):
                colvs = [ccol[pl.ds((j * US + u) * L, L)] for u in range(US)]
                gs = [plsc.load_gather(rowbuf, [c]) for c in colvs]
                for u in range(US):
                    valid = (rowv + u) < cnt_vec
                    cval[pl.ds((j * US + u) * L, L)] = jnp.where(valid, gs[u], 0.0)
                return rowv + US

            lax.fori_loop(0, niter, g_body, zi)

            @pl.when(i < rows_per // 2 - 1)
            def _():
                pltpu.async_copy(x_hbm.at[r + 2], rowbuf, sin)

            def bit_body(bb, carry):
                tbv, bitv = carry
                pv = tbv | bitv
                pfv = plsc.bitcast(pv, jnp.float32)

                def cnt_body(j, acc):
                    cvs = [cval[pl.ds((j * US + u) * L, L)] for u in range(US)]
                    for cv in cvs:
                        acc = acc + jnp.where(cv >= pfv, onei, zi)
                    return acc

                acc = lax.fori_loop(0, niter, cnt_body, zi)
                tot = plsc.cumsum(acc).at[lane15].get(mode="promise_in_bounds")
                tbv = jnp.where(tot >= ktopv, pv, tbv)
                return tbv, lax.shift_right_logical(bitv, 1)

            tbv, _ = lax.fori_loop(
                0, 31, bit_body,
                (zi, jnp.full((L,), 1 << 30, jnp.int32)))
            tfv = plsc.bitcast(jnp.maximum(tbv, onei), jnp.float32)

            if b == 0:
                @pl.when(i >= 1)
                def _():
                    pltpu.make_async_copy(zbuf, out_hbm.at[base], so).wait()
            else:
                pltpu.make_async_copy(zbuf, out_hbm.at[base], so).wait()

            def uz_body(j, _):
                vals = [ncval[pl.ds((j * US + u) * L, L)] for u in range(US)]
                cols = [nccol[pl.ds((j * US + u) * L, L)] for u in range(US)]
                for u in range(US):
                    plsc.store_scatter(zbuf, [cols[u]], zf,
                                       mask=vals[u] >= tf_prev)
                return 0

            lax.fori_loop(0, niter_prev, uz_body, 0)

            def sc_body(j, _):
                vals = [cval[pl.ds((j * US + u) * L, L)] for u in range(US)]
                cols = [ccol[pl.ds((j * US + u) * L, L)] for u in range(US)]
                for u in range(US):
                    plsc.store_scatter(zbuf, [cols[u]], vals[u],
                                       mask=vals[u] >= tfv)
                return 0

            lax.fori_loop(0, niter, sc_body, 0)
            pltpu.async_copy(zbuf, out_hbm.at[r], so)
            return tfv, niter

        def row_pair(i, carry):
            tf_prev, niter_prev = carry
            tf_prev, niter_prev = process(i, 0, tf_prev, niter_prev)
            tf_prev, niter_prev = process(i, 1, tf_prev, niter_prev)
            return tf_prev, niter_prev

        lax.fori_loop(0, rows_per // 2, row_pair,
                      (jnp.full((L,), 1.0, jnp.float32), jnp.int32(0)))
        pltpu.make_async_copy(zbuf, out_hbm.at[base], so).wait()

    return topk_mask


def kernel(x):
    nrows, ncols = x.shape
    return _build(nrows, ncols)(x)

# --- scband reference (transcript-rebuilt; emitter-appended) ---
"""Pipeline reference for scband-top-kactivation-81776177316427 (READ-ONLY COPY).

The authoritative reference and input builder live on the scoring server;
editing this copy changes nothing except your own understanding.
"""

import jax, jax.numpy as jnp
import numpy as np

K = 64

def setup_inputs(seed: int = 0) -> dict:
    key = jax.random.key(seed)
    x = jax.random.normal(key, (4096, 32768), dtype=jnp.float32)
    return {"x": x}

def reference(x):
    x_relu = jax.nn.relu(x)
    k = min(K, x_relu.shape[-1])
    topk_vals, topk_idx = jax.lax.top_k(x_relu, k)
    rows = jnp.arange(x.shape[0])[:, None]
    out = jnp.zeros_like(x).at[rows, topk_idx].set(topk_vals)
    return out

if __name__ == "__main__":
    import jax
    _d = setup_inputs()
    print(jax.jit(kernel)(*tuple(_d.values())))

</pallas_src>

<mosaic_0001>
#map = affine_map<(d0, d1) -> (0, 0)>
module attributes {stable_mosaic.version = 14 : i64} {
  func.func @topk_mask(%arg0: i32, %arg1: i32, %arg2: memref<4096x32768xf32, #tpu.memory_space<hbm>>, %arg3: memref<4096x32768xf32, #tpu.memory_space<hbm>>, %arg4: memref<32768xf32, #tpu.memory_space<vmem>>, %arg5: memref<32768xf32, #tpu.memory_space<vmem>>, %arg6: memref<32768xf32, #tpu.memory_space<vmem>>, %arg7: memref<1280xi32, #tpu.memory_space<vmem>>, %arg8: memref<1280xi32, #tpu.memory_space<vmem>>, %arg9: memref<1280xf32, #tpu.memory_space<vmem>>, %arg10: memref<1280xf32, #tpu.memory_space<vmem>>, %arg11: memref<!tpu.dma_semaphore, #tpu.memory_space<semaphore_mem>>, %arg12: memref<!tpu.dma_semaphore, #tpu.memory_space<semaphore_mem>>, %arg13: memref<!tpu.dma_semaphore, #tpu.memory_space<semaphore_mem>>) attributes {dimension_semantics = [#tpu.dimension_semantics<core_parallel>, #tpu.dimension_semantics<subcore_parallel>], iteration_bounds = array<i64: 2, 16>, scalar_prefetch = 0 : i64, scratch_operands = 10 : i64, tpu.core_type = #tpu.core_type<sc_vector_subcore>, window_params = [{transform_indices = #map}, {transform_indices = #map}]} {
    %mul3A = arith.constant 2 : i32
    %mul3A_0 = arith.muli %arg1, %mul3A : i32
    %add3A = arith.addi %mul3A_0, %arg0 : i32
    %mul3A_1 = arith.constant 128 : i32
    %mul3A_2 = arith.muli %add3A, %mul3A_1 : i32
    %iota3A = tpu.iota {dimensions = array<i32: 0>} : vector<16xi32>
    %broadcast_in_dim3A = arith.constant 0.000000e+00 : f32
    %broadcast_in_dim3A_3 = vector.broadcast %broadcast_in_dim3A : f32 to vector<16xf32>
    %broadcast_in_dim3A_4 = arith.constant 1 : i32
    %broadcast_in_dim3A_5 = vector.broadcast %broadcast_in_dim3A_4 : i32 to vector<16xi32>
    %broadcast_in_dim3A_6 = arith.constant 16 : i32
    %broadcast_in_dim3A_7 = vector.broadcast %broadcast_in_dim3A_6 : i32 to vector<16xi32>
    %broadcast_in_dim3A_8 = arith.constant 0 : i32
    %broadcast_in_dim3A_9 = vector.broadcast %broadcast_in_dim3A_8 : i32 to vector<16xi32>
    %broadcast_in_dim3A_10 = arith.constant 15 : i32
    %broadcast_in_dim3A_11 = vector.broadcast %broadcast_in_dim3A_10 : i32 to vector<16xi32>
    %broadcast_in_dim3A_12 = arith.constant 64 : i32
    %broadcast_in_dim3A_13 = vector.broadcast %broadcast_in_dim3A_12 : i32 to vector<16xi32>
    %broadcast_in_dim3A_14 = arith.constant 1.17549435E-38 : f32
    %broadcast_in_dim3A_15 = vector.broadcast %broadcast_in_dim3A_14 : f32 to vector<16xf32>
    %add3A_16 = arith.constant 1008 : i32
    %add3A_17 = vector.broadcast %add3A_16 : i32 to vector<16xi32>
    %add3A_18 = arith.addi %iota3A, %add3A_17 : vector<16xi32>
    %scan3A = arith.constant 0 : i32
    %scan3A_19 = arith.constant 0 : i32
    %scan3A_20 = arith.constant 256 : i32
    %scan3A_21 = arith.addi %scan3A_19, %scan3A_20 : i32
    %scan3A_22 = arith.constant 1 : i32
    %scan3A_23 = scf.for %scan3A_371 = %scan3A_19 to %scan3A_21 step %scan3A_22 iter_args(%scan3A_372 = %scan3A) -> (i32)  : i32 {
      %mul3A_373 = arith.constant 8 : i32
      %mul3A_374 = arith.muli %scan3A_371, %mul3A_373 : i32
      %add3A_375 = arith.constant 0 : i32
      %add3A_376 = arith.addi %mul3A_374, %add3A_375 : i32
      %mul3A_377 = arith.constant 16 : i32
      %mul3A_378 = arith.muli %add3A_376, %mul3A_377 : i32
      %swap3A_379 = arith.index_cast %mul3A_378 : i32 to index
      %swap3A_380 = tpu.vector_load %arg6[%swap3A_379] {strides = array<i32>} : memref<32768xf32, #tpu.memory_space<vmem>>, vector<16xf32>,
      tpu.vector_store %arg6[%swap3A_379], %broadcast_in_dim3A_3 {strides = array<i32>} : memref<32768xf32, #tpu.memory_space<vmem>>, vector<16xf32>,
      %mul3A_381 = arith.constant 8 : i32
      %mul3A_382 = arith.muli %scan3A_371, %mul3A_381 : i32
      %add3A_383 = arith.constant 1 : i32
      %add3A_384 = arith.addi %mul3A_382, %add3A_383 : i32
      %mul3A_385 = arith.constant 16 : i32
      %mul3A_386 = arith.muli %add3A_384, %mul3A_385 : i32
      %swap3A_387 = arith.index_cast %mul3A_386 : i32 to index
      %swap3A_388 = tpu.vector_load %arg6[%swap3A_387] {strides = array<i32>} : memref<32768xf32, #tpu.memory_space<vmem>>, vector<16xf32>,
      tpu.vector_store %arg6[%swap3A_387], %broadcast_in_dim3A_3 {strides = array<i32>} : memref<32768xf32, #tpu.memory_space<vmem>>, vector<16xf32>,
      %mul3A_389 = arith.constant 8 : i32
      %mul3A_390 = arith.muli %scan3A_371, %mul3A_389 : i32
      %add3A_391 = arith.constant 2 : i32
      %add3A_392 = arith.addi %mul3A_390, %add3A_391 : i32
      %mul3A_393 = arith.constant 16 : i32
      %mul3A_394 = arith.muli %add3A_392, %mul3A_393 : i32
      %swap3A_395 = arith.index_cast %mul3A_394 : i32 to index
      %swap3A_396 = tpu.vector_load %arg6[%swap3A_395] {strides = array<i32>} : memref<32768xf32, #tpu.memory_space<vmem>>, vector<16xf32>,
      tpu.vector_store %arg6[%swap3A_395], %broadcast_in_dim3A_3 {strides = array<i32>} : memref<32768xf32, #tpu.memory_space<vmem>>, vector<16xf32>,
      %mul3A_397 = arith.constant 8 : i32
      %mul3A_398 = arith.muli %scan3A_371, %mul3A_397 : i32
      %add3A_399 = arith.constant 3 : i32
      %add3A_400 = arith.addi %mul3A_398, %add3A_399 : i32
      %mul3A_401 = arith.constant 16 : i32
      %mul3A_402 = arith.muli %add3A_400, %mul3A_401 : i32
      %swap3A_403 = arith.index_cast %mul3A_402 : i32 to index
      %swap3A_404 = tpu.vector_load %arg6[%swap3A_403] {strides = array<i32>} : memref<32768xf32, #tpu.memory_space<vmem>>, vector<16xf32>,
      tpu.vector_store %arg6[%swap3A_403], %broadcast_in_dim3A_3 {strides = array<i32>} : memref<32768xf32, #tpu.memory_space<vmem>>, vector<16xf32>,
      %mul3A_405 = arith.constant 8 : i32
      %mul3A_406 = arith.muli %scan3A_371, %mul3A_405 : i32
      %add3A_407 = arith.constant 4 : i32
      %add3A_408 = arith.addi %mul3A_406, %add3A_407 : i32
      %mul3A_409 = arith.constant 16 : i32
      %mul3A_410 = arith.muli %add3A_408, %mul3A_409 : i32
      %swap3A_411 = arith.index_cast %mul3A_410 : i32 to index
      %swap3A_412 = tpu.vector_load %arg6[%swap3A_411] {strides = array<i32>} : memref<32768xf32, #tpu.memory_space<vmem>>, vector<16xf32>,
      tpu.vector_store %arg6[%swap3A_411], %broadcast_in_dim3A_3 {strides = array<i32>} : memref<32768xf32, #tpu.memory_space<vmem>>, vector<16xf32>,
      %mul3A_413 = arith.constant 8 : i32
      %mul3A_414 = arith.muli %scan3A_371, %mul3A_413 : i32
      %add3A_415 = arith.constant 5 : i32
      %add3A_416 = arith.addi %mul3A_414, %add3A_415 : i32
      %mul3A_417 = arith.constant 16 : i32
      %mul3A_418 = arith.muli %add3A_416, %mul3A_417 : i32
      %swap3A_419 = arith.index_cast %mul3A_418 : i32 to index
      %swap3A_420 = tpu.vector_load %arg6[%swap3A_419] {strides = array<i32>} : memref<32768xf32, #tpu.memory_space<vmem>>, vector<16xf32>,
      tpu.vector_store %arg6[%swap3A_419], %broadcast_in_dim3A_3 {strides = array<i32>} : memref<32768xf32, #tpu.memory_space<vmem>>, vector<16xf32>,
      %mul3A_421 = arith.constant 8 : i32
      %mul3A_422 = arith.muli %scan3A_371, %mul3A_421 : i32
      %add3A_423 = arith.constant 6 : i32
      %add3A_424 = arith.addi %mul3A_422, %add3A_423 : i32
      %mul3A_425 = arith.constant 16 : i32
      %mul3A_426 = arith.muli %add3A_424, %mul3A_425 : i32
      %swap3A_427 = arith.index_cast %mul3A_426 : i32 to index
      %swap3A_428 = tpu.vector_load %arg6[%swap3A_427] {strides = array<i32>} : memref<32768xf32, #tpu.memory_space<vmem>>, vector<16xf32>,
      tpu.vector_store %arg6[%swap3A_427], %broadcast_in_dim3A_3 {strides = array<i32>} : memref<32768xf32, #tpu.memory_space<vmem>>, vector<16xf32>,
      %mul3A_429 = arith.constant 8 : i32
      %mul3A_430 = arith.muli %scan3A_371, %mul3A_429 : i32
      %add3A_431 = arith.constant 7 : i32
      %add3A_432 = arith.addi %mul3A_430, %add3A_431 : i32
      %mul3A_433 = arith.constant 16 : i32
      %mul3A_434 = arith.muli %add3A_432, %mul3A_433 : i32
      %swap3A_435 = arith.index_cast %mul3A_434 : i32 to index
      %swap3A_436 = tpu.vector_load %arg6[%swap3A_435] {strides = array<i32>} : memref<32768xf32, #tpu.memory_space<vmem>>, vector<16xf32>,
      tpu.vector_store %arg6[%swap3A_435], %broadcast_in_dim3A_3 {strides = array<i32>} : memref<32768xf32, #tpu.memory_space<vmem>>, vector<16xf32>,
      %scan3A_437 = arith.constant 0 : i32
      scf.yield %scan3A_437 : i32
    }
    %scan3A_24 = arith.constant 256 : i32
    %swap3A = arith.constant 0 : index
    %swap3A_25 = tpu.vector_load %arg7[%swap3A] {strides = array<i32>} : memref<1280xi32, #tpu.memory_space<vmem>>, vector<16xi32>,
    tpu.vector_store %arg7[%swap3A], %broadcast_in_dim3A_9 {strides = array<i32>} : memref<1280xi32, #tpu.memory_space<vmem>>, vector<16xi32>,
    %swap3A_26 = arith.constant 0 : index
    %swap3A_27 = tpu.vector_load %arg8[%swap3A_26] {strides = array<i32>} : memref<1280xi32, #tpu.memory_space<vmem>>, vector<16xi32>,
    tpu.vector_store %arg8[%swap3A_26], %broadcast_in_dim3A_9 {strides = array<i32>} : memref<1280xi32, #tpu.memory_space<vmem>>, vector<16xi32>,
    %swap3A_28 = arith.constant 16 : index
    %swap3A_29 = tpu.vector_load %arg7[%swap3A_28] {strides = array<i32>} : memref<1280xi32, #tpu.memory_space<vmem>>, vector<16xi32>,
    tpu.vector_store %arg7[%swap3A_28], %broadcast_in_dim3A_9 {strides = array<i32>} : memref<1280xi32, #tpu.memory_space<vmem>>, vector<16xi32>,
    %swap3A_30 = arith.constant 16 : index
    %swap3A_31 = tpu.vector_load %arg8[%swap3A_30] {strides = array<i32>} : memref<1280xi32, #tpu.memory_space<vmem>>, vector<16xi32>,
    tpu.vector_store %arg8[%swap3A_30], %broadcast_in_dim3A_9 {strides = array<i32>} : memref<1280xi32, #tpu.memory_space<vmem>>, vector<16xi32>,
    %swap3A_32 = arith.constant 32 : index
    %swap3A_33 = tpu.vector_load %arg7[%swap3A_32] {strides = array<i32>} : memref<1280xi32, #tpu.memory_space<vmem>>, vector<16xi32>,
    tpu.vector_store %arg7[%swap3A_32], %broadcast_in_dim3A_9 {strides = array<i32>} : memref<1280xi32, #tpu.memory_space<vmem>>, vector<16xi32>,
    %swap3A_34 = arith.constant 32 : index
    %swap3A_35 = tpu.vector_load %arg8[%swap3A_34] {strides = array<i32>} : memref<1280xi32, #tpu.memory_space<vmem>>, vector<16xi32>,
    tpu.vector_store %arg8[%swap3A_34], %broadcast_in_dim3A_9 {strides = array<i32>} : memref<1280xi32, #tpu.memory_space<vmem>>, vector<16xi32>,
    %swap3A_36 = arith.constant 48 : index
    %swap3A_37 = tpu.vector_load %arg7[%swap3A_36] {strides = array<i32>} : memref<1280xi32, #tpu.memory_space<vmem>>, vector<16xi32>,
    tpu.vector_store %arg7[%swap3A_36], %broadcast_in_dim3A_9 {strides = array<i32>} : memref<1280xi32, #tpu.memory_space<vmem>>, vector<16xi32>,
    %swap3A_38 = arith.constant 48 : index
    %swap3A_39 = tpu.vector_load %arg8[%swap3A_38] {strides = array<i32>} : memref<1280xi32, #tpu.memory_space<vmem>>, vector<16xi32>,
    tpu.vector_store %arg8[%swap3A_38], %broadcast_in_dim3A_9 {strides = array<i32>} : memref<1280xi32, #tpu.memory_space<vmem>>, vector<16xi32>,
    %swap3A_40 = arith.constant 64 : index
    %swap3A_41 = tpu.vector_load %arg7[%swap3A_40] {strides = array<i32>} : memref<1280xi32, #tpu.memory_space<vmem>>, vector<16xi32>,
    tpu.vector_store %arg7[%swap3A_40], %broadcast_in_dim3A_9 {strides = array<i32>} : memref<1280xi32, #tpu.memory_space<vmem>>, vector<16xi32>,
    %swap3A_42 = arith.constant 64 : index
    %swap3A_43 = tpu.vector_load %arg8[%swap3A_42] {strides = array<i32>} : memref<1280xi32, #tpu.memory_space<vmem>>, vector<16xi32>,
    tpu.vector_store %arg8[%swap3A_42], %broadcast_in_dim3A_9 {strides = array<i32>} : memref<1280xi32, #tpu.memory_space<vmem>>, vector<16xi32>,
    %swap3A_44 = arith.constant 80 : index
    %swap3A_45 = tpu.vector_load %arg7[%swap3A_44] {strides = array<i32>} : memref<1280xi32, #tpu.memory_space<vmem>>, vector<16xi32>,
    tpu.vector_store %arg7[%swap3A_44], %broadcast_in_dim3A_9 {strides = array<i32>} : memref<1280xi32, #tpu.memory_space<vmem>>, vector<16xi32>,
    %swap3A_46 = arith.constant 80 : index
    %swap3A_47 = tpu.vector_load %arg8[%swap3A_46] {strides = array<i32>} : memref<1280xi32, #tpu.memory_space<vmem>>, vector<16xi32>,
    tpu.vector_store %arg8[%swap3A_46], %broadcast_in_dim3A_9 {strides = array<i32>} : memref<1280xi32, #tpu.memory_space<vmem>>, vector<16xi32>,
    %swap3A_48 = arith.constant 96 : index
    %swap3A_49 = tpu.vector_load %arg7[%swap3A_48] {strides = array<i32>} : memref<1280xi32, #tpu.memory_space<vmem>>, vector<16xi32>,
    tpu.vector_store %arg7[%swap3A_48], %broadcast_in_dim3A_9 {strides = array<i32>} : memref<1280xi32, #tpu.memory_space<vmem>>, vector<16xi32>,
    %swap3A_50 = arith.constant 96 : index
    %swap3A_51 = tpu.vector_load %arg8[%swap3A_50] {strides = array<i32>} : memref<1280xi32, #tpu.memory_space<vmem>>, vector<16xi32>,
    tpu.vector_store %arg8[%swap3A_50], %broadcast_in_dim3A_9 {strides = array<i32>} : memref<1280xi32, #tpu.memory_space<vmem>>, vector<16xi32>,
    %swap3A_52 = arith.constant 112 : index
    %swap3A_53 = tpu.vector_load %arg7[%swap3A_52] {strides = array<i32>} : memref<1280xi32, #tpu.memory_space<vmem>>, vector<16xi32>,
    tpu.vector_store %arg7[%swap3A_52], %broadcast_in_dim3A_9 {strides = array<i32>} : memref<1280xi32, #tpu.memory_space<vmem>>, vector<16xi32>,
    %swap3A_54 = arith.constant 112 : index
    %swap3A_55 = tpu.vector_load %arg8[%swap3A_54] {strides = array<i32>} : memref<1280xi32, #tpu.memory_space<vmem>>, vector<16xi32>,
    tpu.vector_store %arg8[%swap3A_54], %broadcast_in_dim3A_9 {strides = array<i32>} : memref<1280xi32, #tpu.memory_space<vmem>>, vector<16xi32>,
    %swap3A_56 = arith.constant 128 : index
    %swap3A_57 = tpu.vector_load %arg7[%swap3A_56] {strides = array<i32>} : memref<1280xi32, #tpu.memory_space<vmem>>, vector<16xi32>,
    tpu.vector_store %arg7[%swap3A_56], %broadcast_in_dim3A_9 {strides = array<i32>} : memref<1280xi32, #tpu.memory_space<vmem>>, vector<16xi32>,
    %swap3A_58 = arith.constant 128 : index
    %swap3A_59 = tpu.vector_load %arg8[%swap3A_58] {strides = array<i32>} : memref<1280xi32, #tpu.memory_space<vmem>>, vector<16xi32>,
    tpu.vector_store %arg8[%swap3A_58], %broadcast_in_dim3A_9 {strides = array<i32>} : memref<1280xi32, #tpu.memory_space<vmem>>, vector<16xi32>,
    %swap3A_60 = arith.constant 144 : index
    %swap3A_61 = tpu.vector_load %arg7[%swap3A_60] {strides = array<i32>} : memref<1280xi32, #tpu.memory_space<vmem>>, vector<16xi32>,
    tpu.vector_store %arg7[%swap3A_60], %broadcast_in_dim3A_9 {strides = array<i32>} : memref<1280xi32, #tpu.memory_space<vmem>>, vector<16xi32>,
    %swap3A_62 = arith.constant 144 : index
    %swap3A_63 = tpu.vector_load %arg8[%swap3A_62] {strides = array<i32>} : memref<1280xi32, #tpu.memory_space<vmem>>, vector<16xi32>,
    tpu.vector_store %arg8[%swap3A_62], %broadcast_in_dim3A_9 {strides = array<i32>} : memref<1280xi32, #tpu.memory_space<vmem>>, vector<16xi32>,
    %swap3A_64 = arith.constant 160 : index
    %swap3A_65 = tpu.vector_load %arg7[%swap3A_64] {strides = array<i32>} : memref<1280xi32, #tpu.memory_space<vmem>>, vector<16xi32>,
    tpu.vector_store %arg7[%swap3A_64], %broadcast_in_dim3A_9 {strides = array<i32>} : memref<1280xi32, #tpu.memory_space<vmem>>, vector<16xi32>,
    %swap3A_66 = arith.constant 160 : index
    %swap3A_67 = tpu.vector_load %arg8[%swap3A_66] {strides = array<i32>} : memref<1280xi32, #tpu.memory_space<vmem>>, vector<16xi32>,
    tpu.vector_store %arg8[%swap3A_66], %broadcast_in_dim3A_9 {strides = array<i32>} : memref<1280xi32, #tpu.memory_space<vmem>>, vector<16xi32>,
    %swap3A_68 = arith.constant 176 : index
    %swap3A_69 = tpu.vector_load %arg7[%swap3A_68] {strides = array<i32>} : memref<1280xi32, #tpu.memory_space<vmem>>, vector<16xi32>,
    tpu.vector_store %arg7[%swap3A_68], %broadcast_in_dim3A_9 {strides = array<i32>} : memref<1280xi32, #tpu.memory_space<vmem>>, vector<16xi32>,
    %swap3A_70 = arith.constant 176 : index
    %swap3A_71 = tpu.vector_load %arg8[%swap3A_70] {strides = array<i32>} : memref<1280xi32, #tpu.memory_space<vmem>>, vector<16xi32>,
    tpu.vector_store %arg8[%swap3A_70], %broadcast_in_dim3A_9 {strides = array<i32>} : memref<1280xi32, #tpu.memory_space<vmem>>, vector<16xi32>,
    %swap3A_72 = arith.constant 192 : index
    %swap3A_73 = tpu.vector_load %arg7[%swap3A_72] {strides = array<i32>} : memref<1280xi32, #tpu.memory_space<vmem>>, vector<16xi32>,
    tpu.vector_store %arg7[%swap3A_72], %broadcast_in_dim3A_9 {strides = array<i32>} : memref<1280xi32, #tpu.memory_space<vmem>>, vector<16xi32>,
    %swap3A_74 = arith.constant 192 : index
    %swap3A_75 = tpu.vector_load %arg8[%swap3A_74] {strides = array<i32>} : memref<1280xi32, #tpu.memory_space<vmem>>, vector<16xi32>,
    tpu.vector_store %arg8[%swap3A_74], %broadcast_in_dim3A_9 {strides = array<i32>} : memref<1280xi32, #tpu.memory_space<vmem>>, vector<16xi32>,
    %swap3A_76 = arith.constant 208 : index
    %swap3A_77 = tpu.vector_load %arg7[%swap3A_76] {strides = array<i32>} : memref<1280xi32, #tpu.memory_space<vmem>>, vector<16xi32>,
    tpu.vector_store %arg7[%swap3A_76], %broadcast_in_dim3A_9 {strides = array<i32>} : memref<1280xi32, #tpu.memory_space<vmem>>, vector<16xi32>,
    %swap3A_78 = arith.constant 208 : index
    %swap3A_79 = tpu.vector_load %arg8[%swap3A_78] {strides = array<i32>} : memref<1280xi32, #tpu.memory_space<vmem>>, vector<16xi32>,
    tpu.vector_store %arg8[%swap3A_78], %broadcast_in_dim3A_9 {strides = array<i32>} : memref<1280xi32, #tpu.memory_space<vmem>>, vector<16xi32>,
    %swap3A_80 = arith.constant 224 : index
    %swap3A_81 = tpu.vector_load %arg7[%swap3A_80] {strides = array<i32>} : memref<1280xi32, #tpu.memory_space<vmem>>, vector<16xi32>,
    tpu.vector_store %arg7[%swap3A_80], %broadcast_in_dim3A_9 {strides = array<i32>} : memref<1280xi32, #tpu.memory_space<vmem>>, vector<16xi32>,
    %swap3A_82 = arith.constant 224 : index
    %swap3A_83 = tpu.vector_load %arg8[%swap3A_82] {strides = array<i32>} : memref<1280xi32, #tpu.memory_space<vmem>>, vector<16xi32>,
    tpu.vector_store %arg8[%swap3A_82], %broadcast_in_dim3A_9 {strides = array<i32>} : memref<1280xi32, #tpu.memory_space<vmem>>, vector<16xi32>,
    %swap3A_84 = arith.constant 240 : index
    %swap3A_85 = tpu.vector_load %arg7[%swap3A_84] {strides = array<i32>} : memref<1280xi32, #tpu.memory_space<vmem>>, vector<16xi32>,
    tpu.vector_store %arg7[%swap3A_84], %broadcast_in_dim3A_9 {strides = array<i32>} : memref<1280xi32, #tpu.memory_space<vmem>>, vector<16xi32>,
    %swap3A_86 = arith.constant 240 : index
    %swap3A_87 = tpu.vector_load %arg8[%swap3A_86] {strides = array<i32>} : memref<1280xi32, #tpu.memory_space<vmem>>, vector<16xi32>,
    tpu.vector_store %arg8[%swap3A_86], %broadcast_in_dim3A_9 {strides = array<i32>} : memref<1280xi32, #tpu.memory_space<vmem>>, vector<16xi32>,
    %swap3A_88 = arith.constant 256 : index
    %swap3A_89 = tpu.vector_load %arg7[%swap3A_88] {strides = array<i32>} : memref<1280xi32, #tpu.memory_space<vmem>>, vector<16xi32>,
    tpu.vector_store %arg7[%swap3A_88], %broadcast_in_dim3A_9 {strides = array<i32>} : memref<1280xi32, #tpu.memory_space<vmem>>, vector<16xi32>,
    %swap3A_90 = arith.constant 256 : index
    %swap3A_91 = tpu.vector_load %arg8[%swap3A_90] {strides = array<i32>} : memref<1280xi32, #tpu.memory_space<vmem>>, vector<16xi32>,
    tpu.vector_store %arg8[%swap3A_90], %broadcast_in_dim3A_9 {strides = array<i32>} : memref<1280xi32, #tpu.memory_space<vmem>>, vector<16xi32>,
    %swap3A_92 = arith.constant 272 : index
    %swap3A_93 = tpu.vector_load %arg7[%swap3A_92] {strides = array<i32>} : memref<1280xi32, #tpu.memory_space<vmem>>, vector<16xi32>,
    tpu.vector_store %arg7[%swap3A_92], %broadcast_in_dim3A_9 {strides = array<i32>} : memref<1280xi32, #tpu.memory_space<vmem>>, vector<16xi32>,
    %swap3A_94 = arith.constant 272 : index
    %swap3A_95 = tpu.vector_load %arg8[%swap3A_94] {strides = array<i32>} : memref<1280xi32, #tpu.memory_space<vmem>>, vector<16xi32>,
    tpu.vector_store %arg8[%swap3A_94], %broadcast_in_dim3A_9 {strides = array<i32>} : memref<1280xi32, #tpu.memory_space<vmem>>, vector<16xi32>,
    %swap3A_96 = arith.constant 288 : index
    %swap3A_97 = tpu.vector_load %arg7[%swap3A_96] {strides = array<i32>} : memref<1280xi32, #tpu.memory_space<vmem>>, vector<16xi32>,
    tpu.vector_store %arg7[%swap3A_96], %broadcast_in_dim3A_9 {strides = array<i32>} : memref<1280xi32, #tpu.memory_space<vmem>>, vector<16xi32>,
    %swap3A_98 = arith.constant 288 : index
    %swap3A_99 = tpu.vector_load %arg8[%swap3A_98] {strides = array<i32>} : memref<1280xi32, #tpu.memory_space<vmem>>, vector<16xi32>,
    tpu.vector_store %arg8[%swap3A_98], %broadcast_in_dim3A_9 {strides = array<i32>} : memref<1280xi32, #tpu.memory_space<vmem>>, vector<16xi32>,
    %swap3A_100 = arith.constant 304 : index
    %swap3A_101 = tpu.vector_load %arg7[%swap3A_100] {strides = array<i32>} : memref<1280xi32, #tpu.memory_space<vmem>>, vector<16xi32>,
    tpu.vector_store %arg7[%swap3A_100], %broadcast_in_dim3A_9 {strides = array<i32>} : memref<1280xi32, #tpu.memory_space<vmem>>, vector<16xi32>,
    %swap3A_102 = arith.constant 304 : index
    %swap3A_103 = tpu.vector_load %arg8[%swap3A_102] {strides = array<i32>} : memref<1280xi32, #tpu.memory_space<vmem>>, vector<16xi32>,
    tpu.vector_store %arg8[%swap3A_102], %broadcast_in_dim3A_9 {strides = array<i32>} : memref<1280xi32, #tpu.memory_space<vmem>>, vector<16xi32>,
    %swap3A_104 = arith.constant 320 : index
    %swap3A_105 = tpu.vector_load %arg7[%swap3A_104] {strides = array<i32>} : memref<1280xi32, #tpu.memory_space<vmem>>, vector<16xi32>,
    tpu.vector_store %arg7[%swap3A_104], %broadcast_in_dim3A_9 {strides = array<i32>} : memref<1280xi32, #tpu.memory_space<vmem>>, vector<16xi32>,
    %swap3A_106 = arith.constant 320 : index
    %swap3A_107 = tpu.vector_load %arg8[%swap3A_106] {strides = array<i32>} : memref<1280xi32, #tpu.memory_space<vmem>>, vector<16xi32>,
    tpu.vector_store %arg8[%swap3A_106], %broadcast_in_dim3A_9 {strides = array<i32>} : memref<1280xi32, #tpu.memory_space<vmem>>, vector<16xi32>,
    %swap3A_108 = arith.constant 336 : index
    %swap3A_109 = tpu.vector_load %arg7[%swap3A_108] {strides = array<i32>} : memref<1280xi32, #tpu.memory_space<vmem>>, vector<16xi32>,
    tpu.vector_store %arg7[%swap3A_108], %broadcast_in_dim3A_9 {strides = array<i32>} : memref<1280xi32, #tpu.memory_space<vmem>>, vector<16xi32>,
    %swap3A_110 = arith.constant 336 : index
    %swap3A_111 = tpu.vector_load %arg8[%swap3A_110] {strides = array<i32>} : memref<1280xi32, #tpu.memory_space<vmem>>, vector<16xi32>,
    tpu.vector_store %arg8[%swap3A_110], %broadcast_in_dim3A_9 {strides = array<i32>} : memref<1280xi32, #tpu.memory_space<vmem>>, vector<16xi32>,
    %swap3A_112 = arith.constant 352 : index
    %swap3A_113 = tpu.vector_load %arg7[%swap3A_112] {strides = array<i32>} : memref<1280xi32, #tpu.memory_space<vmem>>, vector<16xi32>,
    tpu.vector_store %arg7[%swap3A_112], %broadcast_in_dim3A_9 {strides = array<i32>} : memref<1280xi32, #tpu.memory_space<vmem>>, vector<16xi32>,
    %swap3A_114 = arith.constant 352 : index
    %swap3A_115 = tpu.vector_load %arg8[%swap3A_114] {strides = array<i32>} : memref<1280xi32, #tpu.memory_space<vmem>>, vector<16xi32>,
    tpu.vector_store %arg8[%swap3A_114], %broadcast_in_dim3A_9 {strides = array<i32>} : memref<1280xi32, #tpu.memory_space<vmem>>, vector<16xi32>,
    %swap3A_116 = arith.constant 368 : index
    %swap3A_117 = tpu.vector_load %arg7[%swap3A_116] {strides = array<i32>} : memref<1280xi32, #tpu.memory_space<vmem>>, vector<16xi32>,
    tpu.vector_store %arg7[%swap3A_116], %broadcast_in_dim3A_9 {strides = array<i32>} : memref<1280xi32, #tpu.memory_space<vmem>>, vector<16xi32>,
    %swap3A_118 = arith.constant 368 : index
    %swap3A_119 = tpu.vector_load %arg8[%swap3A_118] {strides = array<i32>} : memref<1280xi32, #tpu.memory_space<vmem>>, vector<16xi32>,
    tpu.vector_store %arg8[%swap3A_118], %broadcast_in_dim3A_9 {strides = array<i32>} : memref<1280xi32, #tpu.memory_space<vmem>>, vector<16xi32>,
    %swap3A_120 = arith.constant 384 : index
    %swap3A_121 = tpu.vector_load %arg7[%swap3A_120] {strides = array<i32>} : memref<1280xi32, #tpu.memory_space<vmem>>, vector<16xi32>,
    tpu.vector_store %arg7[%swap3A_120], %broadcast_in_dim3A_9 {strides = array<i32>} : memref<1280xi32, #tpu.memory_space<vmem>>, vector<16xi32>,
    %swap3A_122 = arith.constant 384 : index
    %swap3A_123 = tpu.vector_load %arg8[%swap3A_122] {strides = array<i32>} : memref<1280xi32, #tpu.memory_space<vmem>>, vector<16xi32>,
    tpu.vector_store %arg8[%swap3A_122], %broadcast_in_dim3A_9 {strides = array<i32>} : memref<1280xi32, #tpu.memory_space<vmem>>, vector<16xi32>,
    %swap3A_124 = arith.constant 400 : index
    %swap3A_125 = tpu.vector_load %arg7[%swap3A_124] {strides = array<i32>} : memref<1280xi32, #tpu.memory_space<vmem>>, vector<16xi32>,
    tpu.vector_store %arg7[%swap3A_124], %broadcast_in_dim3A_9 {strides = array<i32>} : memref<1280xi32, #tpu.memory_space<vmem>>, vector<16xi32>,
    %swap3A_126 = arith.constant 400 : index
    %swap3A_127 = tpu.vector_load %arg8[%swap3A_126] {strides = array<i32>} : memref<1280xi32, #tpu.memory_space<vmem>>, vector<16xi32>,
    tpu.vector_store %arg8[%swap3A_126], %broadcast_in_dim3A_9 {strides = array<i32>} : memref<1280xi32, #tpu.memory_space<vmem>>, vector<16xi32>,
    %swap3A_128 = arith.constant 416 : index
    %swap3A_129 = tpu.vector_load %arg7[%swap3A_128] {strides = array<i32>} : memref<1280xi32, #tpu.memory_space<vmem>>, vector<16xi32>,
    tpu.vector_store %arg7[%swap3A_128], %broadcast_in_dim3A_9 {strides = array<i32>} : memref<1280xi32, #tpu.memory_space<vmem>>, vector<16xi32>,
    %swap3A_130 = arith.constant 416 : index
    %swap3A_131 = tpu.vector_load %arg8[%swap3A_130] {strides = array<i32>} : memref<1280xi32, #tpu.memory_space<vmem>>, vector<16xi32>,
    tpu.vector_store %arg8[%swap3A_130], %broadcast_in_dim3A_9 {strides = array<i32>} : memref<1280xi32, #tpu.memory_space<vmem>>, vector<16xi32>,
    %swap3A_132 = arith.constant 432 : index
    %swap3A_133 = tpu.vector_load %arg7[%swap3A_132] {strides = array<i32>} : memref<1280xi32, #tpu.memory_space<vmem>>, vector<16xi32>,
    tpu.vector_store %arg7[%swap3A_132], %broadcast_in_dim3A_9 {strides = array<i32>} : memref<1280xi32, #tpu.memory_space<vmem>>, vector<16xi32>,
    %swap3A_134 = arith.constant 432 : index
    %swap3A_135 = tpu.vector_load %arg8[%swap3A_134] {strides = array<i32>} : memref<1280xi32, #tpu.memory_space<vmem>>, vector<16xi32>,
    tpu.vector_store %arg8[%swap3A_134], %broadcast_in_dim3A_9 {strides = array<i32>} : memref<1280xi32, #tpu.memory_space<vmem>>, vector<16xi32>,
    %swap3A_136 = arith.constant 448 : index
    %swap3A_137 = tpu.vector_load %arg7[%swap3A_136] {strides = array<i32>} : memref<1280xi32, #tpu.memory_space<vmem>>, vector<16xi32>,
    tpu.vector_store %arg7[%swap3A_136], %broadcast_in_dim3A_9 {strides = array<i32>} : memref<1280xi32, #tpu.memory_space<vmem>>, vector<16xi32>,
    %swap3A_138 = arith.constant 448 : index
    %swap3A_139 = tpu.vector_load %arg8[%swap3A_138] {strides = array<i32>} : memref<1280xi32, #tpu.memory_space<vmem>>, vector<16xi32>,
    tpu.vector_store %arg8[%swap3A_138], %broadcast_in_dim3A_9 {strides = array<i32>} : memref<1280xi32, #tpu.memory_space<vmem>>, vector<16xi32>,
    %swap3A_140 = arith.constant 464 : index
    %swap3A_141 = tpu.vector_load %arg7[%swap3A_140] {strides = array<i32>} : memref<1280xi32, #tpu.memory_space<vmem>>, vector<16xi32>,
    tpu.vector_store %arg7[%swap3A_140], %broadcast_in_dim3A_9 {strides = array<i32>} : memref<1280xi32, #tpu.memory_space<vmem>>, vector<16xi32>,
    %swap3A_142 = arith.constant 464 : index
    %swap3A_143 = tpu.vector_load %arg8[%swap3A_142] {strides = array<i32>} : memref<1280xi32, #tpu.memory_space<vmem>>, vector<16xi32>,
    tpu.vector_store %arg8[%swap3A_142], %broadcast_in_dim3A_9 {strides = array<i32>} : memref<1280xi32, #tpu.memory_space<vmem>>, vector<16xi32>,
    %swap3A_144 = arith.constant 480 : index
    %swap3A_145 = tpu.vector_load %arg7[%swap3A_144] {strides = array<i32>} : memref<1280xi32, #tpu.memory_space<vmem>>, vector<16xi32>,
    tpu.vector_store %arg7[%swap3A_144], %broadcast_in_dim3A_9 {strides = array<i32>} : memref<1280xi32, #tpu.memory_space<vmem>>, vector<16xi32>,
    %swap3A_146 = arith.constant 480 : index
    %swap3A_147 = tpu.vector_load %arg8[%swap3A_146] {strides = array<i32>} : memref<1280xi32, #tpu.memory_space<vmem>>, vector<16xi32>,
    tpu.vector_store %arg8[%swap3A_146], %broadcast_in_dim3A_9 {strides = array<i32>} : memref<1280xi32, #tpu.memory_space<vmem>>, vector<16xi32>,
    %swap3A_148 = arith.constant 496 : index
    %swap3A_149 = tpu.vector_load %arg7[%swap3A_148] {strides = array<i32>} : memref<1280xi32, #tpu.memory_space<vmem>>, vector<16xi32>,
    tpu.vector_store %arg7[%swap3A_148], %broadcast_in_dim3A_9 {strides = array<i32>} : memref<1280xi32, #tpu.memory_space<vmem>>, vector<16xi32>,
    %swap3A_150 = arith.constant 496 : index
    %swap3A_151 = tpu.vector_load %arg8[%swap3A_150] {strides = array<i32>} : memref<1280xi32, #tpu.memory_space<vmem>>, vector<16xi32>,
    tpu.vector_store %arg8[%swap3A_150], %broadcast_in_dim3A_9 {strides = array<i32>} : memref<1280xi32, #tpu.memory_space<vmem>>, vector<16xi32>,
    %swap3A_152 = arith.constant 512 : index
    %swap3A_153 = tpu.vector_load %arg7[%swap3A_152] {strides = array<i32>} : memref<1280xi32, #tpu.memory_space<vmem>>, vector<16xi32>,
    tpu.vector_store %arg7[%swap3A_152], %broadcast_in_dim3A_9 {strides = array<i32>} : memref<1280xi32, #tpu.memory_space<vmem>>, vector<16xi32>,
    %swap3A_154 = arith.constant 512 : index
    %swap3A_155 = tpu.vector_load %arg8[%swap3A_154] {strides = array<i32>} : memref<1280xi32, #tpu.memory_space<vmem>>, vector<16xi32>,
    tpu.vector_store %arg8[%swap3A_154], %broadcast_in_dim3A_9 {strides = array<i32>} : memref<1280xi32, #tpu.memory_space<vmem>>, vector<16xi32>,
    %swap3A_156 = arith.constant 528 : index
    %swap3A_157 = tpu.vector_load %arg7[%swap3A_156] {strides = array<i32>} : memref<1280xi32, #tpu.memory_space<vmem>>, vector<16xi32>,
    tpu.vector_store %arg7[%swap3A_156], %broadcast_in_dim3A_9 {strides = array<i32>} : memref<1280xi32, #tpu.memory_space<vmem>>, vector<16xi32>,
    %swap3A_158 = arith.constant 528 : index
    %swap3A_159 = tpu.vector_load %arg8[%swap3A_158] {strides = array<i32>} : memref<1280xi32, #tpu.memory_space<vmem>>, vector<16xi32>,
    tpu.vector_store %arg8[%swap3A_158], %broadcast_in_dim3A_9 {strides = array<i32>} : memref<1280xi32, #tpu.memory_space<vmem>>, vector<16xi32>,
    %swap3A_160 = arith.constant 544 : index
    %swap3A_161 = tpu.vector_load %arg7[%swap3A_160] {strides = array<i32>} : memref<1280xi32, #tpu.memory_space<vmem>>, vector<16xi32>,
    tpu.vector_store %arg7[%swap3A_160], %broadcast_in_dim3A_9 {strides = array<i32>} : memref<1280xi32, #tpu.memory_space<vmem>>, vector<16xi32>,
    %swap3A_162 = arith.constant 544 : index
    %swap3A_163 = tpu.vector_load %arg8[%swap3A_162] {strides = array<i32>} : memref<1280xi32, #tpu.memory_space<vmem>>, vector<16xi32>,
    tpu.vector_store %arg8[%swap3A_162], %broadcast_in_dim3A_9 {strides = array<i32>} : memref<1280xi32, #tpu.memory_space<vmem>>, vector<16xi32>,
    %swap3A_164 = arith.constant 560 : index
    %swap3A_165 = tpu.vector_load %arg7[%swap3A_164] {strides = array<i32>} : memref<1280xi32, #tpu.memory_space<vmem>>, vector<16xi32>,
    tpu.vector_store %arg7[%swap3A_164], %broadcast_in_dim3A_9 {strides = array<i32>} : memref<1280xi32, #tpu.memory_space<vmem>>, vector<16xi32>,
    %swap3A_166 = arith.constant 560 : index
    %swap3A_167 = tpu.vector_load %arg8[%swap3A_166] {strides = array<i32>} : memref<1280xi32, #tpu.memory_space<vmem>>, vector<16xi32>,
    tpu.vector_store %arg8[%swap3A_166], %broadcast_in_dim3A_9 {strides = array<i32>} : memref<1280xi32, #tpu.memory_space<vmem>>, vector<16xi32>,
    %swap3A_168 = arith.constant 576 : index
    %swap3A_169 = tpu.vector_load %arg7[%swap3A_168] {strides = array<i32>} : memref<1280xi32, #tpu.memory_space<vmem>>, vector<16xi32>,
    tpu.vector_store %arg7[%swap3A_168], %broadcast_in_dim3A_9 {strides = array<i32>} : memref<1280xi32, #tpu.memory_space<vmem>>, vector<16xi32>,
    %swap3A_170 = arith.constant 576 : index
    %swap3A_171 = tpu.vector_load %arg8[%swap3A_170] {strides = array<i32>} : memref<1280xi32, #tpu.memory_space<vmem>>, vector<16xi32>,
    tpu.vector_store %arg8[%swap3A_170], %broadcast_in_dim3A_9 {strides = array<i32>} : memref<1280xi32, #tpu.memory_space<vmem>>, vector<16xi32>,
    %swap3A_172 = arith.constant 592 : index
    %swap3A_173 = tpu.vector_load %arg7[%swap3A_172] {strides = array<i32>} : memref<1280xi32, #tpu.memory_space<vmem>>, vector<16xi32>,
    tpu.vector_store %arg7[%swap3A_172], %broadcast_in_dim3A_9 {strides = array<i32>} : memref<1280xi32, #tpu.memory_space<vmem>>, vector<16xi32>,
    %swap3A_174 = arith.constant 592 : index
    %swap3A_175 = tpu.vector_load %arg8[%swap3A_174] {strides = array<i32>} : memref<1280xi32, #tpu.memory_space<vmem>>, vector<16xi32>,
    tpu.vector_store %arg8[%swap3A_174], %broadcast_in_dim3A_9 {strides = array<i32>} : memref<1280xi32, #tpu.memory_space<vmem>>, vector<16xi32>,
    %swap3A_176 = arith.constant 608 : index
    %swap3A_177 = tpu.vector_load %arg7[%swap3A_176] {strides = array<i32>} : memref<1280xi32, #tpu.memory_space<vmem>>, vector<16xi32>,
    tpu.vector_store %arg7[%swap3A_176], %broadcast_in_dim3A_9 {strides = array<i32>} : memref<1280xi32, #tpu.memory_space<vmem>>, vector<16xi32>,
    %swap3A_178 = arith.constant 608 : index
    %swap3A_179 = tpu.vector_load %arg8[%swap3A_178] {strides = array<i32>} : memref<1280xi32, #tpu.memory_space<vmem>>, vector<16xi32>,
    tpu.vector_store %arg8[%swap3A_178], %broadcast_in_dim3A_9 {strides = array<i32>} : memref<1280xi32, #tpu.memory_space<vmem>>, vector<16xi32>,
    %swap3A_180 = arith.constant 624 : index
    %swap3A_181 = tpu.vector_load %arg7[%swap3A_180] {strides = array<i32>} : memref<1280xi32, #tpu.memory_space<vmem>>, vector<16xi32>,
    tpu.vector_store %arg7[%swap3A_180], %broadcast_in_dim3A_9 {strides = array<i32>} : memref<1280xi32, #tpu.memory_space<vmem>>, vector<16xi32>,
    %swap3A_182 = arith.constant 624 : index
    %swap3A_183 = tpu.vector_load %arg8[%swap3A_182] {strides = array<i32>} : memref<1280xi32, #tpu.memory_space<vmem>>, vector<16xi32>,
    tpu.vector_store %arg8[%swap3A_182], %broadcast_in_dim3A_9 {strides = array<i32>} : memref<1280xi32, #tpu.memory_space<vmem>>, vector<16xi32>,
    %swap3A_184 = arith.constant 640 : index
    %swap3A_185 = tpu.vector_load %arg7[%swap3A_184] {strides = array<i32>} : memref<1280xi32, #tpu.memory_space<vmem>>, vector<16xi32>,
    tpu.vector_store %arg7[%swap3A_184], %broadcast_in_dim3A_9 {strides = array<i32>} : memref<1280xi32, #tpu.memory_space<vmem>>, vector<16xi32>,
    %swap3A_186 = arith.constant 640 : index
    %swap3A_187 = tpu.vector_load %arg8[%swap3A_186] {strides = array<i32>} : memref<1280xi32, #tpu.memory_space<vmem>>, vector<16xi32>,
    tpu.vector_store %arg8[%swap3A_186], %broadcast_in_dim3A_9 {strides = array<i32>} : memref<1280xi32, #tpu.memory_space<vmem>>, vector<16xi32>,
    %swap3A_188 = arith.constant 656 : index
    %swap3A_189 = tpu.vector_load %arg7[%swap3A_188] {strides = array<i32>} : memref<1280xi32, #tpu.memory_space<vmem>>, vector<16xi32>,
    tpu.vector_store %arg7[%swap3A_188], %broadcast_in_dim3A_9 {strides = array<i32>} : memref<1280xi32, #tpu.memory_space<vmem>>, vector<16xi32>,
    %swap3A_190 = arith.constant 656 : index
    %swap3A_191 = tpu.vector_load %arg8[%swap3A_190] {strides = array<i32>} : memref<1280xi32, #tpu.memory_space<vmem>>, vector<16xi32>,
    tpu.vector_store %arg8[%swap3A_190], %broadcast_in_dim3A_9 {strides = array<i32>} : memref<1280xi32, #tpu.memory_space<vmem>>, vector<16xi32>,
    %swap3A_192 = arith.constant 672 : index
    %swap3A_193 = tpu.vector_load %arg7[%swap3A_192] {strides = array<i32>} : memref<1280xi32, #tpu.memory_space<vmem>>, vector<16xi32>,
    tpu.vector_store %arg7[%swap3A_192], %broadcast_in_dim3A_9 {strides = array<i32>} : memref<1280xi32, #tpu.memory_space<vmem>>, vector<16xi32>,
    %swap3A_194 = arith.constant 672 : index
    %swap3A_195 = tpu.vector_load %arg8[%swap3A_194] {strides = array<i32>} : memref<1280xi32, #tpu.memory_space<vmem>>, vector<16xi32>,
    tpu.vector_store %arg8[%swap3A_194], %broadcast_in_dim3A_9 {strides = array<i32>} : memref<1280xi32, #tpu.memory_space<vmem>>, vector<16xi32>,
    %swap3A_196 = arith.constant 688 : index
    %swap3A_197 = tpu.vector_load %arg7[%swap3A_196] {strides = array<i32>} : memref<1280xi32, #tpu.memory_space<vmem>>, vector<16xi32>,
    tpu.vector_store %arg7[%swap3A_196], %broadcast_in_dim3A_9 {strides = array<i32>} : memref<1280xi32, #tpu.memory_space<vmem>>, vector<16xi32>,
    %swap3A_198 = arith.constant 688 : index
    %swap3A_199 = tpu.vector_load %arg8[%swap3A_198] {strides = array<i32>} : memref<1280xi32, #tpu.memory_space<vmem>>, vector<16xi32>,
    tpu.vector_store %arg8[%swap3A_198], %broadcast_in_dim3A_9 {strides = array<i32>} : memref<1280xi32, #tpu.memory_space<vmem>>, vector<16xi32>,
    %swap3A_200 = arith.constant 704 : index
    %swap3A_201 = tpu.vector_load %arg7[%swap3A_200] {strides = array<i32>} : memref<1280xi32, #tpu.memory_space<vmem>>, vector<16xi32>,
    tpu.vector_store %arg7[%swap3A_200], %broadcast_in_dim3A_9 {strides = array<i32>} : memref<1280xi32, #tpu.memory_space<vmem>>, vector<16xi32>,
    %swap3A_202 = arith.constant 704 : index
    %swap3A_203 = tpu.vector_load %arg8[%swap3A_202] {strides = array<i32>} : memref<1280xi32, #tpu.memory_space<vmem>>, vector<16xi32>,
    tpu.vector_store %arg8[%swap3A_202], %broadcast_in_dim3A_9 {strides = array<i32>} : memref<1280xi32, #tpu.memory_space<vmem>>, vector<16xi32>,
    %swap3A_204 = arith.constant 720 : index
    %swap3A_205 = tpu.vector_load %arg7[%swap3A_204] {strides = array<i32>} : memref<1280xi32, #tpu.memory_space<vmem>>, vector<16xi32>,
    tpu.vector_store %arg7[%swap3A_204], %broadcast_in_dim3A_9 {strides = array<i32>} : memref<1280xi32, #tpu.memory_space<vmem>>, vector<16xi32>,
    %swap3A_206 = arith.constant 720 : index
    %swap3A_207 = tpu.vector_load %arg8[%swap3A_206] {strides = array<i32>} : memref<1280xi32, #tpu.memory_space<vmem>>, vector<16xi32>,
    tpu.vector_store %arg8[%swap3A_206], %broadcast_in_dim3A_9 {strides = array<i32>} : memref<1280xi32, #tpu.memory_space<vmem>>, vector<16xi32>,
    %swap3A_208 = arith.constant 736 : index
    %swap3A_209 = tpu.vector_load %arg7[%swap3A_208] {strides = array<i32>} : memref<1280xi32, #tpu.memory_space<vmem>>, vector<16xi32>,
    tpu.vector_store %arg7[%swap3A_208], %broadcast_in_dim3A_9 {strides = array<i32>} : memref<1280xi32, #tpu.memory_space<vmem>>, vector<16xi32>,
    %swap3A_210 = arith.constant 736 : index
    %swap3A_211 = tpu.vector_load %arg8[%swap3A_210] {strides = array<i32>} : memref<1280xi32, #tpu.memory_space<vmem>>, vector<16xi32>,
    tpu.vector_store %arg8[%swap3A_210], %broadcast_in_dim3A_9 {strides = array<i32>} : memref<1280xi32, #tpu.memory_space<vmem>>, vector<16xi32>,
    %swap3A_212 = arith.constant 752 : index
    %swap3A_213 = tpu.vector_load %arg7[%swap3A_212] {strides = array<i32>} : memref<1280xi32, #tpu.memory_space<vmem>>, vector<16xi32>,
    tpu.vector_store %arg7[%swap3A_212], %broadcast_in_dim3A_9 {strides = array<i32>} : memref<1280xi32, #tpu.memory_space<vmem>>, vector<16xi32>,
    %swap3A_214 = arith.constant 752 : index
    %swap3A_215 = tpu.vector_load %arg8[%swap3A_214] {strides = array<i32>} : memref<1280xi32, #tpu.memory_space<vmem>>, vector<16xi32>,
    tpu.vector_store %arg8[%swap3A_214], %broadcast_in_dim3A_9 {strides = array<i32>} : memref<1280xi32, #tpu.memory_space<vmem>>, vector<16xi32>,
    %swap3A_216 = arith.constant 768 : index
    %swap3A_217 = tpu.vector_load %arg7[%swap3A_216] {strides = array<i32>} : memref<1280xi32, #tpu.memory_space<vmem>>, vector<16xi32>,
    tpu.vector_store %arg7[%swap3A_216], %broadcast_in_dim3A_9 {strides = array<i32>} : memref<1280xi32, #tpu.memory_space<vmem>>, vector<16xi32>,
    %swap3A_218 = arith.constant 768 : index
    %swap3A_219 = tpu.vector_load %arg8[%swap3A_218] {strides = array<i32>} : memref<1280xi32, #tpu.memory_space<vmem>>, vector<16xi32>,
    tpu.vector_store %arg8[%swap3A_218], %broadcast_in_dim3A_9 {strides = array<i32>} : memref<1280xi32, #tpu.memory_space<vmem>>, vector<16xi32>,
    %swap3A_220 = arith.constant 784 : index
    %swap3A_221 = tpu.vector_load %arg7[%swap3A_220] {strides = array<i32>} : memref<1280xi32, #tpu.memory_space<vmem>>, vector<16xi32>,
    tpu.vector_store %arg7[%swap3A_220], %broadcast_in_dim3A_9 {strides = array<i32>} : memref<1280xi32, #tpu.memory_space<vmem>>, vector<16xi32>,
    %swap3A_222 = arith.constant 784 : index
    %swap3A_223 = tpu.vector_load %arg8[%swap3A_222] {strides = array<i32>} : memref<1280xi32, #tpu.memory_space<vmem>>, vector<16xi32>,
    tpu.vector_store %arg8[%swap3A_222], %broadcast_in_dim3A_9 {strides = array<i32>} : memref<1280xi32, #tpu.memory_space<vmem>>, vector<16xi32>,
    %swap3A_224 = arith.constant 800 : index
    %swap3A_225 = tpu.vector_load %arg7[%swap3A_224] {strides = array<i32>} : memref<1280xi32, #tpu.memory_space<vmem>>, vector<16xi32>,
    tpu.vector_store %arg7[%swap3A_224], %broadcast_in_dim3A_9 {strides = array<i32>} : memref<1280xi32, #tpu.memory_space<vmem>>, vector<16xi32>,
    %swap3A_226 = arith.constant 800 : index
    %swap3A_227 = tpu.vector_load %arg8[%swap3A_226] {strides = array<i32>} : memref<1280xi32, #tpu.memory_space<vmem>>, vector<16xi32>,
    tpu.vector_store %arg8[%swap3A_226], %broadcast_in_dim3A_9 {strides = array<i32>} : memref<1280xi32, #tpu.memory_space<vmem>>, vector<16xi32>,
    %swap3A_228 = arith.constant 816 : index
    %swap3A_229 = tpu.vector_load %arg7[%swap3A_228] {strides = array<i32>} : memref<1280xi32, #tpu.memory_space<vmem>>, vector<16xi32>,
    tpu.vector_store %arg7[%swap3A_228], %broadcast_in_dim3A_9 {strides = array<i32>} : memref<1280xi32, #tpu.memory_space<vmem>>, vector<16xi32>,
    %swap3A_230 = arith.constant 816 : index
    %swap3A_231 = tpu.vector_load %arg8[%swap3A_230] {strides = array<i32>} : memref<1280xi32, #tpu.memory_space<vmem>>, vector<16xi32>,
    tpu.vector_store %arg8[%swap3A_230], %broadcast_in_dim3A_9 {strides = array<i32>} : memref<1280xi32, #tpu.memory_space<vmem>>, vector<16xi32>,
    %swap3A_232 = arith.constant 832 : index
    %swap3A_233 = tpu.vector_load %arg7[%swap3A_232] {strides = array<i32>} : memref<1280xi32, #tpu.memory_space<vmem>>, vector<16xi32>,
    tpu.vector_store %arg7[%swap3A_232], %broadcast_in_dim3A_9 {strides = array<i32>} : memref<1280xi32, #tpu.memory_space<vmem>>, vector<16xi32>,
    %swap3A_234 = arith.constant 832 : index
    %swap3A_235 = tpu.vector_load %arg8[%swap3A_234] {strides = array<i32>} : memref<1280xi32, #tpu.memory_space<vmem>>, vector<16xi32>,
    tpu.vector_store %arg8[%swap3A_234], %broadcast_in_dim3A_9 {strides = array<i32>} : memref<1280xi32, #tpu.memory_space<vmem>>, vector<16xi32>,
    %swap3A_236 = arith.constant 848 : index
    %swap3A_237 = tpu.vector_load %arg7[%swap3A_236] {strides = array<i32>} : memref<1280xi32, #tpu.memory_space<vmem>>, vector<16xi32>,
    tpu.vector_store %arg7[%swap3A_236], %broadcast_in_dim3A_9 {strides = array<i32>} : memref<1280xi32, #tpu.memory_space<vmem>>, vector<16xi32>,
    %swap3A_238 = arith.constant 848 : index
    %swap3A_239 = tpu.vector_load %arg8[%swap3A_238] {strides = array<i32>} : memref<1280xi32, #tpu.memory_space<vmem>>, vector<16xi32>,
    tpu.vector_store %arg8[%swap3A_238], %broadcast_in_dim3A_9 {strides = array<i32>} : memref<1280xi32, #tpu.memory_space<vmem>>, vector<16xi32>,
    %swap3A_240 = arith.constant 864 : index
    %swap3A_241 = tpu.vector_load %arg7[%swap3A_240] {strides = array<i32>} : memref<1280xi32, #tpu.memory_space<vmem>>, vector<16xi32>,
    tpu.vector_store %arg7[%swap3A_240], %broadcast_in_dim3A_9 {strides = array<i32>} : memref<1280xi32, #tpu.memory_space<vmem>>, vector<16xi32>,
    %swap3A_242 = arith.constant 864 : index
    %swap3A_243 = tpu.vector_load %arg8[%swap3A_242] {strides = array<i32>} : memref<1280xi32, #tpu.memory_space<vmem>>, vector<16xi32>,
    tpu.vector_store %arg8[%swap3A_242], %broadcast_in_dim3A_9 {strides = array<i32>} : memref<1280xi32, #tpu.memory_space<vmem>>, vector<16xi32>,
    %swap3A_244 = arith.constant 880 : index
    %swap3A_245 = tpu.vector_load %arg7[%swap3A_244] {strides = array<i32>} : memref<1280xi32, #tpu.memory_space<vmem>>, vector<16xi32>,
    tpu.vector_store %arg7[%swap3A_244], %broadcast_in_dim3A_9 {strides = array<i32>} : memref<1280xi32, #tpu.memory_space<vmem>>, vector<16xi32>,
    %swap3A_246 = arith.constant 880 : index
    %swap3A_247 = tpu.vector_load %arg8[%swap3A_246] {strides = array<i32>} : memref<1280xi32, #tpu.memory_space<vmem>>, vector<16xi32>,
    tpu.vector_store %arg8[%swap3A_246], %broadcast_in_dim3A_9 {strides = array<i32>} : memref<1280xi32, #tpu.memory_space<vmem>>, vector<16xi32>,
    %swap3A_248 = arith.constant 896 : index
    %swap3A_249 = tpu.vector_load %arg7[%swap3A_248] {strides = array<i32>} : memref<1280xi32, #tpu.memory_space<vmem>>, vector<16xi32>,
    tpu.vector_store %arg7[%swap3A_248], %broadcast_in_dim3A_9 {strides = array<i32>} : memref<1280xi32, #tpu.memory_space<vmem>>, vector<16xi32>,
    %swap3A_250 = arith.constant 896 : index
    %swap3A_251 = tpu.vector_load %arg8[%swap3A_250] {strides = array<i32>} : memref<1280xi32, #tpu.memory_space<vmem>>, vector<16xi32>,
    tpu.vector_store %arg8[%swap3A_250], %broadcast_in_dim3A_9 {strides = array<i32>} : memref<1280xi32, #tpu.memory_space<vmem>>, vector<16xi32>,
    %swap3A_252 = arith.constant 912 : index
    %swap3A_253 = tpu.vector_load %arg7[%swap3A_252] {strides = array<i32>} : memref<1280xi32, #tpu.memory_space<vmem>>, vector<16xi32>,
    tpu.vector_store %arg7[%swap3A_252], %broadcast_in_dim3A_9 {strides = array<i32>} : memref<1280xi32, #tpu.memory_space<vmem>>, vector<16xi32>,
    %swap3A_254 = arith.constant 912 : index
    %swap3A_255 = tpu.vector_load %arg8[%swap3A_254] {strides = array<i32>} : memref<1280xi32, #tpu.memory_space<vmem>>, vector<16xi32>,
    tpu.vector_store %arg8[%swap3A_254], %broadcast_in_dim3A_9 {strides = array<i32>} : memref<1280xi32, #tpu.memory_space<vmem>>, vector<16xi32>,
    %swap3A_256 = arith.constant 928 : index
    %swap3A_257 = tpu.vector_load %arg7[%swap3A_256] {strides = array<i32>} : memref<1280xi32, #tpu.memory_space<vmem>>, vector<16xi32>,
    tpu.vector_store %arg7[%swap3A_256], %broadcast_in_dim3A_9 {strides = array<i32>} : memref<1280xi32, #tpu.memory_space<vmem>>, vector<16xi32>,
    %swap3A_258 = arith.constant 928 : index
    %swap3A_259 = tpu.vector_load %arg8[%swap3A_258] {strides = array<i32>} : memref<1280xi32, #tpu.memory_space<vmem>>, vector<16xi32>,
    tpu.vector_store %arg8[%swap3A_258], %broadcast_in_dim3A_9 {strides = array<i32>} : memref<1280xi32, #tpu.memory_space<vmem>>, vector<16xi32>,
    %swap3A_260 = arith.constant 944 : index
    %swap3A_261 = tpu.vector_load %arg7[%swap3A_260] {strides = array<i32>} : memref<1280xi32, #tpu.memory_space<vmem>>, vector<16xi32>,
    tpu.vector_store %arg7[%swap3A_260], %broadcast_in_dim3A_9 {strides = array<i32>} : memref<1280xi32, #tpu.memory_space<vmem>>, vector<16xi32>,
    %swap3A_262 = arith.constant 944 : index
    %swap3A_263 = tpu.vector_load %arg8[%swap3A_262] {strides = array<i32>} : memref<1280xi32, #tpu.memory_space<vmem>>, vector<16xi32>,
    tpu.vector_store %arg8[%swap3A_262], %broadcast_in_dim3A_9 {strides = array<i32>} : memref<1280xi32, #tpu.memory_space<vmem>>, vector<16xi32>,
    %swap3A_264 = arith.constant 960 : index
    %swap3A_265 = tpu.vector_load %arg7[%swap3A_264] {strides = array<i32>} : memref<1280xi32, #tpu.memory_space<vmem>>, vector<16xi32>,
    tpu.vector_store %arg7[%swap3A_264], %broadcast_in_dim3A_9 {strides = array<i32>} : memref<1280xi32, #tpu.memory_space<vmem>>, vector<16xi32>,
    %swap3A_266 = arith.constant 960 : index
    %swap3A_267 = tpu.vector_load %arg8[%swap3A_266] {strides = array<i32>} : memref<1280xi32, #tpu.memory_space<vmem>>, vector<16xi32>,
    tpu.vector_store %arg8[%swap3A_266], %broadcast_in_dim3A_9 {strides = array<i32>} : memref<1280xi32, #tpu.memory_space<vmem>>, vector<16xi32>,
    %swap3A_268 = arith.constant 976 : index
    %swap3A_269 = tpu.vector_load %arg7[%swap3A_268] {strides = array<i32>} : memref<1280xi32, #tpu.memory_space<vmem>>, vector<16xi32>,
    tpu.vector_store %arg7[%swap3A_268], %broadcast_in_dim3A_9 {strides = array<i32>} : memref<1280xi32, #tpu.memory_space<vmem>>, vector<16xi32>,
    %swap3A_270 = arith.constant 976 : index
    %swap3A_271 = tpu.vector_load %arg8[%swap3A_270] {strides = array<i32>} : memref<1280xi32, #tpu.memory_space<vmem>>, vector<16xi32>,
    tpu.vector_store %arg8[%swap3A_270], %broadcast_in_dim3A_9 {strides = array<i32>} : memref<1280xi32, #tpu.memory_space<vmem>>, vector<16xi32>,
    %swap3A_272 = arith.constant 992 : index
    %swap3A_273 = tpu.vector_load %arg7[%swap3A_272] {strides = array<i32>} : memref<1280xi32, #tpu.memory_space<vmem>>, vector<16xi32>,
    tpu.vector_store %arg7[%swap3A_272], %broadcast_in_dim3A_9 {strides = array<i32>} : memref<1280xi32, #tpu.memory_space<vmem>>, vector<16xi32>,
    %swap3A_274 = arith.constant 992 : index
    %swap3A_275 = tpu.vector_load %arg8[%swap3A_274] {strides = array<i32>} : memref<1280xi32, #tpu.memory_space<vmem>>, vector<16xi32>,
    tpu.vector_store %arg8[%swap3A_274], %broadcast_in_dim3A_9 {strides = array<i32>} : memref<1280xi32, #tpu.memory_space<vmem>>, vector<16xi32>,
    %swap3A_276 = arith.constant 1008 : index
    %swap3A_277 = tpu.vector_load %arg7[%swap3A_276] {strides = array<i32>} : memref<1280xi32, #tpu.memory_space<vmem>>, vector<16xi32>,
    tpu.vector_store %arg7[%swap3A_276], %broadcast_in_dim3A_9 {strides = array<i32>} : memref<1280xi32, #tpu.memory_space<vmem>>, vector<16xi32>,
    %swap3A_278 = arith.constant 1008 : index
    %swap3A_279 = tpu.vector_load %arg8[%swap3A_278] {strides = array<i32>} : memref<1280xi32, #tpu.memory_space<vmem>>, vector<16xi32>,
    tpu.vector_store %arg8[%swap3A_278], %broadcast_in_dim3A_9 {strides = array<i32>} : memref<1280xi32, #tpu.memory_space<vmem>>, vector<16xi32>,
    %swap3A_280 = arith.constant 1024 : index
    %swap3A_281 = tpu.vector_load %arg7[%swap3A_280] {strides = array<i32>} : memref<1280xi32, #tpu.memory_space<vmem>>, vector<16xi32>,
    tpu.vector_store %arg7[%swap3A_280], %broadcast_in_dim3A_9 {strides = array<i32>} : memref<1280xi32, #tpu.memory_space<vmem>>, vector<16xi32>,
    %swap3A_282 = arith.constant 1024 : index
    %swap3A_283 = tpu.vector_load %arg8[%swap3A_282] {strides = array<i32>} : memref<1280xi32, #tpu.memory_space<vmem>>, vector<16xi32>,
    tpu.vector_store %arg8[%swap3A_282], %broadcast_in_dim3A_9 {strides = array<i32>} : memref<1280xi32, #tpu.memory_space<vmem>>, vector<16xi32>,
    %swap3A_284 = arith.constant 1040 : index
    %swap3A_285 = tpu.vector_load %arg7[%swap3A_284] {strides = array<i32>} : memref<1280xi32, #tpu.memory_space<vmem>>, vector<16xi32>,
    tpu.vector_store %arg7[%swap3A_284], %broadcast_in_dim3A_9 {strides = array<i32>} : memref<1280xi32, #tpu.memory_space<vmem>>, vector<16xi32>,
    %swap3A_286 = arith.constant 1040 : index
    %swap3A_287 = tpu.vector_load %arg8[%swap3A_286] {strides = array<i32>} : memref<1280xi32, #tpu.memory_space<vmem>>, vector<16xi32>,
    tpu.vector_store %arg8[%swap3A_286], %broadcast_in_dim3A_9 {strides = array<i32>} : memref<1280xi32, #tpu.memory_space<vmem>>, vector<16xi32>,
    %swap3A_288 = arith.constant 1056 : index
    %swap3A_289 = tpu.vector_load %arg7[%swap3A_288] {strides = array<i32>} : memref<1280xi32, #tpu.memory_space<vmem>>, vector<16xi32>,
    tpu.vector_store %arg7[%swap3A_288], %broadcast_in_dim3A_9 {strides = array<i32>} : memref<1280xi32, #tpu.memory_space<vmem>>, vector<16xi32>,
    %swap3A_290 = arith.constant 1056 : index
    %swap3A_291 = tpu.vector_load %arg8[%swap3A_290] {strides = array<i32>} : memref<1280xi32, #tpu.memory_space<vmem>>, vector<16xi32>,
    tpu.vector_store %arg8[%swap3A_290], %broadcast_in_dim3A_9 {strides = array<i32>} : memref<1280xi32, #tpu.memory_space<vmem>>, vector<16xi32>,
    %swap3A_292 = arith.constant 1072 : index
    %swap3A_293 = tpu.vector_load %arg7[%swap3A_292] {strides = array<i32>} : memref<1280xi32, #tpu.memory_space<vmem>>, vector<16xi32>,
    tpu.vector_store %arg7[%swap3A_292], %broadcast_in_dim3A_9 {strides = array<i32>} : memref<1280xi32, #tpu.memory_space<vmem>>, vector<16xi32>,
    %swap3A_294 = arith.constant 1072 : index
    %swap3A_295 = tpu.vector_load %arg8[%swap3A_294] {strides = array<i32>} : memref<1280xi32, #tpu.memory_space<vmem>>, vector<16xi32>,
    tpu.vector_store %arg8[%swap3A_294], %broadcast_in_dim3A_9 {strides = array<i32>} : memref<1280xi32, #tpu.memory_space<vmem>>, vector<16xi32>,
    %swap3A_296 = arith.constant 1088 : index
    %swap3A_297 = tpu.vector_load %arg7[%swap3A_296] {strides = array<i32>} : memref<1280xi32, #tpu.memory_space<vmem>>, vector<16xi32>,
    tpu.vector_store %arg7[%swap3A_296], %broadcast_in_dim3A_9 {strides = array<i32>} : memref<1280xi32, #tpu.memory_space<vmem>>, vector<16xi32>,
    %swap3A_298 = arith.constant 1088 : index
    %swap3A_299 = tpu.vector_load %arg8[%swap3A_298] {strides = array<i32>} : memref<1280xi32, #tpu.memory_space<vmem>>, vector<16xi32>,
    tpu.vector_store %arg8[%swap3A_298], %broadcast_in_dim3A_9 {strides = array<i32>} : memref<1280xi32, #tpu.memory_space<vmem>>, vector<16xi32>,
    %swap3A_300 = arith.constant 1104 : index
    %swap3A_301 = tpu.vector_load %arg7[%swap3A_300] {strides = array<i32>} : memref<1280xi32, #tpu.memory_space<vmem>>, vector<16xi32>,
    tpu.vector_store %arg7[%swap3A_300], %broadcast_in_dim3A_9 {strides = array<i32>} : memref<1280xi32, #tpu.memory_space<vmem>>, vector<16xi32>,
    %swap3A_302 = arith.constant 1104 : index
    %swap3A_303 = tpu.vector_load %arg8[%swap3A_302] {strides = array<i32>} : memref<1280xi32, #tpu.memory_space<vmem>>, vector<16xi32>,
    tpu.vector_store %arg8[%swap3A_302], %broadcast_in_dim3A_9 {strides = array<i32>} : memref<1280xi32, #tpu.memory_space<vmem>>, vector<16xi32>,
    %swap3A_304 = arith.constant 1120 : index
    %swap3A_305 = tpu.vector_load %arg7[%swap3A_304] {strides = array<i32>} : memref<1280xi32, #tpu.memory_space<vmem>>, vector<16xi32>,
    tpu.vector_store %arg7[%swap3A_304], %broadcast_in_dim3A_9 {strides = array<i32>} : memref<1280xi32, #tpu.memory_space<vmem>>, vector<16xi32>,
    %swap3A_306 = arith.constant 1120 : index
    %swap3A_307 = tpu.vector_load %arg8[%swap3A_306] {strides = array<i32>} : memref<1280xi32, #tpu.memory_space<vmem>>, vector<16xi32>,
    tpu.vector_store %arg8[%swap3A_306], %broadcast_in_dim3A_9 {strides = array<i32>} : memref<1280xi32, #tpu.memory_space<vmem>>, vector<16xi32>,
    %swap3A_308 = arith.constant 1136 : index
    %swap3A_309 = tpu.vector_load %arg7[%swap3A_308] {strides = array<i32>} : memref<1280xi32, #tpu.memory_space<vmem>>, vector<16xi32>,
    tpu.vector_store %arg7[%swap3A_308], %broadcast_in_dim3A_9 {strides = array<i32>} : memref<1280xi32, #tpu.memory_space<vmem>>, vector<16xi32>,
    %swap3A_310 = arith.constant 1136 : index
    %swap3A_311 = tpu.vector_load %arg8[%swap3A_310] {strides = array<i32>} : memref<1280xi32, #tpu.memory_space<vmem>>, vector<16xi32>,
    tpu.vector_store %arg8[%swap3A_310], %broadcast_in_dim3A_9 {strides = array<i32>} : memref<1280xi32, #tpu.memory_space<vmem>>, vector<16xi32>,
    %swap3A_312 = arith.constant 1152 : index
    %swap3A_313 = tpu.vector_load %arg7[%swap3A_312] {strides = array<i32>} : memref<1280xi32, #tpu.memory_space<vmem>>, vector<16xi32>,
    tpu.vector_store %arg7[%swap3A_312], %broadcast_in_dim3A_9 {strides = array<i32>} : memref<1280xi32, #tpu.memory_space<vmem>>, vector<16xi32>,
    %swap3A_314 = arith.constant 1152 : index
    %swap3A_315 = tpu.vector_load %arg8[%swap3A_314] {strides = array<i32>} : memref<1280xi32, #tpu.memory_space<vmem>>, vector<16xi32>,
    tpu.vector_store %arg8[%swap3A_314], %broadcast_in_dim3A_9 {strides = array<i32>} : memref<1280xi32, #tpu.memory_space<vmem>>, vector<16xi32>,
    %swap3A_316 = arith.constant 1168 : index
    %swap3A_317 = tpu.vector_load %arg7[%swap3A_316] {strides = array<i32>} : memref<1280xi32, #tpu.memory_space<vmem>>, vector<16xi32>,
    tpu.vector_store %arg7[%swap3A_316], %broadcast_in_dim3A_9 {strides = array<i32>} : memref<1280xi32, #tpu.memory_space<vmem>>, vector<16xi32>,
    %swap3A_318 = arith.constant 1168 : index
    %swap3A_319 = tpu.vector_load %arg8[%swap3A_318] {strides = array<i32>} : memref<1280xi32, #tpu.memory_space<vmem>>, vector<16xi32>,
    tpu.vector_store %arg8[%swap3A_318], %broadcast_in_dim3A_9 {strides = array<i32>} : memref<1280xi32, #tpu.memory_space<vmem>>, vector<16xi32>,
    %swap3A_320 = arith.constant 1184 : index
    %swap3A_321 = tpu.vector_load %arg7[%swap3A_320] {strides = array<i32>} : memref<1280xi32, #tpu.memory_space<vmem>>, vector<16xi32>,
    tpu.vector_store %arg7[%swap3A_320], %broadcast_in_dim3A_9 {strides = array<i32>} : memref<1280xi32, #tpu.memory_space<vmem>>, vector<16xi32>,
    %swap3A_322 = arith.constant 1184 : index
    %swap3A_323 = tpu.vector_load %arg8[%swap3A_322] {strides = array<i32>} : memref<1280xi32, #tpu.memory_space<vmem>>, vector<16xi32>,
    tpu.vector_store %arg8[%swap3A_322], %broadcast_in_dim3A_9 {strides = array<i32>} : memref<1280xi32, #tpu.memory_space<vmem>>, vector<16xi32>,
    %swap3A_324 = arith.constant 1200 : index
    %swap3A_325 = tpu.vector_load %arg7[%swap3A_324] {strides = array<i32>} : memref<1280xi32, #tpu.memory_space<vmem>>, vector<16xi32>,
    tpu.vector_store %arg7[%swap3A_324], %broadcast_in_dim3A_9 {strides = array<i32>} : memref<1280xi32, #tpu.memory_space<vmem>>, vector<16xi32>,
    %swap3A_326 = arith.constant 1200 : index
    %swap3A_327 = tpu.vector_load %arg8[%swap3A_326] {strides = array<i32>} : memref<1280xi32, #tpu.memory_space<vmem>>, vector<16xi32>,
    tpu.vector_store %arg8[%swap3A_326], %broadcast_in_dim3A_9 {strides = array<i32>} : memref<1280xi32, #tpu.memory_space<vmem>>, vector<16xi32>,
    %swap3A_328 = arith.constant 1216 : index
    %swap3A_329 = tpu.vector_load %arg7[%swap3A_328] {strides = array<i32>} : memref<1280xi32, #tpu.memory_space<vmem>>, vector<16xi32>,
    tpu.vector_store %arg7[%swap3A_328], %broadcast_in_dim3A_9 {strides = array<i32>} : memref<1280xi32, #tpu.memory_space<vmem>>, vector<16xi32>,
    %swap3A_330 = arith.constant 1216 : index
    %swap3A_331 = tpu.vector_load %arg8[%swap3A_330] {strides = array<i32>} : memref<1280xi32, #tpu.memory_space<vmem>>, vector<16xi32>,
    tpu.vector_store %arg8[%swap3A_330], %broadcast_in_dim3A_9 {strides = array<i32>} : memref<1280xi32, #tpu.memory_space<vmem>>, vector<16xi32>,
    %swap3A_332 = arith.constant 1232 : index
    %swap3A_333 = tpu.vector_load %arg7[%swap3A_332] {strides = array<i32>} : memref<1280xi32, #tpu.memory_space<vmem>>, vector<16xi32>,
    tpu.vector_store %arg7[%swap3A_332], %broadcast_in_dim3A_9 {strides = array<i32>} : memref<1280xi32, #tpu.memory_space<vmem>>, vector<16xi32>,
    %swap3A_334 = arith.constant 1232 : index
    %swap3A_335 = tpu.vector_load %arg8[%swap3A_334] {strides = array<i32>} : memref<1280xi32, #tpu.memory_space<vmem>>, vector<16xi32>,
    tpu.vector_store %arg8[%swap3A_334], %broadcast_in_dim3A_9 {strides = array<i32>} : memref<1280xi32, #tpu.memory_space<vmem>>, vector<16xi32>,
    %swap3A_336 = arith.constant 1248 : index
    %swap3A_337 = tpu.vector_load %arg7[%swap3A_336] {strides = array<i32>} : memref<1280xi32, #tpu.memory_space<vmem>>, vector<16xi32>,
    tpu.vector_store %arg7[%swap3A_336], %broadcast_in_dim3A_9 {strides = array<i32>} : memref<1280xi32, #tpu.memory_space<vmem>>, vector<16xi32>,
    %swap3A_338 = arith.constant 1248 : index
    %swap3A_339 = tpu.vector_load %arg8[%swap3A_338] {strides = array<i32>} : memref<1280xi32, #tpu.memory_space<vmem>>, vector<16xi32>,
    tpu.vector_store %arg8[%swap3A_338], %broadcast_in_dim3A_9 {strides = array<i32>} : memref<1280xi32, #tpu.memory_space<vmem>>, vector<16xi32>,
    %swap3A_340 = arith.constant 1264 : index
    %swap3A_341 = tpu.vector_load %arg7[%swap3A_340] {strides = array<i32>} : memref<1280xi32, #tpu.memory_space<vmem>>, vector<16xi32>,
    tpu.vector_store %arg7[%swap3A_340], %broadcast_in_dim3A_9 {strides = array<i32>} : memref<1280xi32, #tpu.memory_space<vmem>>, vector<16xi32>,
    %swap3A_342 = arith.constant 1264 : index
    %swap3A_343 = tpu.vector_load %arg8[%swap3A_342] {strides = array<i32>} : memref<1280xi32, #tpu.memory_space<vmem>>, vector<16xi32>,
    tpu.vector_store %arg8[%swap3A_342], %broadcast_in_dim3A_9 {strides = array<i32>} : memref<1280xi32, #tpu.memory_space<vmem>>, vector<16xi32>,
    %dma_start3A = arith.constant 0 : i32
    %dma_start3A_344 = tpu.memref_slice %arg2[%mul3A_2, %dma_start3A] : memref<4096x32768xf32, #tpu.memory_space<hbm>> -> memref<1x32768xf32, #tpu.memory_space<hbm>>
    %dma_start3A_345 = tpu.memref_squeeze %dma_start3A_344 : memref<1x32768xf32, #tpu.memory_space<hbm>> -> memref<32768xf32, #tpu.memory_space<hbm>>
    %dma_start3A_346 = arith.constant 0 : i32
    %dma_start3A_347 = tpu.memref_slice %arg2[%mul3A_2, %dma_start3A_346] : memref<4096x32768xf32, #tpu.memory_space<hbm>> -> memref<1x32768xf32, #tpu.memory_space<hbm>>
    %dma_start3A_348 = tpu.memref_squeeze %dma_start3A_347 : memref<1x32768xf32, #tpu.memory_space<hbm>> -> memref<32768xf32, #tpu.memory_space<hbm>>
    tpu.enqueue_dma source(%dma_start3A_348 : memref<32768xf32, #tpu.memory_space<hbm>>) target(%arg4 : memref<32768xf32, #tpu.memory_space<vmem>>) target_semaphore(%arg11 : memref<!tpu.dma_semaphore, #tpu.memory_space<semaphore_mem>>)
    %add3A_349 = arith.constant 1 : i32
    %add3A_350 = arith.addi %mul3A_2, %add3A_349 : i32
    %dma_start3A_351 = arith.constant 0 : i32
    %dma_start3A_352 = tpu.memref_slice %arg2[%add3A_350, %dma_start3A_351] : memref<4096x32768xf32, #tpu.memory_space<hbm>> -> memref<1x32768xf32, #tpu.memory_space<hbm>>
    %dma_start3A_353 = tpu.memref_squeeze %dma_start3A_352 : memref<1x32768xf32, #tpu.memory_space<hbm>> -> memref<32768xf32, #tpu.memory_space<hbm>>
    %dma_start3A_354 = arith.constant 0 : i32
    %dma_start3A_355 = tpu.memref_slice %arg2[%add3A_350, %dma_start3A_354] : memref<4096x32768xf32, #tpu.memory_space<hbm>> -> memref<1x32768xf32, #tpu.memory_space<hbm>>
    %dma_start3A_356 = tpu.memref_squeeze %dma_start3A_355 : memref<1x32768xf32, #tpu.memory_space<hbm>> -> memref<32768xf32, #tpu.memory_space<hbm>>
    tpu.enqueue_dma source(%dma_start3A_356 : memref<32768xf32, #tpu.memory_space<hbm>>) target(%arg5 : memref<32768xf32, #tpu.memory_space<vmem>>) target_semaphore(%arg12 : memref<!tpu.dma_semaphore, #tpu.memory_space<semaphore_mem>>)
    %broadcast_in_dim3A_357 = arith.constant 1.000000e+00 : f32
    %broadcast_in_dim3A_358 = vector.broadcast %broadcast_in_dim3A_357 : f32 to vector<16xf32>
    %scan3A_359 = arith.constant 0 : i32
    %scan3A_360 = arith.constant 0 : i32
    %scan3A_361 = arith.constant 64 : i32
    %scan3A_362 = arith.addi %scan3A_360, %scan3A_361 : i32
    %scan3A_363 = arith.constant 1 : i32
    %scan3A_364:2 = scf.for %scan3A_371 = %scan3A_360 to %scan3A_362 step %scan3A_363 iter_args(%scan3A_372 = %broadcast_in_dim3A_358, %scan3A_373 = %scan3A_359) -> (vector<16xf32>, i32)  : i32 {
      %mul3A_374 = arith.constant 2 : i32
      %mul3A_375 = arith.muli %mul3A_374, %scan3A_371 : i32
      %add3A_376 = arith.addi %mul3A_2, %mul3A_375 : i32
      %add3A_377 = arith.constant 0 : i32
      %add3A_378 = arith.addi %add3A_376, %add3A_377 : i32
      %dma_wait3A_379 = arith.constant 0 : i32
      %dma_wait3A_380 = tpu.memref_slice %arg2[%mul3A_2, %dma_wait3A_379] : memref<4096x32768xf32, #tpu.memory_space<hbm>> -> memref<1x32768xf32, #tpu.memory_space<hbm>>
      %dma_wait3A_381 = tpu.memref_squeeze %dma_wait3A_380 : memref<1x32768xf32, #tpu.memory_space<hbm>> -> memref<32768xf32, #tpu.memory_space<hbm>>
      %dma_wait3A_382 = arith.constant 0 : i32
      %dma_wait3A_383 = tpu.memref_slice %arg2[%mul3A_2, %dma_wait3A_382] : memref<4096x32768xf32, #tpu.memory_space<hbm>> -> memref<1x32768xf32, #tpu.memory_space<hbm>>
      %dma_wait3A_384 = tpu.memref_squeeze %dma_wait3A_383 : memref<1x32768xf32, #tpu.memory_space<hbm>> -> memref<32768xf32, #tpu.memory_space<hbm>>
      tpu.wait_dma2 semaphore(%arg11 : memref<!tpu.dma_semaphore, #tpu.memory_space<semaphore_mem>>) src(%dma_wait3A_384 : memref<32768xf32, #tpu.memory_space<hbm>>) dst(%arg4 : memref<32768xf32, #tpu.memory_space<vmem>>)
      %scan3A_385 = arith.constant 0 : i32
      %scan3A_386 = arith.constant 128 : i32
      %scan3A_387 = arith.addi %scan3A_385, %scan3A_386 : i32
      %scan3A_388 = arith.constant 1 : i32
      %scan3A_389:4 = scf.for %scan3A_649 = %scan3A_385 to %scan3A_387 step %scan3A_388 iter_args(%scan3A_650 = %broadcast_in_dim3A_3, %scan3A_651 = %broadcast_in_dim3A_3, %scan3A_652 = %broadcast_in_dim3A_3, %scan3A_653 = %broadcast_in_dim3A_3) -> (vector<16xf32>, vector<16xf32>, vector<16xf32>, vector<16xf32>)  : i32 {
        %mul3A_654 = arith.constant 16 : i32
        %mul3A_655 = arith.muli %scan3A_649, %mul3A_654 : i32
        %add3A_656 = arith.constant 0 : i32
        %add3A_657 = arith.addi %mul3A_655, %add3A_656 : i32
        %mul3A_658 = arith.constant 16 : i32
        %mul3A_659 = arith.muli %add3A_657, %mul3A_658 : i32
        %get3A = arith.index_cast %mul3A_659 : i32 to index
        %get3A_660 = tpu.vector_load %arg4[%get3A] {strides = array<i32>} : memref<32768xf32, #tpu.memory_space<vmem>>, vector<16xf32>,
        %max3A_661 = arith.maximumf %broadcast_in_dim3A_3, %get3A_660 : vector<16xf32>
        %mul3A_662 = arith.constant 16 : i32
        %mul3A_663 = arith.muli %scan3A_649, %mul3A_662 : i32
        %add3A_664 = arith.constant 1 : i32
        %add3A_665 = arith.addi %mul3A_663, %add3A_664 : i32
        %mul3A_666 = arith.constant 16 : i32
        %mul3A_667 = arith.muli %add3A_665, %mul3A_666 : i32
        %get3A_668 = arith.index_cast %mul3A_667 : i32 to index
        %get3A_669 = tpu.vector_load %arg4[%get3A_668] {strides = array<i32>} : memref<32768xf32, #tpu.memory_space<vmem>>, vector<16xf32>,
        %max3A_670 = arith.maximumf %max3A_661, %get3A_669 : vector<16xf32>
        %mul3A_671 = arith.constant 16 : i32
        %mul3A_672 = arith.muli %scan3A_649, %mul3A_671 : i32
        %add3A_673 = arith.constant 2 : i32
        %add3A_674 = arith.addi %mul3A_672, %add3A_673 : i32
        %mul3A_675 = arith.constant 16 : i32
        %mul3A_676 = arith.muli %add3A_674, %mul3A_675 : i32
        %get3A_677 = arith.index_cast %mul3A_676 : i32 to index
        %get3A_678 = tpu.vector_load %arg4[%get3A_677] {strides = array<i32>} : memref<32768xf32, #tpu.memory_space<vmem>>, vector<16xf32>,
        %max3A_679 = arith.maximumf %max3A_670, %get3A_678 : vector<16xf32>
        %mul3A_680 = arith.constant 16 : i32
        %mul3A_681 = arith.muli %scan3A_649, %mul3A_680 : i32
        %add3A_682 = arith.constant 3 : i32
        %add3A_683 = arith.addi %mul3A_681, %add3A_682 : i32
        %mul3A_684 = arith.constant 16 : i32
        %mul3A_685 = arith.muli %add3A_683, %mul3A_684 : i32
        %get3A_686 = arith.index_cast %mul3A_685 : i32 to index
        %get3A_687 = tpu.vector_load %arg4[%get3A_686] {strides = array<i32>} : memref<32768xf32, #tpu.memory_space<vmem>>, vector<16xf32>,
        %max3A_688 = arith.maximumf %max3A_679, %get3A_687 : vector<16xf32>
        %mul3A_689 = arith.constant 16 : i32
        %mul3A_690 = arith.muli %scan3A_649, %mul3A_689 : i32
        %add3A_691 = arith.constant 4 : i32
        %add3A_692 = arith.addi %mul3A_690, %add3A_691 : i32
        %mul3A_693 = arith.constant 16 : i32
        %mul3A_694 = arith.muli %add3A_692, %mul3A_693 : i32
        %get3A_695 = arith.index_cast %mul3A_694 : i32 to index
        %get3A_696 = tpu.vector_load %arg4[%get3A_695] {strides = array<i32>} : memref<32768xf32, #tpu.memory_space<vmem>>, vector<16xf32>,
        %max3A_697 = arith.maximumf %max3A_688, %get3A_696 : vector<16xf32>
        %mul3A_698 = arith.constant 16 : i32
        %mul3A_699 = arith.muli %scan3A_649, %mul3A_698 : i32
        %add3A_700 = arith.constant 5 : i32
        %add3A_701 = arith.addi %mul3A_699, %add3A_700 : i32
        %mul3A_702 = arith.constant 16 : i32
        %mul3A_703 = arith.muli %add3A_701, %mul3A_702 : i32
        %get3A_704 = arith.index_cast %mul3A_703 : i32 to index
        %get3A_705 = tpu.vector_load %arg4[%get3A_704] {strides = array<i32>} : memref<32768xf32, #tpu.memory_space<vmem>>, vector<16xf32>,
        %max3A_706 = arith.maximumf %max3A_697, %get3A_705 : vector<16xf32>
        %mul3A_707 = arith.constant 16 : i32
        %mul3A_708 = arith.muli %scan3A_649, %mul3A_707 : i32
        %add3A_709 = arith.constant 6 : i32
        %add3A_710 = arith.addi %mul3A_708, %add3A_709 : i32
        %mul3A_711 = arith.constant 16 : i32
        %mul3A_712 = arith.muli %add3A_710, %mul3A_711 : i32
        %get3A_713 = arith.index_cast %mul3A_712 : i32 to index
        %get3A_714 = tpu.vector_load %arg4[%get3A_713] {strides = array<i32>} : memref<32768xf32, #tpu.memory_space<vmem>>, vector<16xf32>,
        %max3A_715 = arith.maximumf %max3A_706, %get3A_714 : vector<16xf32>
        %mul3A_716 = arith.constant 16 : i32
        %mul3A_717 = arith.muli %scan3A_649, %mul3A_716 : i32
        %add3A_718 = arith.constant 7 : i32
        %add3A_719 = arith.addi %mul3A_717, %add3A_718 : i32
        %mul3A_720 = arith.constant 16 : i32
        %mul3A_721 = arith.muli %add3A_719, %mul3A_720 : i32
        %get3A_722 = arith.index_cast %mul3A_721 : i32 to index
        %get3A_723 = tpu.vector_load %arg4[%get3A_722] {strides = array<i32>} : memref<32768xf32, #tpu.memory_space<vmem>>, vector<16xf32>,
        %max3A_724 = arith.maximumf %max3A_715, %get3A_723 : vector<16xf32>
        %mul3A_725 = arith.constant 16 : i32
        %mul3A_726 = arith.muli %scan3A_649, %mul3A_725 : i32
        %add3A_727 = arith.constant 8 : i32
        %add3A_728 = arith.addi %mul3A_726, %add3A_727 : i32
        %mul3A_729 = arith.constant 16 : i32
        %mul3A_730 = arith.muli %add3A_728, %mul3A_729 : i32
        %get3A_731 = arith.index_cast %mul3A_730 : i32 to index
        %get3A_732 = tpu.vector_load %arg4[%get3A_731] {strides = array<i32>} : memref<32768xf32, #tpu.memory_space<vmem>>, vector<16xf32>,
        %max3A_733 = arith.maximumf %max3A_724, %get3A_732 : vector<16xf32>
        %mul3A_734 = arith.constant 16 : i32
        %mul3A_735 = arith.muli %scan3A_649, %mul3A_734 : i32
        %add3A_736 = arith.constant 9 : i32
        %add3A_737 = arith.addi %mul3A_735, %add3A_736 : i32
        %mul3A_738 = arith.constant 16 : i32
        %mul3A_739 = arith.muli %add3A_737, %mul3A_738 : i32
        %get3A_740 = arith.index_cast %mul3A_739 : i32 to index
        %get3A_741 = tpu.vector_load %arg4[%get3A_740] {strides = array<i32>} : memref<32768xf32, #tpu.memory_space<vmem>>, vector<16xf32>,
        %max3A_742 = arith.maximumf %max3A_733, %get3A_741 : vector<16xf32>
        %mul3A_743 = arith.constant 16 : i32
        %mul3A_744 = arith.muli %scan3A_649, %mul3A_743 : i32
        %add3A_745 = arith.constant 10 : i32
        %add3A_746 = arith.addi %mul3A_744, %add3A_745 : i32
        %mul3A_747 = arith.constant 16 : i32
        %mul3A_748 = arith.muli %add3A_746, %mul3A_747 : i32
        %get3A_749 = arith.index_cast %mul3A_748 : i32 to index
        %get3A_750 = tpu.vector_load %arg4[%get3A_749] {strides = array<i32>} : memref<32768xf32, #tpu.memory_space<vmem>>, vector<16xf32>,
        %max3A_751 = arith.maximumf %max3A_742, %get3A_750 : vector<16xf32>
        %mul3A_752 = arith.constant 16 : i32
        %mul3A_753 = arith.muli %scan3A_649, %mul3A_752 : i32
        %add3A_754 = arith.constant 11 : i32
        %add3A_755 = arith.addi %mul3A_753, %add3A_754 : i32
        %mul3A_756 = arith.constant 16 : i32
        %mul3A_757 = arith.muli %add3A_755, %mul3A_756 : i32
        %get3A_758 = arith.index_cast %mul3A_757 : i32 to index
        %get3A_759 = tpu.vector_load %arg4[%get3A_758] {strides = array<i32>} : memref<32768xf32, #tpu.memory_space<vmem>>, vector<16xf32>,
        %max3A_760 = arith.maximumf %max3A_751, %get3A_759 : vector<16xf32>
        %mul3A_761 = arith.constant 16 : i32
        %mul3A_762 = arith.muli %scan3A_649, %mul3A_761 : i32
        %add3A_763 = arith.constant 12 : i32
        %add3A_764 = arith.addi %mul3A_762, %add3A_763 : i32
        %mul3A_765 = arith.constant 16 : i32
        %mul3A_766 = arith.muli %add3A_764, %mul3A_765 : i32
        %get3A_767 = arith.index_cast %mul3A_766 : i32 to index
        %get3A_768 = tpu.vector_load %arg4[%get3A_767] {strides = array<i32>} : memref<32768xf32, #tpu.memory_space<vmem>>, vector<16xf32>,
        %max3A_769 = arith.maximumf %max3A_760, %get3A_768 : vector<16xf32>
        %mul3A_770 = arith.constant 16 : i32
        %mul3A_771 = arith.muli %scan3A_649, %mul3A_770 : i32
        %add3A_772 = arith.constant 13 : i32
        %add3A_773 = arith.addi %mul3A_771, %add3A_772 : i32
        %mul3A_774 = arith.constant 16 : i32
        %mul3A_775 = arith.muli %add3A_773, %mul3A_774 : i32
        %get3A_776 = arith.index_cast %mul3A_775 : i32 to index
        %get3A_777 = tpu.vector_load %arg4[%get3A_776] {strides = array<i32>} : memref<32768xf32, #tpu.memory_space<vmem>>, vector<16xf32>,
        %max3A_778 = arith.maximumf %max3A_769, %get3A_777 : vector<16xf32>
        %mul3A_779 = arith.constant 16 : i32
        %mul3A_780 = arith.muli %scan3A_649, %mul3A_779 : i32
        %add3A_781 = arith.constant 14 : i32
        %add3A_782 = arith.addi %mul3A_780, %add3A_781 : i32
        %mul3A_783 = arith.constant 16 : i32
        %mul3A_784 = arith.muli %add3A_782, %mul3A_783 : i32
        %get3A_785 = arith.index_cast %mul3A_784 : i32 to index
        %get3A_786 = tpu.vector_load %arg4[%get3A_785] {strides = array<i32>} : memref<32768xf32, #tpu.memory_space<vmem>>, vector<16xf32>,
        %max3A_787 = arith.maximumf %max3A_778, %get3A_786 : vector<16xf32>
        %mul3A_788 = arith.constant 16 : i32
        %mul3A_789 = arith.muli %scan3A_649, %mul3A_788 : i32
        %add3A_790 = arith.constant 15 : i32
        %add3A_791 = arith.addi %mul3A_789, %add3A_790 : i32
        %mul3A_792 = arith.constant 16 : i32
        %mul3A_793 = arith.muli %add3A_791, %mul3A_792 : i32
        %get3A_794 = arith.index_cast %mul3A_793 : i32 to index
        %get3A_795 = tpu.vector_load %arg4[%get3A_794] {strides = array<i32>} : memref<32768xf32, #tpu.memory_space<vmem>>, vector<16xf32>,
        %max3A_796 = arith.maximumf %max3A_787, %get3A_795 : vector<16xf32>
        %max3A_797 = arith.maximumf %scan3A_650, %max3A_796 : vector<16xf32>
        %min3A_798 = arith.minimumf %scan3A_650, %max3A_796 : vector<16xf32>
        %max3A_799 = arith.maximumf %scan3A_651, %min3A_798 : vector<16xf32>
        %min3A_800 = arith.minimumf %scan3A_651, %min3A_798 : vector<16xf32>
        %max3A_801 = arith.maximumf %scan3A_652, %min3A_800 : vector<16xf32>
        %min3A_802 = arith.minimumf %scan3A_652, %min3A_800 : vector<16xf32>
        %max3A_803 = arith.maximumf %scan3A_653, %min3A_802 : vector<16xf32>
        scf.yield %max3A_797, %max3A_799, %max3A_801, %max3A_803 : vector<16xf32>, vector<16xf32>, vector<16xf32>, vector<16xf32>
      }
      %scan3A_390 = arith.constant 128 : i32
      %max3A = arith.maximumf %scan3A_389#3, %broadcast_in_dim3A_15 : vector<16xf32>
      %neg3A = arith.constant 0.000000e+00 : f32
      %neg3A_391 = vector.broadcast %neg3A : f32 to vector<16xf32>
      %neg3A_392 = arith.subf %neg3A_391, %max3A : vector<16xf32>
      %broadcast_in_dim3A_393 = arith.constant true
      %broadcast_in_dim3A_394 = vector.broadcast %broadcast_in_dim3A_393 : i1 to vector<16xi1>
      %masked_cummax3A = tpu.scan <max>, %neg3A_392 masked %broadcast_in_dim3A_394 : vector<16xf32>, vector<16xi1> -> vector<16xf32>
      %neg3A_395 = arith.constant 0.000000e+00 : f32
      %neg3A_396 = vector.broadcast %neg3A_395 : f32 to vector<16xf32>
      %neg3A_397 = arith.subf %neg3A_396, %masked_cummax3A : vector<16xf32>
      %lt3A = arith.constant 0 : i32
      %lt3A_398 = vector.broadcast %lt3A : i32 to vector<16xi32>
      %lt3A_399 = arith.cmpi slt, %broadcast_in_dim3A_11, %lt3A_398 : vector<16xi32>
      %add3A_400 = arith.constant 16 : i32
      %add3A_401 = vector.broadcast %add3A_400 : i32 to vector<16xi32>
      %add3A_402 = arith.addi %broadcast_in_dim3A_11, %add3A_401 : vector<16xi32>
      %select_n3A = arith.select %lt3A_399, %add3A_402, %broadcast_in_dim3A_11 : vector<16xi1>, vector<16xi32>
      %broadcast_in_dim3A_403 = vector.shape_cast %select_n3A : vector<16xi32> to vector<16x1xi32>
      %gather3A = vector.shape_cast %broadcast_in_dim3A_403 : vector<16x1xi32> to vector<16xi32>
      %gather3A_404 = tpu.dynamic_gather %neg3A_397[%gather3A] in [0] : vector<16xf32>, vector<16xi32> -> vector<16xf32>
      %scan3A_405 = arith.constant 0 : i32
      %scan3A_406 = arith.constant 256 : i32
      %scan3A_407 = arith.addi %scan3A_405, %scan3A_406 : i32
      %scan3A_408 = arith.constant 1 : i32
      %scan3A_409:2 = scf.for %scan3A_649 = %scan3A_405 to %scan3A_407 step %scan3A_408 iter_args(%scan3A_650 = %iota3A, %scan3A_651 = %iota3A) -> (vector<16xi32>, vector<16xi32>)  : i32 {
        %mul3A_652 = arith.constant 8 : i32
        %mul3A_653 = arith.muli %scan3A_649, %mul3A_652 : i32
        %add3A_654 = arith.constant 0 : i32
        %add3A_655 = arith.addi %mul3A_653, %add3A_654 : i32
        %mul3A_656 = arith.constant 16 : i32
        %mul3A_657 = arith.muli %add3A_655, %mul3A_656 : i32
        %get3A = arith.index_cast %mul3A_657 : i32 to index
        %get3A_658 = tpu.vector_load %arg4[%get3A] {strides = array<i32>} : memref<32768xf32, #tpu.memory_space<vmem>>, vector<16xf32>,
        %mul3A_659 = arith.constant 8 : i32
        %mul3A_660 = arith.muli %scan3A_649, %mul3A_659 : i32
        %add3A_661 = arith.constant 1 : i32
        %add3A_662 = arith.addi %mul3A_660, %add3A_661 : i32
        %mul3A_663 = arith.constant 16 : i32
        %mul3A_664 = arith.muli %add3A_662, %mul3A_663 : i32
        %get3A_665 = arith.index_cast %mul3A_664 : i32 to index
        %get3A_666 = tpu.vector_load %arg4[%get3A_665] {strides = array<i32>} : memref<32768xf32, #tpu.memory_space<vmem>>, vector<16xf32>,
        %mul3A_667 = arith.constant 8 : i32
        %mul3A_668 = arith.muli %scan3A_649, %mul3A_667 : i32
        %add3A_669 = arith.constant 2 : i32
        %add3A_670 = arith.addi %mul3A_668, %add3A_669 : i32
        %mul3A_671 = arith.constant 16 : i32
        %mul3A_672 = arith.muli %add3A_670, %mul3A_671 : i32
        %get3A_673 = arith.index_cast %mul3A_672 : i32 to index
        %get3A_674 = tpu.vector_load %arg4[%get3A_673] {strides = array<i32>} : memref<32768xf32, #tpu.memory_space<vmem>>, vector<16xf32>,
        %mul3A_675 = arith.constant 8 : i32
        %mul3A_676 = arith.muli %scan3A_649, %mul3A_675 : i32
        %add3A_677 = arith.constant 3 : i32
        %add3A_678 = arith.addi %mul3A_676, %add3A_677 : i32
        %mul3A_679 = arith.constant 16 : i32
        %mul3A_680 = arith.muli %add3A_678, %mul3A_679 : i32
        %get3A_681 = arith.index_cast %mul3A_680 : i32 to index
        %get3A_682 = tpu.vector_load %arg4[%get3A_681] {strides = array<i32>} : memref<32768xf32, #tpu.memory_space<vmem>>, vector<16xf32>,
        %mul3A_683 = arith.constant 8 : i32
        %mul3A_684 = arith.muli %scan3A_649, %mul3A_683 : i32
        %add3A_685 = arith.constant 4 : i32
        %add3A_686 = arith.addi %mul3A_684, %add3A_685 : i32
        %mul3A_687 = arith.constant 16 : i32
        %mul3A_688 = arith.muli %add3A_686, %mul3A_687 : i32
        %get3A_689 = arith.index_cast %mul3A_688 : i32 to index
        %get3A_690 = tpu.vector_load %arg4[%get3A_689] {strides = array<i32>} : memref<32768xf32, #tpu.memory_space<vmem>>, vector<16xf32>,
        %mul3A_691 = arith.constant 8 : i32
        %mul3A_692 = arith.muli %scan3A_649, %mul3A_691 : i32
        %add3A_693 = arith.constant 5 : i32
        %add3A_694 = arith.addi %mul3A_692, %add3A_693 : i32
        %mul3A_695 = arith.constant 16 : i32
        %mul3A_696 = arith.muli %add3A_694, %mul3A_695 : i32
        %get3A_697 = arith.index_cast %mul3A_696 : i32 to index
        %get3A_698 = tpu.vector_load %arg4[%get3A_697] {strides = array<i32>} : memref<32768xf32, #tpu.memory_space<vmem>>, vector<16xf32>,
        %mul3A_699 = arith.constant 8 : i32
        %mul3A_700 = arith.muli %scan3A_649, %mul3A_699 : i32
        %add3A_701 = arith.constant 6 : i32
        %add3A_702 = arith.addi %mul3A_700, %add3A_701 : i32
        %mul3A_703 = arith.constant 16 : i32
        %mul3A_704 = arith.muli %add3A_702, %mul3A_703 : i32
        %get3A_705 = arith.index_cast %mul3A_704 : i32 to index
        %get3A_706 = tpu.vector_load %arg4[%get3A_705] {strides = array<i32>} : memref<32768xf32, #tpu.memory_space<vmem>>, vector<16xf32>,
        %mul3A_707 = arith.constant 8 : i32
        %mul3A_708 = arith.muli %scan3A_649, %mul3A_707 : i32
        %add3A_709 = arith.constant 7 : i32
        %add3A_710 = arith.addi %mul3A_708, %add3A_709 : i32
        %mul3A_711 = arith.constant 16 : i32
        %mul3A_712 = arith.muli %add3A_710, %mul3A_711 : i32
        %get3A_713 = arith.index_cast %mul3A_712 : i32 to index
        %get3A_714 = tpu.vector_load %arg4[%get3A_713] {strides = array<i32>} : memref<32768xf32, #tpu.memory_space<vmem>>, vector<16xf32>,
        %ge3A_715 = arith.cmpf oge, %get3A_658, %gather3A_404 : vector<16xf32>
        %ge3A_716 = arith.cmpf oge, %get3A_666, %gather3A_404 : vector<16xf32>
        %ge3A_717 = arith.cmpf oge, %get3A_674, %gather3A_404 : vector<16xf32>
        %ge3A_718 = arith.cmpf oge, %get3A_682, %gather3A_404 : vector<16xf32>
        %ge3A_719 = arith.cmpf oge, %get3A_690, %gather3A_404 : vector<16xf32>
        %ge3A_720 = arith.cmpf oge, %get3A_698, %gather3A_404 : vector<16xf32>
        %ge3A_721 = arith.cmpf oge, %get3A_706, %gather3A_404 : vector<16xf32>
        %ge3A_722 = arith.cmpf oge, %get3A_714, %gather3A_404 : vector<16xf32>
        %select_n3A_723 = arith.select %ge3A_715, %broadcast_in_dim3A_7, %broadcast_in_dim3A_9 : vector<16xi1>, vector<16xi32>
        %select_n3A_724 = arith.select %ge3A_716, %broadcast_in_dim3A_7, %broadcast_in_dim3A_9 : vector<16xi1>, vector<16xi32>
        %select_n3A_725 = arith.select %ge3A_717, %broadcast_in_dim3A_7, %broadcast_in_dim3A_9 : vector<16xi1>, vector<16xi32>
        %select_n3A_726 = arith.select %ge3A_718, %broadcast_in_dim3A_7, %broadcast_in_dim3A_9 : vector<16xi1>, vector<16xi32>
        %select_n3A_727 = arith.select %ge3A_719, %broadcast_in_dim3A_7, %broadcast_in_dim3A_9 : vector<16xi1>, vector<16xi32>
        %select_n3A_728 = arith.select %ge3A_720, %broadcast_in_dim3A_7, %broadcast_in_dim3A_9 : vector<16xi1>, vector<16xi32>
        %select_n3A_729 = arith.select %ge3A_721, %broadcast_in_dim3A_7, %broadcast_in_dim3A_9 : vector<16xi1>, vector<16xi32>
        %select_n3A_730 = arith.select %ge3A_722, %broadcast_in_dim3A_7, %broadcast_in_dim3A_9 : vector<16xi1>, vector<16xi32>
        %add3A_731 = arith.constant 0 : i32
        %add3A_732 = vector.broadcast %add3A_731 : i32 to vector<16xi32>
        %add3A_733 = arith.addi %scan3A_651, %add3A_732 : vector<16xi32>
        %add3A_734 = arith.constant 16 : i32
        %add3A_735 = vector.broadcast %add3A_734 : i32 to vector<16xi32>
        %add3A_736 = arith.addi %scan3A_651, %add3A_735 : vector<16xi32>
        %add3A_737 = arith.constant 32 : i32
        %add3A_738 = vector.broadcast %add3A_737 : i32 to vector<16xi32>
        %add3A_739 = arith.addi %scan3A_651, %add3A_738 : vector<16xi32>
        %add3A_740 = arith.constant 48 : i32
        %add3A_741 = vector.broadcast %add3A_740 : i32 to vector<16xi32>
        %add3A_742 = arith.addi %scan3A_651, %add3A_741 : vector<16xi32>
        %add3A_743 = arith.constant 64 : i32
        %add3A_744 = vector.broadcast %add3A_743 : i32 to vector<16xi32>
        %add3A_745 = arith.addi %scan3A_651, %add3A_744 : vector<16xi32>
        %add3A_746 = arith.constant 80 : i32
        %add3A_747 = vector.broadcast %add3A_746 : i32 to vector<16xi32>
        %add3A_748 = arith.addi %scan3A_651, %add3A_747 : vector<16xi32>
        %add3A_749 = arith.constant 96 : i32
        %add3A_750 = vector.broadcast %add3A_749 : i32 to vector<16xi32>
        %add3A_751 = arith.addi %scan3A_651, %add3A_750 : vector<16xi32>
        %add3A_752 = arith.constant 112 : i32
        %add3A_753 = vector.broadcast %add3A_752 : i32 to vector<16xi32>
        %add3A_754 = arith.addi %scan3A_651, %add3A_753 : vector<16xi32>
        tpu.vector_store_idx %arg7[%scan3A_650], %add3A_733 masked %ge3A_715 : memref<1280xi32, #tpu.memory_space<vmem>>[vector<16xi32>], vector<16xi32>, vector<16xi1>
        %add3A_755 = arith.addi %scan3A_650, %select_n3A_723 : vector<16xi32>
        tpu.vector_store_idx %arg7[%add3A_755], %add3A_736 masked %ge3A_716 : memref<1280xi32, #tpu.memory_space<vmem>>[vector<16xi32>], vector<16xi32>, vector<16xi1>
        %add3A_756 = arith.addi %add3A_755, %select_n3A_724 : vector<16xi32>
        tpu.vector_store_idx %arg7[%add3A_756], %add3A_739 masked %ge3A_717 : memref<1280xi32, #tpu.memory_space<vmem>>[vector<16xi32>], vector<16xi32>, vector<16xi1>
        %add3A_757 = arith.addi %add3A_756, %select_n3A_725 : vector<16xi32>
        tpu.vector_store_idx %arg7[%add3A_757], %add3A_742 masked %ge3A_718 : memref<1280xi32, #tpu.memory_space<vmem>>[vector<16xi32>], vector<16xi32>, vector<16xi1>
        %add3A_758 = arith.addi %add3A_757, %select_n3A_726 : vector<16xi32>
        tpu.vector_store_idx %arg7[%add3A_758], %add3A_745 masked %ge3A_719 : memref<1280xi32, #tpu.memory_space<vmem>>[vector<16xi32>], vector<16xi32>, vector<16xi1>
        %add3A_759 = arith.addi %add3A_758, %select_n3A_727 : vector<16xi32>
        tpu.vector_store_idx %arg7[%add3A_759], %add3A_748 masked %ge3A_720 : memref<1280xi32, #tpu.memory_space<vmem>>[vector<16xi32>], vector<16xi32>, vector<16xi1>
        %add3A_760 = arith.addi %add3A_759, %select_n3A_728 : vector<16xi32>
        tpu.vector_store_idx %arg7[%add3A_760], %add3A_751 masked %ge3A_721 : memref<1280xi32, #tpu.memory_space<vmem>>[vector<16xi32>], vector<16xi32>, vector<16xi1>
        %add3A_761 = arith.addi %add3A_760, %select_n3A_729 : vector<16xi32>
        tpu.vector_store_idx %arg7[%add3A_761], %add3A_754 masked %ge3A_722 : memref<1280xi32, #tpu.memory_space<vmem>>[vector<16xi32>], vector<16xi32>, vector<16xi1>
        %add3A_762 = arith.addi %add3A_761, %select_n3A_730 : vector<16xi32>
        %min3A_763 = arith.minsi %add3A_762, %add3A_18 : vector<16xi32>
        %add3A_764 = arith.constant 128 : i32
        %add3A_765 = vector.broadcast %add3A_764 : i32 to vector<16xi32>
        %add3A_766 = arith.addi %scan3A_651, %add3A_765 : vector<16xi32>
        scf.yield %min3A_763, %add3A_766 : vector<16xi32>, vector<16xi32>
      }
      %scan3A_410 = arith.constant 256 : i32
      %sub3A = arith.subi %scan3A_409#0, %iota3A : vector<16xi32>
      %shift_right_logical3A = arith.constant 4 : i32
      %shift_right_logical3A_411 = vector.broadcast %shift_right_logical3A : i32 to vector<16xi32>
      %shift_right_logical3A_412 = arith.shrui %sub3A, %shift_right_logical3A_411 : vector<16xi32>
      %reduce_max3A = arith.constant true
      %reduce_max3A_413 = vector.broadcast %reduce_max3A : i1 to vector<16xi1>
      %reduce_max3A_414 = arith.constant -2147483648 : i32
      %reduce_max3A_415 = vector.broadcast %reduce_max3A_414 : i32 to vector<16xi32>
      %reduce_max3A_416 = arith.xori %scan3A_409#0, %reduce_max3A_415 : vector<16xi32>
      %reduce_max3A_417 = tpu.scan <max>, %reduce_max3A_416 masked %reduce_max3A_413 : vector<16xi32>, vector<16xi1> -> vector<16xi32>
      %reduce_max3A_418 = arith.xori %reduce_max3A_417, %reduce_max3A_415 : vector<16xi32>
      %reduce_max3A_419 = vector.extract %reduce_max3A_418[15] : i32 from vector<16xi32>
      %shift_right_arithmetic3A = arith.constant 4 : i32
      %shift_right_arithmetic3A_420 = arith.shrsi %reduce_max3A_419, %shift_right_arithmetic3A : i32
      %min3A = arith.constant 63 : i32
      %min3A_421 = arith.minsi %shift_right_arithmetic3A_420, %min3A : i32
      %add3A_422 = arith.constant 1 : i32
      %add3A_423 = arith.addi %min3A_421, %add3A_422 : i32
      %add3A_424 = arith.constant 3 : i32
      %add3A_425 = arith.addi %add3A_423, %add3A_424 : i32
      %jit3A = arith.constant 4 : i32
      %div3A = arith.divsi %add3A_425, %jit3A : i32
      %sign3A = arith.constant 0 : i32
      %sign3A_426 = arith.cmpi sgt, %add3A_425, %sign3A : i32
      %sign3A_427 = arith.extui %sign3A_426 : i1 to i32
      %sign3A_428 = arith.constant 0 : i32
      %sign3A_429 = arith.cmpi slt, %add3A_425, %sign3A_428 : i32
      %sign3A_430 = arith.extui %sign3A_429 : i1 to i32
      %sign3A_431 = arith.subi %sign3A_427, %sign3A_430 : i32
      %sign3A_432 = arith.constant 0 : i32
      %sign3A_433 = arith.cmpi sgt, %jit3A, %sign3A_432 : i32
      %sign3A_434 = arith.extui %sign3A_433 : i1 to i32
      %sign3A_435 = arith.constant 0 : i32
      %sign3A_436 = arith.cmpi slt, %jit3A, %sign3A_435 : i32
      %sign3A_437 = arith.extui %sign3A_436 : i1 to i32
      %sign3A_438 = arith.subi %sign3A_434, %sign3A_437 : i32
      %ne3A = arith.cmpi ne, %sign3A_431, %sign3A_438 : i32
      %rem3A = arith.remsi %add3A_425, %jit3A : i32
      %ne3A_439 = arith.constant 0 : i32
      %ne3A_440 = arith.cmpi ne, %rem3A, %ne3A_439 : i32
      %and3A = arith.andi %ne3A, %ne3A_440 : i1
      %sub3A_441 = arith.constant 1 : i32
      %sub3A_442 = arith.subi %div3A, %sub3A_441 : i32
      %select_n3A_443 = arith.select %and3A, %sub3A_442, %div3A : i32
      %while3A = arith.constant 0 : i32
      %while3A_444 = arith.subi %select_n3A_443, %while3A : i32
      %while3A_445 = arith.addi %while3A, %while3A_444 : i32
      %while3A_446 = arith.constant 1 : i32
      %while3A_447 = arith.divsi %while3A_444, %while3A_446 : i32
      %while3A_448 = arith.muli %while3A_447, %while3A_446 : i32
      %while3A_449 = arith.addi %while3A, %while3A_448 : i32
      %while3A_450 = arith.constant 1 : i32
      %while3A_451 = scf.for %while3A_649 = %while3A to %while3A_449 step %while3A_450 iter_args(%while3A_650 = %broadcast_in_dim3A_9) -> (vector<16xi32>)  : i32 {
        %mul3A_651 = arith.constant 4 : i32
        %mul3A_652 = arith.muli %while3A_649, %mul3A_651 : i32
        %add3A_653 = arith.constant 0 : i32
        %add3A_654 = arith.addi %mul3A_652, %add3A_653 : i32
        %mul3A_655 = arith.constant 16 : i32
        %mul3A_656 = arith.muli %add3A_654, %mul3A_655 : i32
        %get3A = arith.index_cast %mul3A_656 : i32 to index
        %get3A_657 = tpu.vector_load %arg7[%get3A] {strides = array<i32>} : memref<1280xi32, #tpu.memory_space<vmem>>, vector<16xi32>,
        %mul3A_658 = arith.constant 4 : i32
        %mul3A_659 = arith.muli %while3A_649, %mul3A_658 : i32
        %add3A_660 = arith.constant 1 : i32
        %add3A_661 = arith.addi %mul3A_659, %add3A_660 : i32
        %mul3A_662 = arith.constant 16 : i32
        %mul3A_663 = arith.muli %add3A_661, %mul3A_662 : i32
        %get3A_664 = arith.index_cast %mul3A_663 : i32 to index
        %get3A_665 = tpu.vector_load %arg7[%get3A_664] {strides = array<i32>} : memref<1280xi32, #tpu.memory_space<vmem>>, vector<16xi32>,
        %mul3A_666 = arith.constant 4 : i32
        %mul3A_667 = arith.muli %while3A_649, %mul3A_666 : i32
        %add3A_668 = arith.constant 2 : i32
        %add3A_669 = arith.addi %mul3A_667, %add3A_668 : i32
        %mul3A_670 = arith.constant 16 : i32
        %mul3A_671 = arith.muli %add3A_669, %mul3A_670 : i32
        %get3A_672 = arith.index_cast %mul3A_671 : i32 to index
        %get3A_673 = tpu.vector_load %arg7[%get3A_672] {strides = array<i32>} : memref<1280xi32, #tpu.memory_space<vmem>>, vector<16xi32>,
        %mul3A_674 = arith.constant 4 : i32
        %mul3A_675 = arith.muli %while3A_649, %mul3A_674 : i32
        %add3A_676 = arith.constant 3 : i32
        %add3A_677 = arith.addi %mul3A_675, %add3A_676 : i32
        %mul3A_678 = arith.constant 16 : i32
        %mul3A_679 = arith.muli %add3A_677, %mul3A_678 : i32
        %get3A_680 = arith.index_cast %mul3A_679 : i32 to index
        %get3A_681 = tpu.vector_load %arg7[%get3A_680] {strides = array<i32>} : memref<1280xi32, #tpu.memory_space<vmem>>, vector<16xi32>,
        %gather3A_682 = tpu.vector_load_idx %arg4[%get3A_657] : memref<32768xf32, #tpu.memory_space<vmem>>[vector<16xi32>], vector<16xf32>,
        %gather3A_683 = tpu.vector_load_idx %arg4[%get3A_665] : memref<32768xf32, #tpu.memory_space<vmem>>[vector<16xi32>], vector<16xf32>,
        %gather3A_684 = tpu.vector_load_idx %arg4[%get3A_673] : memref<32768xf32, #tpu.memory_space<vmem>>[vector<16xi32>], vector<16xf32>,
        %gather3A_685 = tpu.vector_load_idx %arg4[%get3A_681] : memref<32768xf32, #tpu.memory_space<vmem>>[vector<16xi32>], vector<16xf32>,
        %add3A_686 = arith.constant 0 : i32
        %add3A_687 = vector.broadcast %add3A_686 : i32 to vector<16xi32>
        %add3A_688 = arith.addi %while3A_650, %add3A_687 : vector<16xi32>
        %lt3A_689 = arith.cmpi slt, %add3A_688, %shift_right_logical3A_412 : vector<16xi32>
        %jit3A_690 = arith.constant 0.000000e+00 : f32
        %broadcast_in_dim3A_691 = vector.broadcast %jit3A_690 : f32 to vector<16xf32>
        %select_n3A_692 = arith.select %lt3A_689, %gather3A_682, %broadcast_in_dim3A_691 : vector<16xi1>, vector<16xf32>
        %mul3A_693 = arith.constant 4 : i32
        %mul3A_694 = arith.muli %while3A_649, %mul3A_693 : i32
        %add3A_695 = arith.constant 0 : i32
        %add3A_696 = arith.addi %mul3A_694, %add3A_695 : i32
        %mul3A_697 = arith.constant 16 : i32
        %mul3A_698 = arith.muli %add3A_696, %mul3A_697 : i32
        %swap3A_699 = arith.index_cast %mul3A_698 : i32 to index
        %swap3A_700 = tpu.vector_load %arg9[%swap3A_699] {strides = array<i32>} : memref<1280xf32, #tpu.memory_space<vmem>>, vector<16xf32>,
        tpu.vector_store %arg9[%swap3A_699], %select_n3A_692 {strides = array<i32>} : memref<1280xf32, #tpu.memory_space<vmem>>, vector<16xf32>,
        %add3A_701 = arith.constant 1 : i32
        %add3A_702 = vector.broadcast %add3A_701 : i32 to vector<16xi32>
        %add3A_703 = arith.addi %while3A_650, %add3A_702 : vector<16xi32>
        %lt3A_704 = arith.cmpi slt, %add3A_703, %shift_right_logical3A_412 : vector<16xi32>
        %jit3A_705 = arith.constant 0.000000e+00 : f32
        %broadcast_in_dim3A_706 = vector.broadcast %jit3A_705 : f32 to vector<16xf32>
        %select_n3A_707 = arith.select %lt3A_704, %gather3A_683, %broadcast_in_dim3A_706 : vector<16xi1>, vector<16xf32>
        %mul3A_708 = arith.constant 4 : i32
        %mul3A_709 = arith.muli %while3A_649, %mul3A_708 : i32
        %add3A_710 = arith.constant 1 : i32
        %add3A_711 = arith.addi %mul3A_709, %add3A_710 : i32
        %mul3A_712 = arith.constant 16 : i32
        %mul3A_713 = arith.muli %add3A_711, %mul3A_712 : i32
        %swap3A_714 = arith.index_cast %mul3A_713 : i32 to index
        %swap3A_715 = tpu.vector_load %arg9[%swap3A_714] {strides = array<i32>} : memref<1280xf32, #tpu.memory_space<vmem>>, vector<16xf32>,
        tpu.vector_store %arg9[%swap3A_714], %select_n3A_707 {strides = array<i32>} : memref<1280xf32, #tpu.memory_space<vmem>>, vector<16xf32>,
        %add3A_716 = arith.constant 2 : i32
        %add3A_717 = vector.broadcast %add3A_716 : i32 to vector<16xi32>
        %add3A_718 = arith.addi %while3A_650, %add3A_717 : vector<16xi32>
        %lt3A_719 = arith.cmpi slt, %add3A_718, %shift_right_logical3A_412 : vector<16xi32>
        %jit3A_720 = arith.constant 0.000000e+00 : f32
        %broadcast_in_dim3A_721 = vector.broadcast %jit3A_720 : f32 to vector<16xf32>
        %select_n3A_722 = arith.select %lt3A_719, %gather3A_684, %broadcast_in_dim3A_721 : vector<16xi1>, vector<16xf32>
        %mul3A_723 = arith.constant 4 : i32
        %mul3A_724 = arith.muli %while3A_649, %mul3A_723 : i32
        %add3A_725 = arith.constant 2 : i32
        %add3A_726 = arith.addi %mul3A_724, %add3A_725 : i32
        %mul3A_727 = arith.constant 16 : i32
        %mul3A_728 = arith.muli %add3A_726, %mul3A_727 : i32
        %swap3A_729 = arith.index_cast %mul3A_728 : i32 to index
        %swap3A_730 = tpu.vector_load %arg9[%swap3A_729] {strides = array<i32>} : memref<1280xf32, #tpu.memory_space<vmem>>, vector<16xf32>,
        tpu.vector_store %arg9[%swap3A_729], %select_n3A_722 {strides = array<i32>} : memref<1280xf32, #tpu.memory_space<vmem>>, vector<16xf32>,
        %add3A_731 = arith.constant 3 : i32
        %add3A_732 = vector.broadcast %add3A_731 : i32 to vector<16xi32>
        %add3A_733 = arith.addi %while3A_650, %add3A_732 : vector<16xi32>
        %lt3A_734 = arith.cmpi slt, %add3A_733, %shift_right_logical3A_412 : vector<16xi32>
        %jit3A_735 = arith.constant 0.000000e+00 : f32
        %broadcast_in_dim3A_736 = vector.broadcast %jit3A_735 : f32 to vector<16xf32>
        %select_n3A_737 = arith.select %lt3A_734, %gather3A_685, %broadcast_in_dim3A_736 : vector<16xi1>, vector<16xf32>
        %mul3A_738 = arith.constant 4 : i32
        %mul3A_739 = arith.muli %while3A_649, %mul3A_738 : i32
        %add3A_740 = arith.constant 3 : i32
        %add3A_741 = arith.addi %mul3A_739, %add3A_740 : i32
        %mul3A_742 = arith.constant 16 : i32
        %mul3A_743 = arith.muli %add3A_741, %mul3A_742 : i32
        %swap3A_744 = arith.index_cast %mul3A_743 : i32 to index
        %swap3A_745 = tpu.vector_load %arg9[%swap3A_744] {strides = array<i32>} : memref<1280xf32, #tpu.memory_space<vmem>>, vector<16xf32>,
        tpu.vector_store %arg9[%swap3A_744], %select_n3A_737 {strides = array<i32>} : memref<1280xf32, #tpu.memory_space<vmem>>, vector<16xf32>,
        %add3A_746 = arith.constant 4 : i32
        %add3A_747 = vector.broadcast %add3A_746 : i32 to vector<16xi32>
        %add3A_748 = arith.addi %while3A_650, %add3A_747 : vector<16xi32>
        scf.yield %add3A_748 : vector<16xi32>
      }
      %while3A_452 = arith.constant 1 : i32
      %while3A_453 = scf.for %while3A_649 = %while3A_449 to %while3A_445 step %while3A_452 iter_args(%while3A_650 = %while3A_451) -> (vector<16xi32>)  : i32 {
        %mul3A_651 = arith.constant 4 : i32
        %mul3A_652 = arith.muli %while3A_649, %mul3A_651 : i32
        %add3A_653 = arith.constant 0 : i32
        %add3A_654 = arith.addi %mul3A_652, %add3A_653 : i32
        %mul3A_655 = arith.constant 16 : i32
        %mul3A_656 = arith.muli %add3A_654, %mul3A_655 : i32
        %get3A = arith.index_cast %mul3A_656 : i32 to index
        %get3A_657 = tpu.vector_load %arg7[%get3A] {strides = array<i32>} : memref<1280xi32, #tpu.memory_space<vmem>>, vector<16xi32>,
        %mul3A_658 = arith.constant 4 : i32
        %mul3A_659 = arith.muli %while3A_649, %mul3A_658 : i32
        %add3A_660 = arith.constant 1 : i32
        %add3A_661 = arith.addi %mul3A_659, %add3A_660 : i32
        %mul3A_662 = arith.constant 16 : i32
        %mul3A_663 = arith.muli %add3A_661, %mul3A_662 : i32
        %get3A_664 = arith.index_cast %mul3A_663 : i32 to index
        %get3A_665 = tpu.vector_load %arg7[%get3A_664] {strides = array<i32>} : memref<1280xi32, #tpu.memory_space<vmem>>, vector<16xi32>,
        %mul3A_666 = arith.constant 4 : i32
        %mul3A_667 = arith.muli %while3A_649, %mul3A_666 : i32
        %add3A_668 = arith.constant 2 : i32
        %add3A_669 = arith.addi %mul3A_667, %add3A_668 : i32
        %mul3A_670 = arith.constant 16 : i32
        %mul3A_671 = arith.muli %add3A_669, %mul3A_670 : i32
        %get3A_672 = arith.index_cast %mul3A_671 : i32 to index
        %get3A_673 = tpu.vector_load %arg7[%get3A_672] {strides = array<i32>} : memref<1280xi32, #tpu.memory_space<vmem>>, vector<16xi32>,
        %mul3A_674 = arith.constant 4 : i32
        %mul3A_675 = arith.muli %while3A_649, %mul3A_674 : i32
        %add3A_676 = arith.constant 3 : i32
        %add3A_677 = arith.addi %mul3A_675, %add3A_676 : i32
        %mul3A_678 = arith.constant 16 : i32
        %mul3A_679 = arith.muli %add3A_677, %mul3A_678 : i32
        %get3A_680 = arith.index_cast %mul3A_679 : i32 to index
        %get3A_681 = tpu.vector_load %arg7[%get3A_680] {strides = array<i32>} : memref<1280xi32, #tpu.memory_space<vmem>>, vector<16xi32>,
        %gather3A_682 = tpu.vector_load_idx %arg4[%get3A_657] : memref<32768xf32, #tpu.memory_space<vmem>>[vector<16xi32>], vector<16xf32>,
        %gather3A_683 = tpu.vector_load_idx %arg4[%get3A_665] : memref<32768xf32, #tpu.memory_space<vmem>>[vector<16xi32>], vector<16xf32>,
        %gather3A_684 = tpu.vector_load_idx %arg4[%get3A_673] : memref<32768xf32, #tpu.memory_space<vmem>>[vector<16xi32>], vector<16xf32>,
        %gather3A_685 = tpu.vector_load_idx %arg4[%get3A_681] : memref<32768xf32, #tpu.memory_space<vmem>>[vector<16xi32>], vector<16xf32>,
        %add3A_686 = arith.constant 0 : i32
        %add3A_687 = vector.broadcast %add3A_686 : i32 to vector<16xi32>
        %add3A_688 = arith.addi %while3A_650, %add3A_687 : vector<16xi32>
        %lt3A_689 = arith.cmpi slt, %add3A_688, %shift_right_logical3A_412 : vector<16xi32>
        %jit3A_690 = arith.constant 0.000000e+00 : f32
        %broadcast_in_dim3A_691 = vector.broadcast %jit3A_690 : f32 to vector<16xf32>
        %select_n3A_692 = arith.select %lt3A_689, %gather3A_682, %broadcast_in_dim3A_691 : vector<16xi1>, vector<16xf32>
        %mul3A_693 = arith.constant 4 : i32
        %mul3A_694 = arith.muli %while3A_649, %mul3A_693 : i32
        %add3A_695 = arith.constant 0 : i32
        %add3A_696 = arith.addi %mul3A_694, %add3A_695 : i32
        %mul3A_697 = arith.constant 16 : i32
        %mul3A_698 = arith.muli %add3A_696, %mul3A_697 : i32
        %swap3A_699 = arith.index_cast %mul3A_698 : i32 to index
        %swap3A_700 = tpu.vector_load %arg9[%swap3A_699] {strides = array<i32>} : memref<1280xf32, #tpu.memory_space<vmem>>, vector<16xf32>,
        tpu.vector_store %arg9[%swap3A_699], %select_n3A_692 {strides = array<i32>} : memref<1280xf32, #tpu.memory_space<vmem>>, vector<16xf32>,
        %add3A_701 = arith.constant 1 : i32
        %add3A_702 = vector.broadcast %add3A_701 : i32 to vector<16xi32>
        %add3A_703 = arith.addi %while3A_650, %add3A_702 : vector<16xi32>
        %lt3A_704 = arith.cmpi slt, %add3A_703, %shift_right_logical3A_412 : vector<16xi32>
        %jit3A_705 = arith.constant 0.000000e+00 : f32
        %broadcast_in_dim3A_706 = vector.broadcast %jit3A_705 : f32 to vector<16xf32>
        %select_n3A_707 = arith.select %lt3A_704, %gather3A_683, %broadcast_in_dim3A_706 : vector<16xi1>, vector<16xf32>
        %mul3A_708 = arith.constant 4 : i32
        %mul3A_709 = arith.muli %while3A_649, %mul3A_708 : i32
        %add3A_710 = arith.constant 1 : i32
        %add3A_711 = arith.addi %mul3A_709, %add3A_710 : i32
        %mul3A_712 = arith.constant 16 : i32
        %mul3A_713 = arith.muli %add3A_711, %mul3A_712 : i32
        %swap3A_714 = arith.index_cast %mul3A_713 : i32 to index
        %swap3A_715 = tpu.vector_load %arg9[%swap3A_714] {strides = array<i32>} : memref<1280xf32, #tpu.memory_space<vmem>>, vector<16xf32>,
        tpu.vector_store %arg9[%swap3A_714], %select_n3A_707 {strides = array<i32>} : memref<1280xf32, #tpu.memory_space<vmem>>, vector<16xf32>,
        %add3A_716 = arith.constant 2 : i32
        %add3A_717 = vector.broadcast %add3A_716 : i32 to vector<16xi32>
        %add3A_718 = arith.addi %while3A_650, %add3A_717 : vector<16xi32>
        %lt3A_719 = arith.cmpi slt, %add3A_718, %shift_right_logical3A_412 : vector<16xi32>
        %jit3A_720 = arith.constant 0.000000e+00 : f32
        %broadcast_in_dim3A_721 = vector.broadcast %jit3A_720 : f32 to vector<16xf32>
        %select_n3A_722 = arith.select %lt3A_719, %gather3A_684, %broadcast_in_dim3A_721 : vector<16xi1>, vector<16xf32>
        %mul3A_723 = arith.constant 4 : i32
        %mul3A_724 = arith.muli %while3A_649, %mul3A_723 : i32
        %add3A_725 = arith.constant 2 : i32
        %add3A_726 = arith.addi %mul3A_724, %add3A_725 : i32
        %mul3A_727 = arith.constant 16 : i32
        %mul3A_728 = arith.muli %add3A_726, %mul3A_727 : i32
        %swap3A_729 = arith.index_cast %mul3A_728 : i32 to index
        %swap3A_730 = tpu.vector_load %arg9[%swap3A_729] {strides = array<i32>} : memref<1280xf32, #tpu.memory_space<vmem>>, vector<16xf32>,
        tpu.vector_store %arg9[%swap3A_729], %select_n3A_722 {strides = array<i32>} : memref<1280xf32, #tpu.memory_space<vmem>>, vector<16xf32>,
        %add3A_731 = arith.constant 3 : i32
        %add3A_732 = vector.broadcast %add3A_731 : i32 to vector<16xi32>
        %add3A_733 = arith.addi %while3A_650, %add3A_732 : vector<16xi32>
        %lt3A_734 = arith.cmpi slt, %add3A_733, %shift_right_logical3A_412 : vector<16xi32>
        %jit3A_735 = arith.constant 0.000000e+00 : f32
        %broadcast_in_dim3A_736 = vector.broadcast %jit3A_735 : f32 to vector<16xf32>
        %select_n3A_737 = arith.select %lt3A_734, %gather3A_685, %broadcast_in_dim3A_736 : vector<16xi1>, vector<16xf32>
        %mul3A_738 = arith.constant 4 : i32
        %mul3A_739 = arith.muli %while3A_649, %mul3A_738 : i32
        %add3A_740 = arith.constant 3 : i32
        %add3A_741 = arith.addi %mul3A_739, %add3A_740 : i32
        %mul3A_742 = arith.constant 16 : i32
        %mul3A_743 = arith.muli %add3A_741, %mul3A_742 : i32
        %swap3A_744 = arith.index_cast %mul3A_743 : i32 to index
        %swap3A_745 = tpu.vector_load %arg9[%swap3A_744] {strides = array<i32>} : memref<1280xf32, #tpu.memory_space<vmem>>, vector<16xf32>,
        tpu.vector_store %arg9[%swap3A_744], %select_n3A_737 {strides = array<i32>} : memref<1280xf32, #tpu.memory_space<vmem>>, vector<16xf32>,
        %add3A_746 = arith.constant 4 : i32
        %add3A_747 = vector.broadcast %add3A_746 : i32 to vector<16xi32>
        %add3A_748 = arith.addi %while3A_650, %add3A_747 : vector<16xi32>
        scf.yield %add3A_748 : vector<16xi32>
      }
      %lt3A_454 = arith.constant 63 : i32
      %lt3A_455 = arith.cmpi slt, %scan3A_371, %lt3A_454 : i32
      %convert_element_type3A = arith.extui %lt3A_455 : i1 to i32
      %cond3A = arith.constant 0 : i32
      %cond3A_456 = arith.cmpi ne, %convert_element_type3A, %cond3A : i32
      scf.if %cond3A_456 {
        %add3A_649 = arith.constant 2 : i32
        %add3A_650 = arith.addi %add3A_378, %add3A_649 : i32
        %dma_start3A_651 = arith.constant 0 : i32
        %dma_start3A_652 = tpu.memref_slice %arg2[%add3A_650, %dma_start3A_651] : memref<4096x32768xf32, #tpu.memory_space<hbm>> -> memref<1x32768xf32, #tpu.memory_space<hbm>>
        %dma_start3A_653 = tpu.memref_squeeze %dma_start3A_652 : memref<1x32768xf32, #tpu.memory_space<hbm>> -> memref<32768xf32, #tpu.memory_space<hbm>>
        %dma_start3A_654 = arith.constant 0 : i32
        %dma_start3A_655 = tpu.memref_slice %arg2[%add3A_650, %dma_start3A_654] : memref<4096x32768xf32, #tpu.memory_space<hbm>> -> memref<1x32768xf32, #tpu.memory_space<hbm>>
        %dma_start3A_656 = tpu.memref_squeeze %dma_start3A_655 : memref<1x32768xf32, #tpu.memory_space<hbm>> -> memref<32768xf32, #tpu.memory_space<hbm>>
        tpu.enqueue_dma source(%dma_start3A_656 : memref<32768xf32, #tpu.memory_space<hbm>>) target(%arg4 : memref<32768xf32, #tpu.memory_space<vmem>>) target_semaphore(%arg11 : memref<!tpu.dma_semaphore, #tpu.memory_space<semaphore_mem>>)
      } else {
      }
      %broadcast_in_dim3A_457 = arith.constant 1073741824 : i32
      %broadcast_in_dim3A_458 = vector.broadcast %broadcast_in_dim3A_457 : i32 to vector<16xi32>
      %scan3A_459 = arith.constant 0 : i32
      %scan3A_460 = arith.constant 31 : i32
      %scan3A_461 = arith.addi %scan3A_459, %scan3A_460 : i32
      %scan3A_462 = arith.constant 1 : i32
      %scan3A_463:2 = scf.for %scan3A_649 = %scan3A_459 to %scan3A_461 step %scan3A_462 iter_args(%scan3A_650 = %broadcast_in_dim3A_9, %scan3A_651 = %broadcast_in_dim3A_458) -> (vector<16xi32>, vector<16xi32>)  : i32 {
        %or3A = arith.ori %scan3A_650, %scan3A_651 : vector<16xi32>
        %bitcast3A_652 = vector.bitcast %or3A : vector<16xi32> to vector<16xf32>
        %while3A_653 = arith.constant 0 : i32
        %while3A_654 = arith.subi %select_n3A_443, %while3A_653 : i32
        %while3A_655 = arith.addi %while3A_653, %while3A_654 : i32
        %while3A_656 = arith.constant 1 : i32
        %while3A_657 = arith.divsi %while3A_654, %while3A_656 : i32
        %while3A_658 = arith.muli %while3A_657, %while3A_656 : i32
        %while3A_659 = arith.addi %while3A_653, %while3A_658 : i32
        %while3A_660 = arith.constant 1 : i32
        %while3A_661 = scf.for %while3A_681 = %while3A_653 to %while3A_659 step %while3A_660 iter_args(%while3A_682 = %broadcast_in_dim3A_9) -> (vector<16xi32>)  : i32 {
          %mul3A_683 = arith.constant 4 : i32
          %mul3A_684 = arith.muli %while3A_681, %mul3A_683 : i32
          %add3A_685 = arith.constant 0 : i32
          %add3A_686 = arith.addi %mul3A_684, %add3A_685 : i32
          %mul3A_687 = arith.constant 16 : i32
          %mul3A_688 = arith.muli %add3A_686, %mul3A_687 : i32
          %get3A = arith.index_cast %mul3A_688 : i32 to index
          %get3A_689 = tpu.vector_load %arg9[%get3A] {strides = array<i32>} : memref<1280xf32, #tpu.memory_space<vmem>>, vector<16xf32>,
          %mul3A_690 = arith.constant 4 : i32
          %mul3A_691 = arith.muli %while3A_681, %mul3A_690 : i32
          %add3A_692 = arith.constant 1 : i32
          %add3A_693 = arith.addi %mul3A_691, %add3A_692 : i32
          %mul3A_694 = arith.constant 16 : i32
          %mul3A_695 = arith.muli %add3A_693, %mul3A_694 : i32
          %get3A_696 = arith.index_cast %mul3A_695 : i32 to index
          %get3A_697 = tpu.vector_load %arg9[%get3A_696] {strides = array<i32>} : memref<1280xf32, #tpu.memory_space<vmem>>, vector<16xf32>,
          %mul3A_698 = arith.constant 4 : i32
          %mul3A_699 = arith.muli %while3A_681, %mul3A_698 : i32
          %add3A_700 = arith.constant 2 : i32
          %add3A_701 = arith.addi %mul3A_699, %add3A_700 : i32
          %mul3A_702 = arith.constant 16 : i32
          %mul3A_703 = arith.muli %add3A_701, %mul3A_702 : i32
          %get3A_704 = arith.index_cast %mul3A_703 : i32 to index
          %get3A_705 = tpu.vector_load %arg9[%get3A_704] {strides = array<i32>} : memref<1280xf32, #tpu.memory_space<vmem>>, vector<16xf32>,
          %mul3A_706 = arith.constant 4 : i32
          %mul3A_707 = arith.muli %while3A_681, %mul3A_706 : i32
          %add3A_708 = arith.constant 3 : i32
          %add3A_709 = arith.addi %mul3A_707, %add3A_708 : i32
          %mul3A_710 = arith.constant 16 : i32
          %mul3A_711 = arith.muli %add3A_709, %mul3A_710 : i32
          %get3A_712 = arith.index_cast %mul3A_711 : i32 to index
          %get3A_713 = tpu.vector_load %arg9[%get3A_712] {strides = array<i32>} : memref<1280xf32, #tpu.memory_space<vmem>>, vector<16xf32>,
          %ge3A_714 = arith.cmpf oge, %get3A_689, %bitcast3A_652 : vector<16xf32>
          %select_n3A_715 = arith.select %ge3A_714, %broadcast_in_dim3A_5, %broadcast_in_dim3A_9 : vector<16xi1>, vector<16xi32>
          %add3A_716 = arith.addi %while3A_682, %select_n3A_715 : vector<16xi32>
          %ge3A_717 = arith.cmpf oge, %get3A_697, %bitcast3A_652 : vector<16xf32>
          %select_n3A_718 = arith.select %ge3A_717, %broadcast_in_dim3A_5, %broadcast_in_dim3A_9 : vector<16xi1>, vector<16xi32>
          %add3A_719 = arith.addi %add3A_716, %select_n3A_718 : vector<16xi32>
          %ge3A_720 = arith.cmpf oge, %get3A_705, %bitcast3A_652 : vector<16xf32>
          %select_n3A_721 = arith.select %ge3A_720, %broadcast_in_dim3A_5, %broadcast_in_dim3A_9 : vector<16xi1>, vector<16xi32>
          %add3A_722 = arith.addi %add3A_719, %select_n3A_721 : vector<16xi32>
          %ge3A_723 = arith.cmpf oge, %get3A_713, %bitcast3A_652 : vector<16xf32>
          %select_n3A_724 = arith.select %ge3A_723, %broadcast_in_dim3A_5, %broadcast_in_dim3A_9 : vector<16xi1>, vector<16xi32>
          %add3A_725 = arith.addi %add3A_722, %select_n3A_724 : vector<16xi32>
          scf.yield %add3A_725 : vector<16xi32>
        }
        %while3A_662 = arith.constant 1 : i32
        %while3A_663 = scf.for %while3A_681 = %while3A_659 to %while3A_655 step %while3A_662 iter_args(%while3A_682 = %while3A_661) -> (vector<16xi32>)  : i32 {
          %mul3A_683 = arith.constant 4 : i32
          %mul3A_684 = arith.muli %while3A_681, %mul3A_683 : i32
          %add3A_685 = arith.constant 0 : i32
          %add3A_686 = arith.addi %mul3A_684, %add3A_685 : i32
          %mul3A_687 = arith.constant 16 : i32
          %mul3A_688 = arith.muli %add3A_686, %mul3A_687 : i32
          %get3A = arith.index_cast %mul3A_688 : i32 to index
          %get3A_689 = tpu.vector_load %arg9[%get3A] {strides = array<i32>} : memref<1280xf32, #tpu.memory_space<vmem>>, vector<16xf32>,
          %mul3A_690 = arith.constant 4 : i32
          %mul3A_691 = arith.muli %while3A_681, %mul3A_690 : i32
          %add3A_692 = arith.constant 1 : i32
          %add3A_693 = arith.addi %mul3A_691, %add3A_692 : i32
          %mul3A_694 = arith.constant 16 : i32
          %mul3A_695 = arith.muli %add3A_693, %mul3A_694 : i32
          %get3A_696 = arith.index_cast %mul3A_695 : i32 to index
          %get3A_697 = tpu.vector_load %arg9[%get3A_696] {strides = array<i32>} : memref<1280xf32, #tpu.memory_space<vmem>>, vector<16xf32>,
          %mul3A_698 = arith.constant 4 : i32
          %mul3A_699 = arith.muli %while3A_681, %mul3A_698 : i32
          %add3A_700 = arith.constant 2 : i32
          %add3A_701 = arith.addi %mul3A_699, %add3A_700 : i32
          %mul3A_702 = arith.constant 16 : i32
          %mul3A_703 = arith.muli %add3A_701, %mul3A_702 : i32
          %get3A_704 = arith.index_cast %mul3A_703 : i32 to index
          %get3A_705 = tpu.vector_load %arg9[%get3A_704] {strides = array<i32>} : memref<1280xf32, #tpu.memory_space<vmem>>, vector<16xf32>,
          %mul3A_706 = arith.constant 4 : i32
          %mul3A_707 = arith.muli %while3A_681, %mul3A_706 : i32
          %add3A_708 = arith.constant 3 : i32
          %add3A_709 = arith.addi %mul3A_707, %add3A_708 : i32
          %mul3A_710 = arith.constant 16 : i32
          %mul3A_711 = arith.muli %add3A_709, %mul3A_710 : i32
          %get3A_712 = arith.index_cast %mul3A_711 : i32 to index
          %get3A_713 = tpu.vector_load %arg9[%get3A_712] {strides = array<i32>} : memref<1280xf32, #tpu.memory_space<vmem>>, vector<16xf32>,
          %ge3A_714 = arith.cmpf oge, %get3A_689, %bitcast3A_652 : vector<16xf32>
          %select_n3A_715 = arith.select %ge3A_714, %broadcast_in_dim3A_5, %broadcast_in_dim3A_9 : vector<16xi1>, vector<16xi32>
          %add3A_716 = arith.addi %while3A_682, %select_n3A_715 : vector<16xi32>
          %ge3A_717 = arith.cmpf oge, %get3A_697, %bitcast3A_652 : vector<16xf32>
          %select_n3A_718 = arith.select %ge3A_717, %broadcast_in_dim3A_5, %broadcast_in_dim3A_9 : vector<16xi1>, vector<16xi32>
          %add3A_719 = arith.addi %add3A_716, %select_n3A_718 : vector<16xi32>
          %ge3A_720 = arith.cmpf oge, %get3A_705, %bitcast3A_652 : vector<16xf32>
          %select_n3A_721 = arith.select %ge3A_720, %broadcast_in_dim3A_5, %broadcast_in_dim3A_9 : vector<16xi1>, vector<16xi32>
          %add3A_722 = arith.addi %add3A_719, %select_n3A_721 : vector<16xi32>
          %ge3A_723 = arith.cmpf oge, %get3A_713, %bitcast3A_652 : vector<16xf32>
          %select_n3A_724 = arith.select %ge3A_723, %broadcast_in_dim3A_5, %broadcast_in_dim3A_9 : vector<16xi1>, vector<16xi32>
          %add3A_725 = arith.addi %add3A_722, %select_n3A_724 : vector<16xi32>
          scf.yield %add3A_725 : vector<16xi32>
        }
        %broadcast_in_dim3A_664 = arith.constant true
        %broadcast_in_dim3A_665 = vector.broadcast %broadcast_in_dim3A_664 : i1 to vector<16xi1>
        %masked_cumsum3A = tpu.scan <sum>, %while3A_663 masked %broadcast_in_dim3A_665 : vector<16xi32>, vector<16xi1> -> vector<16xi32>
        %lt3A_666 = arith.constant 0 : i32
        %lt3A_667 = vector.broadcast %lt3A_666 : i32 to vector<16xi32>
        %lt3A_668 = arith.cmpi slt, %broadcast_in_dim3A_11, %lt3A_667 : vector<16xi32>
        %add3A_669 = arith.constant 16 : i32
        %add3A_670 = vector.broadcast %add3A_669 : i32 to vector<16xi32>
        %add3A_671 = arith.addi %broadcast_in_dim3A_11, %add3A_670 : vector<16xi32>
        %select_n3A_672 = arith.select %lt3A_668, %add3A_671, %broadcast_in_dim3A_11 : vector<16xi1>, vector<16xi32>
        %broadcast_in_dim3A_673 = vector.shape_cast %select_n3A_672 : vector<16xi32> to vector<16x1xi32>
        %gather3A_674 = vector.shape_cast %broadcast_in_dim3A_673 : vector<16x1xi32> to vector<16xi32>
        %gather3A_675 = tpu.dynamic_gather %masked_cumsum3A[%gather3A_674] in [0] : vector<16xi32>, vector<16xi32> -> vector<16xi32>
        %ge3A_676 = arith.cmpi sge, %gather3A_675, %broadcast_in_dim3A_13 : vector<16xi32>
        %select_n3A_677 = arith.select %ge3A_676, %or3A, %scan3A_650 : vector<16xi1>, vector<16xi32>
        %shift_right_logical3A_678 = arith.constant 1 : i32
        %shift_right_logical3A_679 = vector.broadcast %shift_right_logical3A_678 : i32 to vector<16xi32>
        %shift_right_logical3A_680 = arith.shrui %scan3A_651, %shift_right_logical3A_679 : vector<16xi32>
        scf.yield %select_n3A_677, %shift_right_logical3A_680 : vector<16xi32>, vector<16xi32>
      }
      %scan3A_464 = arith.constant 31 : i32
      %max3A_465 = arith.maxsi %scan3A_463#0, %broadcast_in_dim3A_5 : vector<16xi32>
      %bitcast3A = vector.bitcast %max3A_465 : vector<16xi32> to vector<16xf32>
      %ge3A = arith.constant 1 : i32
      %ge3A_466 = arith.cmpi sge, %scan3A_371, %ge3A : i32
      %convert_element_type3A_467 = arith.extui %ge3A_466 : i1 to i32
      %cond3A_468 = arith.constant 0 : i32
      %cond3A_469 = arith.cmpi ne, %convert_element_type3A_467, %cond3A_468 : i32
      scf.if %cond3A_469 {
        %dma_wait3A_649 = arith.constant 0 : i32
        %dma_wait3A_650 = tpu.memref_slice %arg3[%mul3A_2, %dma_wait3A_649] : memref<4096x32768xf32, #tpu.memory_space<hbm>> -> memref<1x32768xf32, #tpu.memory_space<hbm>>
        %dma_wait3A_651 = tpu.memref_squeeze %dma_wait3A_650 : memref<1x32768xf32, #tpu.memory_space<hbm>> -> memref<32768xf32, #tpu.memory_space<hbm>>
        %dma_wait3A_652 = arith.constant 0 : i32
        %dma_wait3A_653 = tpu.memref_slice %arg3[%mul3A_2, %dma_wait3A_652] : memref<4096x32768xf32, #tpu.memory_space<hbm>> -> memref<1x32768xf32, #tpu.memory_space<hbm>>
        %dma_wait3A_654 = tpu.memref_squeeze %dma_wait3A_653 : memref<1x32768xf32, #tpu.memory_space<hbm>> -> memref<32768xf32, #tpu.memory_space<hbm>>
        tpu.wait_dma2 semaphore(%arg13 : memref<!tpu.dma_semaphore, #tpu.memory_space<semaphore_mem>>) src(%arg6 : memref<32768xf32, #tpu.memory_space<vmem>>) dst(%dma_wait3A_654 : memref<32768xf32, #tpu.memory_space<hbm>>)
      } else {
      }
      %while3A_470 = arith.constant 0 : i32
      %while3A_471 = arith.constant 0 : i32
      %while3A_472 = arith.subi %scan3A_373, %while3A_470 : i32
      %while3A_473 = arith.addi %while3A_470, %while3A_472 : i32
      %while3A_474 = arith.constant 1 : i32
      %while3A_475 = arith.divsi %while3A_472, %while3A_474 : i32
      %while3A_476 = arith.muli %while3A_475, %while3A_474 : i32
      %while3A_477 = arith.addi %while3A_470, %while3A_476 : i32
      %while3A_478 = arith.constant 1 : i32
      %while3A_479 = scf.for %while3A_649 = %while3A_470 to %while3A_477 step %while3A_478 iter_args(%while3A_650 = %while3A_471) -> (i32)  : i32 {
        %mul3A_651 = arith.constant 4 : i32
        %mul3A_652 = arith.muli %while3A_649, %mul3A_651 : i32
        %add3A_653 = arith.constant 0 : i32
        %add3A_654 = arith.addi %mul3A_652, %add3A_653 : i32
        %mul3A_655 = arith.constant 16 : i32
        %mul3A_656 = arith.muli %add3A_654, %mul3A_655 : i32
        %get3A = arith.index_cast %mul3A_656 : i32 to index
        %get3A_657 = tpu.vector_load %arg10[%get3A] {strides = array<i32>} : memref<1280xf32, #tpu.memory_space<vmem>>, vector<16xf32>,
        %mul3A_658 = arith.constant 4 : i32
        %mul3A_659 = arith.muli %while3A_649, %mul3A_658 : i32
        %add3A_660 = arith.constant 1 : i32
        %add3A_661 = arith.addi %mul3A_659, %add3A_660 : i32
        %mul3A_662 = arith.constant 16 : i32
        %mul3A_663 = arith.muli %add3A_661, %mul3A_662 : i32
        %get3A_664 = arith.index_cast %mul3A_663 : i32 to index
        %get3A_665 = tpu.vector_load %arg10[%get3A_664] {strides = array<i32>} : memref<1280xf32, #tpu.memory_space<vmem>>, vector<16xf32>,
        %mul3A_666 = arith.constant 4 : i32
        %mul3A_667 = arith.muli %while3A_649, %mul3A_666 : i32
        %add3A_668 = arith.constant 2 : i32
        %add3A_669 = arith.addi %mul3A_667, %add3A_668 : i32
        %mul3A_670 = arith.constant 16 : i32
        %mul3A_671 = arith.muli %add3A_669, %mul3A_670 : i32
        %get3A_672 = arith.index_cast %mul3A_671 : i32 to index
        %get3A_673 = tpu.vector_load %arg10[%get3A_672] {strides = array<i32>} : memref<1280xf32, #tpu.memory_space<vmem>>, vector<16xf32>,
        %mul3A_674 = arith.constant 4 : i32
        %mul3A_675 = arith.muli %while3A_649, %mul3A_674 : i32
        %add3A_676 = arith.constant 3 : i32
        %add3A_677 = arith.addi %mul3A_675, %add3A_676 : i32
        %mul3A_678 = arith.constant 16 : i32
        %mul3A_679 = arith.muli %add3A_677, %mul3A_678 : i32
        %get3A_680 = arith.index_cast %mul3A_679 : i32 to index
        %get3A_681 = tpu.vector_load %arg10[%get3A_680] {strides = array<i32>} : memref<1280xf32, #tpu.memory_space<vmem>>, vector<16xf32>,
        %mul3A_682 = arith.constant 4 : i32
        %mul3A_683 = arith.muli %while3A_649, %mul3A_682 : i32
        %add3A_684 = arith.constant 0 : i32
        %add3A_685 = arith.addi %mul3A_683, %add3A_684 : i32
        %mul3A_686 = arith.constant 16 : i32
        %mul3A_687 = arith.muli %add3A_685, %mul3A_686 : i32
        %get3A_688 = arith.index_cast %mul3A_687 : i32 to index
        %get3A_689 = tpu.vector_load %arg8[%get3A_688] {strides = array<i32>} : memref<1280xi32, #tpu.memory_space<vmem>>, vector<16xi32>,
        %mul3A_690 = arith.constant 4 : i32
        %mul3A_691 = arith.muli %while3A_649, %mul3A_690 : i32
        %add3A_692 = arith.constant 1 : i32
        %add3A_693 = arith.addi %mul3A_691, %add3A_692 : i32
        %mul3A_694 = arith.constant 16 : i32
        %mul3A_695 = arith.muli %add3A_693, %mul3A_694 : i32
        %get3A_696 = arith.index_cast %mul3A_695 : i32 to index
        %get3A_697 = tpu.vector_load %arg8[%get3A_696] {strides = array<i32>} : memref<1280xi32, #tpu.memory_space<vmem>>, vector<16xi32>,
        %mul3A_698 = arith.constant 4 : i32
        %mul3A_699 = arith.muli %while3A_649, %mul3A_698 : i32
        %add3A_700 = arith.constant 2 : i32
        %add3A_701 = arith.addi %mul3A_699, %add3A_700 : i32
        %mul3A_702 = arith.constant 16 : i32
        %mul3A_703 = arith.muli %add3A_701, %mul3A_702 : i32
        %get3A_704 = arith.index_cast %mul3A_703 : i32 to index
        %get3A_705 = tpu.vector_load %arg8[%get3A_704] {strides = array<i32>} : memref<1280xi32, #tpu.memory_space<vmem>>, vector<16xi32>,
        %mul3A_706 = arith.constant 4 : i32
        %mul3A_707 = arith.muli %while3A_649, %mul3A_706 : i32
        %add3A_708 = arith.constant 3 : i32
        %add3A_709 = arith.addi %mul3A_707, %add3A_708 : i32
        %mul3A_710 = arith.constant 16 : i32
        %mul3A_711 = arith.muli %add3A_709, %mul3A_710 : i32
        %get3A_712 = arith.index_cast %mul3A_711 : i32 to index
        %get3A_713 = tpu.vector_load %arg8[%get3A_712] {strides = array<i32>} : memref<1280xi32, #tpu.memory_space<vmem>>, vector<16xi32>,
        %ge3A_714 = arith.cmpf oge, %get3A_657, %scan3A_372 : vector<16xf32>
        tpu.vector_store_idx %arg6[%get3A_689], %broadcast_in_dim3A_3 masked %ge3A_714 : memref<32768xf32, #tpu.memory_space<vmem>>[vector<16xi32>], vector<16xf32>, vector<16xi1>
        %ge3A_715 = arith.cmpf oge, %get3A_665, %scan3A_372 : vector<16xf32>
        tpu.vector_store_idx %arg6[%get3A_697], %broadcast_in_dim3A_3 masked %ge3A_715 : memref<32768xf32, #tpu.memory_space<vmem>>[vector<16xi32>], vector<16xf32>, vector<16xi1>
        %ge3A_716 = arith.cmpf oge, %get3A_673, %scan3A_372 : vector<16xf32>
        tpu.vector_store_idx %arg6[%get3A_705], %broadcast_in_dim3A_3 masked %ge3A_716 : memref<32768xf32, #tpu.memory_space<vmem>>[vector<16xi32>], vector<16xf32>, vector<16xi1>
        %ge3A_717 = arith.cmpf oge, %get3A_681, %scan3A_372 : vector<16xf32>
        tpu.vector_store_idx %arg6[%get3A_713], %broadcast_in_dim3A_3 masked %ge3A_717 : memref<32768xf32, #tpu.memory_space<vmem>>[vector<16xi32>], vector<16xf32>, vector<16xi1>
        %while3A_718 = arith.constant 0 : i32
        scf.yield %while3A_718 : i32
      }
      %while3A_480 = arith.constant 1 : i32
      %while3A_481 = scf.for %while3A_649 = %while3A_477 to %while3A_473 step %while3A_480 iter_args(%while3A_650 = %while3A_479) -> (i32)  : i32 {
        %mul3A_651 = arith.constant 4 : i32
        %mul3A_652 = arith.muli %while3A_649, %mul3A_651 : i32
        %add3A_653 = arith.constant 0 : i32
        %add3A_654 = arith.addi %mul3A_652, %add3A_653 : i32
        %mul3A_655 = arith.constant 16 : i32
        %mul3A_656 = arith.muli %add3A_654, %mul3A_655 : i32
        %get3A = arith.index_cast %mul3A_656 : i32 to index
        %get3A_657 = tpu.vector_load %arg10[%get3A] {strides = array<i32>} : memref<1280xf32, #tpu.memory_space<vmem>>, vector<16xf32>,
        %mul3A_658 = arith.constant 4 : i32
        %mul3A_659 = arith.muli %while3A_649, %mul3A_658 : i32
        %add3A_660 = arith.constant 1 : i32
        %add3A_661 = arith.addi %mul3A_659, %add3A_660 : i32
        %mul3A_662 = arith.constant 16 : i32
        %mul3A_663 = arith.muli %add3A_661, %mul3A_662 : i32
        %get3A_664 = arith.index_cast %mul3A_663 : i32 to index
        %get3A_665 = tpu.vector_load %arg10[%get3A_664] {strides = array<i32>} : memref<1280xf32, #tpu.memory_space<vmem>>, vector<16xf32>,
        %mul3A_666 = arith.constant 4 : i32
        %mul3A_667 = arith.muli %while3A_649, %mul3A_666 : i32
        %add3A_668 = arith.constant 2 : i32
        %add3A_669 = arith.addi %mul3A_667, %add3A_668 : i32
        %mul3A_670 = arith.constant 16 : i32
        %mul3A_671 = arith.muli %add3A_669, %mul3A_670 : i32
        %get3A_672 = arith.index_cast %mul3A_671 : i32 to index
        %get3A_673 = tpu.vector_load %arg10[%get3A_672] {strides = array<i32>} : memref<1280xf32, #tpu.memory_space<vmem>>, vector<16xf32>,
        %mul3A_674 = arith.constant 4 : i32
        %mul3A_675 = arith.muli %while3A_649, %mul3A_674 : i32
        %add3A_676 = arith.constant 3 : i32
        %add3A_677 = arith.addi %mul3A_675, %add3A_676 : i32
        %mul3A_678 = arith.constant 16 : i32
        %mul3A_679 = arith.muli %add3A_677, %mul3A_678 : i32
        %get3A_680 = arith.index_cast %mul3A_679 : i32 to index
        %get3A_681 = tpu.vector_load %arg10[%get3A_680] {strides = array<i32>} : memref<1280xf32, #tpu.memory_space<vmem>>, vector<16xf32>,
        %mul3A_682 = arith.constant 4 : i32
        %mul3A_683 = arith.muli %while3A_649, %mul3A_682 : i32
        %add3A_684 = arith.constant 0 : i32
        %add3A_685 = arith.addi %mul3A_683, %add3A_684 : i32
        %mul3A_686 = arith.constant 16 : i32
        %mul3A_687 = arith.muli %add3A_685, %mul3A_686 : i32
        %get3A_688 = arith.index_cast %mul3A_687 : i32 to index
        %get3A_689 = tpu.vector_load %arg8[%get3A_688] {strides = array<i32>} : memref<1280xi32, #tpu.memory_space<vmem>>, vector<16xi32>,
        %mul3A_690 = arith.constant 4 : i32
        %mul3A_691 = arith.muli %while3A_649, %mul3A_690 : i32
        %add3A_692 = arith.constant 1 : i32
        %add3A_693 = arith.addi %mul3A_691, %add3A_692 : i32
        %mul3A_694 = arith.constant 16 : i32
        %mul3A_695 = arith.muli %add3A_693, %mul3A_694 : i32
        %get3A_696 = arith.index_cast %mul3A_695 : i32 to index
        %get3A_697 = tpu.vector_load %arg8[%get3A_696] {strides = array<i32>} : memref<1280xi32, #tpu.memory_space<vmem>>, vector<16xi32>,
        %mul3A_698 = arith.constant 4 : i32
        %mul3A_699 = arith.muli %while3A_649, %mul3A_698 : i32
        %add3A_700 = arith.constant 2 : i32
        %add3A_701 = arith.addi %mul3A_699, %add3A_700 : i32
        %mul3A_702 = arith.constant 16 : i32
        %mul3A_703 = arith.muli %add3A_701, %mul3A_702 : i32
        %get3A_704 = arith.index_cast %mul3A_703 : i32 to index
        %get3A_705 = tpu.vector_load %arg8[%get3A_704] {strides = array<i32>} : memref<1280xi32, #tpu.memory_space<vmem>>, vector<16xi32>,
        %mul3A_706 = arith.constant 4 : i32
        %mul3A_707 = arith.muli %while3A_649, %mul3A_706 : i32
        %add3A_708 = arith.constant 3 : i32
        %add3A_709 = arith.addi %mul3A_707, %add3A_708 : i32
        %mul3A_710 = arith.constant 16 : i32
        %mul3A_711 = arith.muli %add3A_709, %mul3A_710 : i32
        %get3A_712 = arith.index_cast %mul3A_711 : i32 to index
        %get3A_713 = tpu.vector_load %arg8[%get3A_712] {strides = array<i32>} : memref<1280xi32, #tpu.memory_space<vmem>>, vector<16xi32>,
        %ge3A_714 = arith.cmpf oge, %get3A_657, %scan3A_372 : vector<16xf32>
        tpu.vector_store_idx %arg6[%get3A_689], %broadcast_in_dim3A_3 masked %ge3A_714 : memref<32768xf32, #tpu.memory_space<vmem>>[vector<16xi32>], vector<16xf32>, vector<16xi1>
        %ge3A_715 = arith.cmpf oge, %get3A_665, %scan3A_372 : vector<16xf32>
        tpu.vector_store_idx %arg6[%get3A_697], %broadcast_in_dim3A_3 masked %ge3A_715 : memref<32768xf32, #tpu.memory_space<vmem>>[vector<16xi32>], vector<16xf32>, vector<16xi1>
        %ge3A_716 = arith.cmpf oge, %get3A_673, %scan3A_372 : vector<16xf32>
        tpu.vector_store_idx %arg6[%get3A_705], %broadcast_in_dim3A_3 masked %ge3A_716 : memref<32768xf32, #tpu.memory_space<vmem>>[vector<16xi32>], vector<16xf32>, vector<16xi1>
        %ge3A_717 = arith.cmpf oge, %get3A_681, %scan3A_372 : vector<16xf32>
        tpu.vector_store_idx %arg6[%get3A_713], %broadcast_in_dim3A_3 masked %ge3A_717 : memref<32768xf32, #tpu.memory_space<vmem>>[vector<16xi32>], vector<16xf32>, vector<16xi1>
        %while3A_718 = arith.constant 0 : i32
        scf.yield %while3A_718 : i32
      }
      %while3A_482 = arith.constant 0 : i32
      %while3A_483 = arith.constant 0 : i32
      %while3A_484 = arith.subi %select_n3A_443, %while3A_482 : i32
      %while3A_485 = arith.addi %while3A_482, %while3A_484 : i32
      %while3A_486 = arith.constant 1 : i32
      %while3A_487 = arith.divsi %while3A_484, %while3A_486 : i32
      %while3A_488 = arith.muli %while3A_487, %while3A_486 : i32
      %while3A_489 = arith.addi %while3A_482, %while3A_488 : i32
      %while3A_490 = arith.constant 1 : i32
      %while3A_491 = scf.for %while3A_649 = %while3A_482 to %while3A_489 step %while3A_490 iter_args(%while3A_650 = %while3A_483) -> (i32)  : i32 {
        %mul3A_651 = arith.constant 4 : i32
        %mul3A_652 = arith.muli %while3A_649, %mul3A_651 : i32
        %add3A_653 = arith.constant 0 : i32
        %add3A_654 = arith.addi %mul3A_652, %add3A_653 : i32
        %mul3A_655 = arith.constant 16 : i32
        %mul3A_656 = arith.muli %add3A_654, %mul3A_655 : i32
        %get3A = arith.index_cast %mul3A_656 : i32 to index
        %get3A_657 = tpu.vector_load %arg9[%get3A] {strides = array<i32>} : memref<1280xf32, #tpu.memory_space<vmem>>, vector<16xf32>,
        %mul3A_658 = arith.constant 4 : i32
        %mul3A_659 = arith.muli %while3A_649, %mul3A_658 : i32
        %add3A_660 = arith.constant 1 : i32
        %add3A_661 = arith.addi %mul3A_659, %add3A_660 : i32
        %mul3A_662 = arith.constant 16 : i32
        %mul3A_663 = arith.muli %add3A_661, %mul3A_662 : i32
        %get3A_664 = arith.index_cast %mul3A_663 : i32 to index
        %get3A_665 = tpu.vector_load %arg9[%get3A_664] {strides = array<i32>} : memref<1280xf32, #tpu.memory_space<vmem>>, vector<16xf32>,
        %mul3A_666 = arith.constant 4 : i32
        %mul3A_667 = arith.muli %while3A_649, %mul3A_666 : i32
        %add3A_668 = arith.constant 2 : i32
        %add3A_669 = arith.addi %mul3A_667, %add3A_668 : i32
        %mul3A_670 = arith.constant 16 : i32
        %mul3A_671 = arith.muli %add3A_669, %mul3A_670 : i32
        %get3A_672 = arith.index_cast %mul3A_671 : i32 to index
        %get3A_673 = tpu.vector_load %arg9[%get3A_672] {strides = array<i32>} : memref<1280xf32, #tpu.memory_space<vmem>>, vector<16xf32>,
        %mul3A_674 = arith.constant 4 : i32
        %mul3A_675 = arith.muli %while3A_649, %mul3A_674 : i32
        %add3A_676 = arith.constant 3 : i32
        %add3A_677 = arith.addi %mul3A_675, %add3A_676 : i32
        %mul3A_678 = arith.constant 16 : i32
        %mul3A_679 = arith.muli %add3A_677, %mul3A_678 : i32
        %get3A_680 = arith.index_cast %mul3A_679 : i32 to index
        %get3A_681 = tpu.vector_load %arg9[%get3A_680] {strides = array<i32>} : memref<1280xf32, #tpu.memory_space<vmem>>, vector<16xf32>,
        %mul3A_682 = arith.constant 4 : i32
        %mul3A_683 = arith.muli %while3A_649, %mul3A_682 : i32
        %add3A_684 = arith.constant 0 : i32
        %add3A_685 = arith.addi %mul3A_683, %add3A_684 : i32
        %mul3A_686 = arith.constant 16 : i32
        %mul3A_687 = arith.muli %add3A_685, %mul3A_686 : i32
        %get3A_688 = arith.index_cast %mul3A_687 : i32 to index
        %get3A_689 = tpu.vector_load %arg7[%get3A_688] {strides = array<i32>} : memref<1280xi32, #tpu.memory_space<vmem>>, vector<16xi32>,
        %mul3A_690 = arith.constant 4 : i32
        %mul3A_691 = arith.muli %while3A_649, %mul3A_690 : i32
        %add3A_692 = arith.constant 1 : i32
        %add3A_693 = arith.addi %mul3A_691, %add3A_692 : i32
        %mul3A_694 = arith.constant 16 : i32
        %mul3A_695 = arith.muli %add3A_693, %mul3A_694 : i32
        %get3A_696 = arith.index_cast %mul3A_695 : i32 to index
        %get3A_697 = tpu.vector_load %arg7[%get3A_696] {strides = array<i32>} : memref<1280xi32, #tpu.memory_space<vmem>>, vector<16xi32>,
        %mul3A_698 = arith.constant 4 : i32
        %mul3A_699 = arith.muli %while3A_649, %mul3A_698 : i32
        %add3A_700 = arith.constant 2 : i32
        %add3A_701 = arith.addi %mul3A_699, %add3A_700 : i32
        %mul3A_702 = arith.constant 16 : i32
        %mul3A_703 = arith.muli %add3A_701, %mul3A_702 : i32
        %get3A_704 = arith.index_cast %mul3A_703 : i32 to index
        %get3A_705 = tpu.vector_load %arg7[%get3A_704] {strides = array<i32>} : memref<1280xi32, #tpu.memory_space<vmem>>, vector<16xi32>,
        %mul3A_706 = arith.constant 4 : i32
        %mul3A_707 = arith.muli %while3A_649, %mul3A_706 : i32
        %add3A_708 = arith.constant 3 : i32
        %add3A_709 = arith.addi %mul3A_707, %add3A_708 : i32
        %mul3A_710 = arith.constant 16 : i32
        %mul3A_711 = arith.muli %add3A_709, %mul3A_710 : i32
        %get3A_712 = arith.index_cast %mul3A_711 : i32 to index
        %get3A_713 = tpu.vector_load %arg7[%get3A_712] {strides = array<i32>} : memref<1280xi32, #tpu.memory_space<vmem>>, vector<16xi32>,
        %ge3A_714 = arith.cmpf oge, %get3A_657, %bitcast3A : vector<16xf32>
        tpu.vector_store_idx %arg6[%get3A_689], %get3A_657 masked %ge3A_714 : memref<32768xf32, #tpu.memory_space<vmem>>[vector<16xi32>], vector<16xf32>, vector<16xi1>
        %ge3A_715 = arith.cmpf oge, %get3A_665, %bitcast3A : vector<16xf32>
        tpu.vector_store_idx %arg6[%get3A_697], %get3A_665 masked %ge3A_715 : memref<32768xf32, #tpu.memory_space<vmem>>[vector<16xi32>], vector<16xf32>, vector<16xi1>
        %ge3A_716 = arith.cmpf oge, %get3A_673, %bitcast3A : vector<16xf32>
        tpu.vector_store_idx %arg6[%get3A_705], %get3A_673 masked %ge3A_716 : memref<32768xf32, #tpu.memory_space<vmem>>[vector<16xi32>], vector<16xf32>, vector<16xi1>
        %ge3A_717 = arith.cmpf oge, %get3A_681, %bitcast3A : vector<16xf32>
        tpu.vector_store_idx %arg6[%get3A_713], %get3A_681 masked %ge3A_717 : memref<32768xf32, #tpu.memory_space<vmem>>[vector<16xi32>], vector<16xf32>, vector<16xi1>
        %while3A_718 = arith.constant 0 : i32
        scf.yield %while3A_718 : i32
      }
      %while3A_492 = arith.constant 1 : i32
      %while3A_493 = scf.for %while3A_649 = %while3A_489 to %while3A_485 step %while3A_492 iter_args(%while3A_650 = %while3A_491) -> (i32)  : i32 {
        %mul3A_651 = arith.constant 4 : i32
        %mul3A_652 = arith.muli %while3A_649, %mul3A_651 : i32
        %add3A_653 = arith.constant 0 : i32
        %add3A_654 = arith.addi %mul3A_652, %add3A_653 : i32
        %mul3A_655 = arith.constant 16 : i32
        %mul3A_656 = arith.muli %add3A_654, %mul3A_655 : i32
        %get3A = arith.index_cast %mul3A_656 : i32 to index
        %get3A_657 = tpu.vector_load %arg9[%get3A] {strides = array<i32>} : memref<1280xf32, #tpu.memory_space<vmem>>, vector<16xf32>,
        %mul3A_658 = arith.constant 4 : i32
        %mul3A_659 = arith.muli %while3A_649, %mul3A_658 : i32
        %add3A_660 = arith.constant 1 : i32
        %add3A_661 = arith.addi %mul3A_659, %add3A_660 : i32
        %mul3A_662 = arith.constant 16 : i32
        %mul3A_663 = arith.muli %add3A_661, %mul3A_662 : i32
        %get3A_664 = arith.index_cast %mul3A_663 : i32 to index
        %get3A_665 = tpu.vector_load %arg9[%get3A_664] {strides = array<i32>} : memref<1280xf32, #tpu.memory_space<vmem>>, vector<16xf32>,
        %mul3A_666 = arith.constant 4 : i32
        %mul3A_667 = arith.muli %while3A_649, %mul3A_666 : i32
        %add3A_668 = arith.constant 2 : i32
        %add3A_669 = arith.addi %mul3A_667, %add3A_668 : i32
        %mul3A_670 = arith.constant 16 : i32
        %mul3A_671 = arith.muli %add3A_669, %mul3A_670 : i32
        %get3A_672 = arith.index_cast %mul3A_671 : i32 to index
        %get3A_673 = tpu.vector_load %arg9[%get3A_672] {strides = array<i32>} : memref<1280xf32, #tpu.memory_space<vmem>>, vector<16xf32>,
        %mul3A_674 = arith.constant 4 : i32
        %mul3A_675 = arith.muli %while3A_649, %mul3A_674 : i32
        %add3A_676 = arith.constant 3 : i32
        %add3A_677 = arith.addi %mul3A_675, %add3A_676 : i32
        %mul3A_678 = arith.constant 16 : i32
        %mul3A_679 = arith.muli %add3A_677, %mul3A_678 : i32
        %get3A_680 = arith.index_cast %mul3A_679 : i32 to index
        %get3A_681 = tpu.vector_load %arg9[%get3A_680] {strides = array<i32>} : memref<1280xf32, #tpu.memory_space<vmem>>, vector<16xf32>,
        %mul3A_682 = arith.constant 4 : i32
        %mul3A_683 = arith.muli %while3A_649, %mul3A_682 : i32
        %add3A_684 = arith.constant 0 : i32
        %add3A_685 = arith.addi %mul3A_683, %add3A_684 : i32
        %mul3A_686 = arith.constant 16 : i32
        %mul3A_687 = arith.muli %add3A_685, %mul3A_686 : i32
        %get3A_688 = arith.index_cast %mul3A_687 : i32 to index
        %get3A_689 = tpu.vector_load %arg7[%get3A_688] {strides = array<i32>} : memref<1280xi32, #tpu.memory_space<vmem>>, vector<16xi32>,
        %mul3A_690 = arith.constant 4 : i32
        %mul3A_691 = arith.muli %while3A_649, %mul3A_690 : i32
        %add3A_692 = arith.constant 1 : i32
        %add3A_693 = arith.addi %mul3A_691, %add3A_692 : i32
        %mul3A_694 = arith.constant 16 : i32
        %mul3A_695 = arith.muli %add3A_693, %mul3A_694 : i32
        %get3A_696 = arith.index_cast %mul3A_695 : i32 to index
        %get3A_697 = tpu.vector_load %arg7[%get3A_696] {strides = array<i32>} : memref<1280xi32, #tpu.memory_space<vmem>>, vector<16xi32>,
        %mul3A_698 = arith.constant 4 : i32
        %mul3A_699 = arith.muli %while3A_649, %mul3A_698 : i32
        %add3A_700 = arith.constant 2 : i32
        %add3A_701 = arith.addi %mul3A_699, %add3A_700 : i32
        %mul3A_702 = arith.constant 16 : i32
        %mul3A_703 = arith.muli %add3A_701, %mul3A_702 : i32
        %get3A_704 = arith.index_cast %mul3A_703 : i32 to index
        %get3A_705 = tpu.vector_load %arg7[%get3A_704] {strides = array<i32>} : memref<1280xi32, #tpu.memory_space<vmem>>, vector<16xi32>,
        %mul3A_706 = arith.constant 4 : i32
        %mul3A_707 = arith.muli %while3A_649, %mul3A_706 : i32
        %add3A_708 = arith.constant 3 : i32
        %add3A_709 = arith.addi %mul3A_707, %add3A_708 : i32
        %mul3A_710 = arith.constant 16 : i32
        %mul3A_711 = arith.muli %add3A_709, %mul3A_710 : i32
        %get3A_712 = arith.index_cast %mul3A_711 : i32 to index
        %get3A_713 = tpu.vector_load %arg7[%get3A_712] {strides = array<i32>} : memref<1280xi32, #tpu.memory_space<vmem>>, vector<16xi32>,
        %ge3A_714 = arith.cmpf oge, %get3A_657, %bitcast3A : vector<16xf32>
        tpu.vector_store_idx %arg6[%get3A_689], %get3A_657 masked %ge3A_714 : memref<32768xf32, #tpu.memory_space<vmem>>[vector<16xi32>], vector<16xf32>, vector<16xi1>
        %ge3A_715 = arith.cmpf oge, %get3A_665, %bitcast3A : vector<16xf32>
        tpu.vector_store_idx %arg6[%get3A_697], %get3A_665 masked %ge3A_715 : memref<32768xf32, #tpu.memory_space<vmem>>[vector<16xi32>], vector<16xf32>, vector<16xi1>
        %ge3A_716 = arith.cmpf oge, %get3A_673, %bitcast3A : vector<16xf32>
        tpu.vector_store_idx %arg6[%get3A_705], %get3A_673 masked %ge3A_716 : memref<32768xf32, #tpu.memory_space<vmem>>[vector<16xi32>], vector<16xf32>, vector<16xi1>
        %ge3A_717 = arith.cmpf oge, %get3A_681, %bitcast3A : vector<16xf32>
        tpu.vector_store_idx %arg6[%get3A_713], %get3A_681 masked %ge3A_717 : memref<32768xf32, #tpu.memory_space<vmem>>[vector<16xi32>], vector<16xf32>, vector<16xi1>
        %while3A_718 = arith.constant 0 : i32
        scf.yield %while3A_718 : i32
      }
      %dma_start3A_494 = arith.constant 0 : i32
      %dma_start3A_495 = tpu.memref_slice %arg3[%add3A_378, %dma_start3A_494] : memref<4096x32768xf32, #tpu.memory_space<hbm>> -> memref<1x32768xf32, #tpu.memory_space<hbm>>
      %dma_start3A_496 = tpu.memref_squeeze %dma_start3A_495 : memref<1x32768xf32, #tpu.memory_space<hbm>> -> memref<32768xf32, #tpu.memory_space<hbm>>
      %dma_start3A_497 = arith.constant 0 : i32
      %dma_start3A_498 = tpu.memref_slice %arg3[%add3A_378, %dma_start3A_497] : memref<4096x32768xf32, #tpu.memory_space<hbm>> -> memref<1x32768xf32, #tpu.memory_space<hbm>>
      %dma_start3A_499 = tpu.memref_squeeze %dma_start3A_498 : memref<1x32768xf32, #tpu.memory_space<hbm>> -> memref<32768xf32, #tpu.memory_space<hbm>>
      tpu.enqueue_dma source(%arg6 : memref<32768xf32, #tpu.memory_space<vmem>>) target(%dma_start3A_499 : memref<32768xf32, #tpu.memory_space<hbm>>) target_semaphore(%arg13 : memref<!tpu.dma_semaphore, #tpu.memory_space<semaphore_mem>>)
      %mul3A_500 = arith.constant 2 : i32
      %mul3A_501 = arith.muli %mul3A_500, %scan3A_371 : i32
      %add3A_502 = arith.addi %mul3A_2, %mul3A_501 : i32
      %add3A_503 = arith.constant 1 : i32
      %add3A_504 = arith.addi %add3A_502, %add3A_503 : i32
      %dma_wait3A_505 = arith.constant 0 : i32
      %dma_wait3A_506 = tpu.memref_slice %arg2[%mul3A_2, %dma_wait3A_505] : memref<4096x32768xf32, #tpu.memory_space<hbm>> -> memref<1x32768xf32, #tpu.memory_space<hbm>>
      %dma_wait3A_507 = tpu.memref_squeeze %dma_wait3A_506 : memref<1x32768xf32, #tpu.memory_space<hbm>> -> memref<32768xf32, #tpu.memory_space<hbm>>
      %dma_wait3A_508 = arith.constant 0 : i32
      %dma_wait3A_509 = tpu.memref_slice %arg2[%mul3A_2, %dma_wait3A_508] : memref<4096x32768xf32, #tpu.memory_space<hbm>> -> memref<1x32768xf32, #tpu.memory_space<hbm>>
      %dma_wait3A_510 = tpu.memref_squeeze %dma_wait3A_509 : memref<1x32768xf32, #tpu.memory_space<hbm>> -> memref<32768xf32, #tpu.memory_space<hbm>>
      tpu.wait_dma2 semaphore(%arg12 : memref<!tpu.dma_semaphore, #tpu.memory_space<semaphore_mem>>) src(%dma_wait3A_510 : memref<32768xf32, #tpu.memory_space<hbm>>) dst(%arg5 : memref<32768xf32, #tpu.memory_space<vmem>>)
      %scan3A_511 = arith.constant 0 : i32
      %scan3A_512 = arith.constant 128 : i32
      %scan3A_513 = arith.addi %scan3A_511, %scan3A_512 : i32
      %scan3A_514 = arith.constant 1 : i32
      %scan3A_515:4 = scf.for %scan3A_649 = %scan3A_511 to %scan3A_513 step %scan3A_514 iter_args(%scan3A_650 = %broadcast_in_dim3A_3, %scan3A_651 = %broadcast_in_dim3A_3, %scan3A_652 = %broadcast_in_dim3A_3, %scan3A_653 = %broadcast_in_dim3A_3) -> (vector<16xf32>, vector<16xf32>, vector<16xf32>, vector<16xf32>)  : i32 {
        %mul3A_654 = arith.constant 16 : i32
        %mul3A_655 = arith.muli %scan3A_649, %mul3A_654 : i32
        %add3A_656 = arith.constant 0 : i32
        %add3A_657 = arith.addi %mul3A_655, %add3A_656 : i32
        %mul3A_658 = arith.constant 16 : i32
        %mul3A_659 = arith.muli %add3A_657, %mul3A_658 : i32
        %get3A = arith.index_cast %mul3A_659 : i32 to index
        %get3A_660 = tpu.vector_load %arg5[%get3A] {strides = array<i32>} : memref<32768xf32, #tpu.memory_space<vmem>>, vector<16xf32>,
        %max3A_661 = arith.maximumf %broadcast_in_dim3A_3, %get3A_660 : vector<16xf32>
        %mul3A_662 = arith.constant 16 : i32
        %mul3A_663 = arith.muli %scan3A_649, %mul3A_662 : i32
        %add3A_664 = arith.constant 1 : i32
        %add3A_665 = arith.addi %mul3A_663, %add3A_664 : i32
        %mul3A_666 = arith.constant 16 : i32
        %mul3A_667 = arith.muli %add3A_665, %mul3A_666 : i32
        %get3A_668 = arith.index_cast %mul3A_667 : i32 to index
        %get3A_669 = tpu.vector_load %arg5[%get3A_668] {strides = array<i32>} : memref<32768xf32, #tpu.memory_space<vmem>>, vector<16xf32>,
        %max3A_670 = arith.maximumf %max3A_661, %get3A_669 : vector<16xf32>
        %mul3A_671 = arith.constant 16 : i32
        %mul3A_672 = arith.muli %scan3A_649, %mul3A_671 : i32
        %add3A_673 = arith.constant 2 : i32
        %add3A_674 = arith.addi %mul3A_672, %add3A_673 : i32
        %mul3A_675 = arith.constant 16 : i32
        %mul3A_676 = arith.muli %add3A_674, %mul3A_675 : i32
        %get3A_677 = arith.index_cast %mul3A_676 : i32 to index
        %get3A_678 = tpu.vector_load %arg5[%get3A_677] {strides = array<i32>} : memref<32768xf32, #tpu.memory_space<vmem>>, vector<16xf32>,
        %max3A_679 = arith.maximumf %max3A_670, %get3A_678 : vector<16xf32>
        %mul3A_680 = arith.constant 16 : i32
        %mul3A_681 = arith.muli %scan3A_649, %mul3A_680 : i32
        %add3A_682 = arith.constant 3 : i32
        %add3A_683 = arith.addi %mul3A_681, %add3A_682 : i32
        %mul3A_684 = arith.constant 16 : i32
        %mul3A_685 = arith.muli %add3A_683, %mul3A_684 : i32
        %get3A_686 = arith.index_cast %mul3A_685 : i32 to index
        %get3A_687 = tpu.vector_load %arg5[%get3A_686] {strides = array<i32>} : memref<32768xf32, #tpu.memory_space<vmem>>, vector<16xf32>,
        %max3A_688 = arith.maximumf %max3A_679, %get3A_687 : vector<16xf32>
        %mul3A_689 = arith.constant 16 : i32
        %mul3A_690 = arith.muli %scan3A_649, %mul3A_689 : i32
        %add3A_691 = arith.constant 4 : i32
        %add3A_692 = arith.addi %mul3A_690, %add3A_691 : i32
        %mul3A_693 = arith.constant 16 : i32
        %mul3A_694 = arith.muli %add3A_692, %mul3A_693 : i32
        %get3A_695 = arith.index_cast %mul3A_694 : i32 to index
        %get3A_696 = tpu.vector_load %arg5[%get3A_695] {strides = array<i32>} : memref<32768xf32, #tpu.memory_space<vmem>>, vector<16xf32>,
        %max3A_697 = arith.maximumf %max3A_688, %get3A_696 : vector<16xf32>
        %mul3A_698 = arith.constant 16 : i32
        %mul3A_699 = arith.muli %scan3A_649, %mul3A_698 : i32
        %add3A_700 = arith.constant 5 : i32
        %add3A_701 = arith.addi %mul3A_699, %add3A_700 : i32
        %mul3A_702 = arith.constant 16 : i32
        %mul3A_703 = arith.muli %add3A_701, %mul3A_702 : i32
        %get3A_704 = arith.index_cast %mul3A_703 : i32 to index
        %get3A_705 = tpu.vector_load %arg5[%get3A_704] {strides = array<i32>} : memref<32768xf32, #tpu.memory_space<vmem>>, vector<16xf32>,
        %max3A_706 = arith.maximumf %max3A_697, %get3A_705 : vector<16xf32>
        %mul3A_707 = arith.constant 16 : i32
        %mul3A_708 = arith.muli %scan3A_649, %mul3A_707 : i32
        %add3A_709 = arith.constant 6 : i32
        %add3A_710 = arith.addi %mul3A_708, %add3A_709 : i32
        %mul3A_711 = arith.constant 16 : i32
        %mul3A_712 = arith.muli %add3A_710, %mul3A_711 : i32
        %get3A_713 = arith.index_cast %mul3A_712 : i32 to index
        %get3A_714 = tpu.vector_load %arg5[%get3A_713] {strides = array<i32>} : memref<32768xf32, #tpu.memory_space<vmem>>, vector<16xf32>,
        %max3A_715 = arith.maximumf %max3A_706, %get3A_714 : vector<16xf32>
        %mul3A_716 = arith.constant 16 : i32
        %mul3A_717 = arith.muli %scan3A_649, %mul3A_716 : i32
        %add3A_718 = arith.constant 7 : i32
        %add3A_719 = arith.addi %mul3A_717, %add3A_718 : i32
        %mul3A_720 = arith.constant 16 : i32
        %mul3A_721 = arith.muli %add3A_719, %mul3A_720 : i32
        %get3A_722 = arith.index_cast %mul3A_721 : i32 to index
        %get3A_723 = tpu.vector_load %arg5[%get3A_722] {strides = array<i32>} : memref<32768xf32, #tpu.memory_space<vmem>>, vector<16xf32>,
        %max3A_724 = arith.maximumf %max3A_715, %get3A_723 : vector<16xf32>
        %mul3A_725 = arith.constant 16 : i32
        %mul3A_726 = arith.muli %scan3A_649, %mul3A_725 : i32
        %add3A_727 = arith.constant 8 : i32
        %add3A_728 = arith.addi %mul3A_726, %add3A_727 : i32
        %mul3A_729 = arith.constant 16 : i32
        %mul3A_730 = arith.muli %add3A_728, %mul3A_729 : i32
        %get3A_731 = arith.index_cast %mul3A_730 : i32 to index
        %get3A_732 = tpu.vector_load %arg5[%get3A_731] {strides = array<i32>} : memref<32768xf32, #tpu.memory_space<vmem>>, vector<16xf32>,
        %max3A_733 = arith.maximumf %max3A_724, %get3A_732 : vector<16xf32>
        %mul3A_734 = arith.constant 16 : i32
        %mul3A_735 = arith.muli %scan3A_649, %mul3A_734 : i32
        %add3A_736 = arith.constant 9 : i32
        %add3A_737 = arith.addi %mul3A_735, %add3A_736 : i32
        %mul3A_738 = arith.constant 16 : i32
        %mul3A_739 = arith.muli %add3A_737, %mul3A_738 : i32
        %get3A_740 = arith.index_cast %mul3A_739 : i32 to index
        %get3A_741 = tpu.vector_load %arg5[%get3A_740] {strides = array<i32>} : memref<32768xf32, #tpu.memory_space<vmem>>, vector<16xf32>,
        %max3A_742 = arith.maximumf %max3A_733, %get3A_741 : vector<16xf32>
        %mul3A_743 = arith.constant 16 : i32
        %mul3A_744 = arith.muli %scan3A_649, %mul3A_743 : i32
        %add3A_745 = arith.constant 10 : i32
        %add3A_746 = arith.addi %mul3A_744, %add3A_745 : i32
        %mul3A_747 = arith.constant 16 : i32
        %mul3A_748 = arith.muli %add3A_746, %mul3A_747 : i32
        %get3A_749 = arith.index_cast %mul3A_748 : i32 to index
        %get3A_750 = tpu.vector_load %arg5[%get3A_749] {strides = array<i32>} : memref<32768xf32, #tpu.memory_space<vmem>>, vector<16xf32>,
        %max3A_751 = arith.maximumf %max3A_742, %get3A_750 : vector<16xf32>
        %mul3A_752 = arith.constant 16 : i32
        %mul3A_753 = arith.muli %scan3A_649, %mul3A_752 : i32
        %add3A_754 = arith.constant 11 : i32
        %add3A_755 = arith.addi %mul3A_753, %add3A_754 : i32
        %mul3A_756 = arith.constant 16 : i32
        %mul3A_757 = arith.muli %add3A_755, %mul3A_756 : i32
        %get3A_758 = arith.index_cast %mul3A_757 : i32 to index
        %get3A_759 = tpu.vector_load %arg5[%get3A_758] {strides = array<i32>} : memref<32768xf32, #tpu.memory_space<vmem>>, vector<16xf32>,
        %max3A_760 = arith.maximumf %max3A_751, %get3A_759 : vector<16xf32>
        %mul3A_761 = arith.constant 16 : i32
        %mul3A_762 = arith.muli %scan3A_649, %mul3A_761 : i32
        %add3A_763 = arith.constant 12 : i32
        %add3A_764 = arith.addi %mul3A_762, %add3A_763 : i32
        %mul3A_765 = arith.constant 16 : i32
        %mul3A_766 = arith.muli %add3A_764, %mul3A_765 : i32
        %get3A_767 = arith.index_cast %mul3A_766 : i32 to index
        %get3A_768 = tpu.vector_load %arg5[%get3A_767] {strides = array<i32>} : memref<32768xf32, #tpu.memory_space<vmem>>, vector<16xf32>,
        %max3A_769 = arith.maximumf %max3A_760, %get3A_768 : vector<16xf32>
        %mul3A_770 = arith.constant 16 : i32
        %mul3A_771 = arith.muli %scan3A_649, %mul3A_770 : i32
        %add3A_772 = arith.constant 13 : i32
        %add3A_773 = arith.addi %mul3A_771, %add3A_772 : i32
        %mul3A_774 = arith.constant 16 : i32
        %mul3A_775 = arith.muli %add3A_773, %mul3A_774 : i32
        %get3A_776 = arith.index_cast %mul3A_775 : i32 to index
        %get3A_777 = tpu.vector_load %arg5[%get3A_776] {strides = array<i32>} : memref<32768xf32, #tpu.memory_space<vmem>>, vector<16xf32>,
        %max3A_778 = arith.maximumf %max3A_769, %get3A_777 : vector<16xf32>
        %mul3A_779 = arith.constant 16 : i32
        %mul3A_780 = arith.muli %scan3A_649, %mul3A_779 : i32
        %add3A_781 = arith.constant 14 : i32
        %add3A_782 = arith.addi %mul3A_780, %add3A_781 : i32
        %mul3A_783 = arith.constant 16 : i32
        %mul3A_784 = arith.muli %add3A_782, %mul3A_783 : i32
        %get3A_785 = arith.index_cast %mul3A_784 : i32 to index
        %get3A_786 = tpu.vector_load %arg5[%get3A_785] {strides = array<i32>} : memref<32768xf32, #tpu.memory_space<vmem>>, vector<16xf32>,
        %max3A_787 = arith.maximumf %max3A_778, %get3A_786 : vector<16xf32>
        %mul3A_788 = arith.constant 16 : i32
        %mul3A_789 = arith.muli %scan3A_649, %mul3A_788 : i32
        %add3A_790 = arith.constant 15 : i32
        %add3A_791 = arith.addi %mul3A_789, %add3A_790 : i32
        %mul3A_792 = arith.constant 16 : i32
        %mul3A_793 = arith.muli %add3A_791, %mul3A_792 : i32
        %get3A_794 = arith.index_cast %mul3A_793 : i32 to index
        %get3A_795 = tpu.vector_load %arg5[%get3A_794] {strides = array<i32>} : memref<32768xf32, #tpu.memory_space<vmem>>, vector<16xf32>,
        %max3A_796 = arith.maximumf %max3A_787, %get3A_795 : vector<16xf32>
        %max3A_797 = arith.maximumf %scan3A_650, %max3A_796 : vector<16xf32>
        %min3A_798 = arith.minimumf %scan3A_650, %max3A_796 : vector<16xf32>
        %max3A_799 = arith.maximumf %scan3A_651, %min3A_798 : vector<16xf32>
        %min3A_800 = arith.minimumf %scan3A_651, %min3A_798 : vector<16xf32>
        %max3A_801 = arith.maximumf %scan3A_652, %min3A_800 : vector<16xf32>
        %min3A_802 = arith.minimumf %scan3A_652, %min3A_800 : vector<16xf32>
        %max3A_803 = arith.maximumf %scan3A_653, %min3A_802 : vector<16xf32>
        scf.yield %max3A_797, %max3A_799, %max3A_801, %max3A_803 : vector<16xf32>, vector<16xf32>, vector<16xf32>, vector<16xf32>
      }
      %scan3A_516 = arith.constant 128 : i32
      %max3A_517 = arith.maximumf %scan3A_515#3, %broadcast_in_dim3A_15 : vector<16xf32>
      %neg3A_518 = arith.constant 0.000000e+00 : f32
      %neg3A_519 = vector.broadcast %neg3A_518 : f32 to vector<16xf32>
      %neg3A_520 = arith.subf %neg3A_519, %max3A_517 : vector<16xf32>
      %broadcast_in_dim3A_521 = arith.constant true
      %broadcast_in_dim3A_522 = vector.broadcast %broadcast_in_dim3A_521 : i1 to vector<16xi1>
      %masked_cummax3A_523 = tpu.scan <max>, %neg3A_520 masked %broadcast_in_dim3A_522 : vector<16xf32>, vector<16xi1> -> vector<16xf32>
      %neg3A_524 = arith.constant 0.000000e+00 : f32
      %neg3A_525 = vector.broadcast %neg3A_524 : f32 to vector<16xf32>
      %neg3A_526 = arith.subf %neg3A_525, %masked_cummax3A_523 : vector<16xf32>
      %lt3A_527 = arith.constant 0 : i32
      %lt3A_528 = vector.broadcast %lt3A_527 : i32 to vector<16xi32>
      %lt3A_529 = arith.cmpi slt, %broadcast_in_dim3A_11, %lt3A_528 : vector<16xi32>
      %add3A_530 = arith.constant 16 : i32
      %add3A_531 = vector.broadcast %add3A_530 : i32 to vector<16xi32>
      %add3A_532 = arith.addi %broadcast_in_dim3A_11, %add3A_531 : vector<16xi32>
      %select_n3A_533 = arith.select %lt3A_529, %add3A_532, %broadcast_in_dim3A_11 : vector<16xi1>, vector<16xi32>
      %broadcast_in_dim3A_534 = vector.shape_cast %select_n3A_533 : vector<16xi32> to vector<16x1xi32>
      %gather3A_535 = vector.shape_cast %broadcast_in_dim3A_534 : vector<16x1xi32> to vector<16xi32>
      %gather3A_536 = tpu.dynamic_gather %neg3A_526[%gather3A_535] in [0] : vector<16xf32>, vector<16xi32> -> vector<16xf32>
      %scan3A_537 = arith.constant 0 : i32
      %scan3A_538 = arith.constant 256 : i32
      %scan3A_539 = arith.addi %scan3A_537, %scan3A_538 : i32
      %scan3A_540 = arith.constant 1 : i32
      %scan3A_541:2 = scf.for %scan3A_649 = %scan3A_537 to %scan3A_539 step %scan3A_540 iter_args(%scan3A_650 = %iota3A, %scan3A_651 = %iota3A) -> (vector<16xi32>, vector<16xi32>)  : i32 {
        %mul3A_652 = arith.constant 8 : i32
        %mul3A_653 = arith.muli %scan3A_649, %mul3A_652 : i32
        %add3A_654 = arith.constant 0 : i32
        %add3A_655 = arith.addi %mul3A_653, %add3A_654 : i32
        %mul3A_656 = arith.constant 16 : i32
        %mul3A_657 = arith.muli %add3A_655, %mul3A_656 : i32
        %get3A = arith.index_cast %mul3A_657 : i32 to index
        %get3A_658 = tpu.vector_load %arg5[%get3A] {strides = array<i32>} : memref<32768xf32, #tpu.memory_space<vmem>>, vector<16xf32>,
        %mul3A_659 = arith.constant 8 : i32
        %mul3A_660 = arith.muli %scan3A_649, %mul3A_659 : i32
        %add3A_661 = arith.constant 1 : i32
        %add3A_662 = arith.addi %mul3A_660, %add3A_661 : i32
        %mul3A_663 = arith.constant 16 : i32
        %mul3A_664 = arith.muli %add3A_662, %mul3A_663 : i32
        %get3A_665 = arith.index_cast %mul3A_664 : i32 to index
        %get3A_666 = tpu.vector_load %arg5[%get3A_665] {strides = array<i32>} : memref<32768xf32, #tpu.memory_space<vmem>>, vector<16xf32>,
        %mul3A_667 = arith.constant 8 : i32
        %mul3A_668 = arith.muli %scan3A_649, %mul3A_667 : i32
        %add3A_669 = arith.constant 2 : i32
        %add3A_670 = arith.addi %mul3A_668, %add3A_669 : i32
        %mul3A_671 = arith.constant 16 : i32
        %mul3A_672 = arith.muli %add3A_670, %mul3A_671 : i32
        %get3A_673 = arith.index_cast %mul3A_672 : i32 to index
        %get3A_674 = tpu.vector_load %arg5[%get3A_673] {strides = array<i32>} : memref<32768xf32, #tpu.memory_space<vmem>>, vector<16xf32>,
        %mul3A_675 = arith.constant 8 : i32
        %mul3A_676 = arith.muli %scan3A_649, %mul3A_675 : i32
        %add3A_677 = arith.constant 3 : i32
        %add3A_678 = arith.addi %mul3A_676, %add3A_677 : i32
        %mul3A_679 = arith.constant 16 : i32
        %mul3A_680 = arith.muli %add3A_678, %mul3A_679 : i32
        %get3A_681 = arith.index_cast %mul3A_680 : i32 to index
        %get3A_682 = tpu.vector_load %arg5[%get3A_681] {strides = array<i32>} : memref<32768xf32, #tpu.memory_space<vmem>>, vector<16xf32>,
        %mul3A_683 = arith.constant 8 : i32
        %mul3A_684 = arith.muli %scan3A_649, %mul3A_683 : i32
        %add3A_685 = arith.constant 4 : i32
        %add3A_686 = arith.addi %mul3A_684, %add3A_685 : i32
        %mul3A_687 = arith.constant 16 : i32
        %mul3A_688 = arith.muli %add3A_686, %mul3A_687 : i32
        %get3A_689 = arith.index_cast %mul3A_688 : i32 to index
        %get3A_690 = tpu.vector_load %arg5[%get3A_689] {strides = array<i32>} : memref<32768xf32, #tpu.memory_space<vmem>>, vector<16xf32>,
        %mul3A_691 = arith.constant 8 : i32
        %mul3A_692 = arith.muli %scan3A_649, %mul3A_691 : i32
        %add3A_693 = arith.constant 5 : i32
        %add3A_694 = arith.addi %mul3A_692, %add3A_693 : i32
        %mul3A_695 = arith.constant 16 : i32
        %mul3A_696 = arith.muli %add3A_694, %mul3A_695 : i32
        %get3A_697 = arith.index_cast %mul3A_696 : i32 to index
        %get3A_698 = tpu.vector_load %arg5[%get3A_697] {strides = array<i32>} : memref<32768xf32, #tpu.memory_space<vmem>>, vector<16xf32>,
        %mul3A_699 = arith.constant 8 : i32
        %mul3A_700 = arith.muli %scan3A_649, %mul3A_699 : i32
        %add3A_701 = arith.constant 6 : i32
        %add3A_702 = arith.addi %mul3A_700, %add3A_701 : i32
        %mul3A_703 = arith.constant 16 : i32
        %mul3A_704 = arith.muli %add3A_702, %mul3A_703 : i32
        %get3A_705 = arith.index_cast %mul3A_704 : i32 to index
        %get3A_706 = tpu.vector_load %arg5[%get3A_705] {strides = array<i32>} : memref<32768xf32, #tpu.memory_space<vmem>>, vector<16xf32>,
        %mul3A_707 = arith.constant 8 : i32
        %mul3A_708 = arith.muli %scan3A_649, %mul3A_707 : i32
        %add3A_709 = arith.constant 7 : i32
        %add3A_710 = arith.addi %mul3A_708, %add3A_709 : i32
        %mul3A_711 = arith.constant 16 : i32
        %mul3A_712 = arith.muli %add3A_710, %mul3A_711 : i32
        %get3A_713 = arith.index_cast %mul3A_712 : i32 to index
        %get3A_714 = tpu.vector_load %arg5[%get3A_713] {strides = array<i32>} : memref<32768xf32, #tpu.memory_space<vmem>>, vector<16xf32>,
        %ge3A_715 = arith.cmpf oge, %get3A_658, %gather3A_536 : vector<16xf32>
        %ge3A_716 = arith.cmpf oge, %get3A_666, %gather3A_536 : vector<16xf32>
        %ge3A_717 = arith.cmpf oge, %get3A_674, %gather3A_536 : vector<16xf32>
        %ge3A_718 = arith.cmpf oge, %get3A_682, %gather3A_536 : vector<16xf32>
        %ge3A_719 = arith.cmpf oge, %get3A_690, %gather3A_536 : vector<16xf32>
        %ge3A_720 = arith.cmpf oge, %get3A_698, %gather3A_536 : vector<16xf32>
        %ge3A_721 = arith.cmpf oge, %get3A_706, %gather3A_536 : vector<16xf32>
        %ge3A_722 = arith.cmpf oge, %get3A_714, %gather3A_536 : vector<16xf32>
        %select_n3A_723 = arith.select %ge3A_715, %broadcast_in_dim3A_7, %broadcast_in_dim3A_9 : vector<16xi1>, vector<16xi32>
        %select_n3A_724 = arith.select %ge3A_716, %broadcast_in_dim3A_7, %broadcast_in_dim3A_9 : vector<16xi1>, vector<16xi32>
        %select_n3A_725 = arith.select %ge3A_717, %broadcast_in_dim3A_7, %broadcast_in_dim3A_9 : vector<16xi1>, vector<16xi32>
        %select_n3A_726 = arith.select %ge3A_718, %broadcast_in_dim3A_7, %broadcast_in_dim3A_9 : vector<16xi1>, vector<16xi32>
        %select_n3A_727 = arith.select %ge3A_719, %broadcast_in_dim3A_7, %broadcast_in_dim3A_9 : vector<16xi1>, vector<16xi32>
        %select_n3A_728 = arith.select %ge3A_720, %broadcast_in_dim3A_7, %broadcast_in_dim3A_9 : vector<16xi1>, vector<16xi32>
        %select_n3A_729 = arith.select %ge3A_721, %broadcast_in_dim3A_7, %broadcast_in_dim3A_9 : vector<16xi1>, vector<16xi32>
        %select_n3A_730 = arith.select %ge3A_722, %broadcast_in_dim3A_7, %broadcast_in_dim3A_9 : vector<16xi1>, vector<16xi32>
        %add3A_731 = arith.constant 0 : i32
        %add3A_732 = vector.broadcast %add3A_731 : i32 to vector<16xi32>
        %add3A_733 = arith.addi %scan3A_651, %add3A_732 : vector<16xi32>
        %add3A_734 = arith.constant 16 : i32
        %add3A_735 = vector.broadcast %add3A_734 : i32 to vector<16xi32>
        %add3A_736 = arith.addi %scan3A_651, %add3A_735 : vector<16xi32>
        %add3A_737 = arith.constant 32 : i32
        %add3A_738 = vector.broadcast %add3A_737 : i32 to vector<16xi32>
        %add3A_739 = arith.addi %scan3A_651, %add3A_738 : vector<16xi32>
        %add3A_740 = arith.constant 48 : i32
        %add3A_741 = vector.broadcast %add3A_740 : i32 to vector<16xi32>
        %add3A_742 = arith.addi %scan3A_651, %add3A_741 : vector<16xi32>
        %add3A_743 = arith.constant 64 : i32
        %add3A_744 = vector.broadcast %add3A_743 : i32 to vector<16xi32>
        %add3A_745 = arith.addi %scan3A_651, %add3A_744 : vector<16xi32>
        %add3A_746 = arith.constant 80 : i32
        %add3A_747 = vector.broadcast %add3A_746 : i32 to vector<16xi32>
        %add3A_748 = arith.addi %scan3A_651, %add3A_747 : vector<16xi32>
        %add3A_749 = arith.constant 96 : i32
        %add3A_750 = vector.broadcast %add3A_749 : i32 to vector<16xi32>
        %add3A_751 = arith.addi %scan3A_651, %add3A_750 : vector<16xi32>
        %add3A_752 = arith.constant 112 : i32
        %add3A_753 = vector.broadcast %add3A_752 : i32 to vector<16xi32>
        %add3A_754 = arith.addi %scan3A_651, %add3A_753 : vector<16xi32>
        tpu.vector_store_idx %arg8[%scan3A_650], %add3A_733 masked %ge3A_715 : memref<1280xi32, #tpu.memory_space<vmem>>[vector<16xi32>], vector<16xi32>, vector<16xi1>
        %add3A_755 = arith.addi %scan3A_650, %select_n3A_723 : vector<16xi32>
        tpu.vector_store_idx %arg8[%add3A_755], %add3A_736 masked %ge3A_716 : memref<1280xi32, #tpu.memory_space<vmem>>[vector<16xi32>], vector<16xi32>, vector<16xi1>
        %add3A_756 = arith.addi %add3A_755, %select_n3A_724 : vector<16xi32>
        tpu.vector_store_idx %arg8[%add3A_756], %add3A_739 masked %ge3A_717 : memref<1280xi32, #tpu.memory_space<vmem>>[vector<16xi32>], vector<16xi32>, vector<16xi1>
        %add3A_757 = arith.addi %add3A_756, %select_n3A_725 : vector<16xi32>
        tpu.vector_store_idx %arg8[%add3A_757], %add3A_742 masked %ge3A_718 : memref<1280xi32, #tpu.memory_space<vmem>>[vector<16xi32>], vector<16xi32>, vector<16xi1>
        %add3A_758 = arith.addi %add3A_757, %select_n3A_726 : vector<16xi32>
        tpu.vector_store_idx %arg8[%add3A_758], %add3A_745 masked %ge3A_719 : memref<1280xi32, #tpu.memory_space<vmem>>[vector<16xi32>], vector<16xi32>, vector<16xi1>
        %add3A_759 = arith.addi %add3A_758, %select_n3A_727 : vector<16xi32>
        tpu.vector_store_idx %arg8[%add3A_759], %add3A_748 masked %ge3A_720 : memref<1280xi32, #tpu.memory_space<vmem>>[vector<16xi32>], vector<16xi32>, vector<16xi1>
        %add3A_760 = arith.addi %add3A_759, %select_n3A_728 : vector<16xi32>
        tpu.vector_store_idx %arg8[%add3A_760], %add3A_751 masked %ge3A_721 : memref<1280xi32, #tpu.memory_space<vmem>>[vector<16xi32>], vector<16xi32>, vector<16xi1>
        %add3A_761 = arith.addi %add3A_760, %select_n3A_729 : vector<16xi32>
        tpu.vector_store_idx %arg8[%add3A_761], %add3A_754 masked %ge3A_722 : memref<1280xi32, #tpu.memory_space<vmem>>[vector<16xi32>], vector<16xi32>, vector<16xi1>
        %add3A_762 = arith.addi %add3A_761, %select_n3A_730 : vector<16xi32>
        %min3A_763 = arith.minsi %add3A_762, %add3A_18 : vector<16xi32>
        %add3A_764 = arith.constant 128 : i32
        %add3A_765 = vector.broadcast %add3A_764 : i32 to vector<16xi32>
        %add3A_766 = arith.addi %scan3A_651, %add3A_765 : vector<16xi32>
        scf.yield %min3A_763, %add3A_766 : vector<16xi32>, vector<16xi32>
      }
      %scan3A_542 = arith.constant 256 : i32
      %sub3A_543 = arith.subi %scan3A_541#0, %iota3A : vector<16xi32>
      %shift_right_logical3A_544 = arith.constant 4 : i32
      %shift_right_logical3A_545 = vector.broadcast %shift_right_logical3A_544 : i32 to vector<16xi32>
      %shift_right_logical3A_546 = arith.shrui %sub3A_543, %shift_right_logical3A_545 : vector<16xi32>
      %reduce_max3A_547 = arith.constant true
      %reduce_max3A_548 = vector.broadcast %reduce_max3A_547 : i1 to vector<16xi1>
      %reduce_max3A_549 = arith.constant -2147483648 : i32
      %reduce_max3A_550 = vector.broadcast %reduce_max3A_549 : i32 to vector<16xi32>
      %reduce_max3A_551 = arith.xori %scan3A_541#0, %reduce_max3A_550 : vector<16xi32>
      %reduce_max3A_552 = tpu.scan <max>, %reduce_max3A_551 masked %reduce_max3A_548 : vector<16xi32>, vector<16xi1> -> vector<16xi32>
      %reduce_max3A_553 = arith.xori %reduce_max3A_552, %reduce_max3A_550 : vector<16xi32>
      %reduce_max3A_554 = vector.extract %reduce_max3A_553[15] : i32 from vector<16xi32>
      %shift_right_arithmetic3A_555 = arith.constant 4 : i32
      %shift_right_arithmetic3A_556 = arith.shrsi %reduce_max3A_554, %shift_right_arithmetic3A_555 : i32
      %min3A_557 = arith.constant 63 : i32
      %min3A_558 = arith.minsi %shift_right_arithmetic3A_556, %min3A_557 : i32
      %add3A_559 = arith.constant 1 : i32
      %add3A_560 = arith.addi %min3A_558, %add3A_559 : i32
      %add3A_561 = arith.constant 3 : i32
      %add3A_562 = arith.addi %add3A_560, %add3A_561 : i32
      %jit3A_563 = arith.constant 4 : i32
      %div3A_564 = arith.divsi %add3A_562, %jit3A_563 : i32
      %sign3A_565 = arith.constant 0 : i32
      %sign3A_566 = arith.cmpi sgt, %add3A_562, %sign3A_565 : i32
      %sign3A_567 = arith.extui %sign3A_566 : i1 to i32
      %sign3A_568 = arith.constant 0 : i32
      %sign3A_569 = arith.cmpi slt, %add3A_562, %sign3A_568 : i32
      %sign3A_570 = arith.extui %sign3A_569 : i1 to i32
      %sign3A_571 = arith.subi %sign3A_567, %sign3A_570 : i32
      %sign3A_572 = arith.constant 0 : i32
      %sign3A_573 = arith.cmpi sgt, %jit3A_563, %sign3A_572 : i32
      %sign3A_574 = arith.extui %sign3A_573 : i1 to i32
      %sign3A_575 = arith.constant 0 : i32
      %sign3A_576 = arith.cmpi slt, %jit3A_563, %sign3A_575 : i32
      %sign3A_577 = arith.extui %sign3A_576 : i1 to i32
      %sign3A_578 = arith.subi %sign3A_574, %sign3A_577 : i32
      %ne3A_579 = arith.cmpi ne, %sign3A_571, %sign3A_578 : i32
      %rem3A_580 = arith.remsi %add3A_562, %jit3A_563 : i32
      %ne3A_581 = arith.constant 0 : i32
      %ne3A_582 = arith.cmpi ne, %rem3A_580, %ne3A_581 : i32
      %and3A_583 = arith.andi %ne3A_579, %ne3A_582 : i1
      %sub3A_584 = arith.constant 1 : i32
      %sub3A_585 = arith.subi %div3A_564, %sub3A_584 : i32
      %select_n3A_586 = arith.select %and3A_583, %sub3A_585, %div3A_564 : i32
      %while3A_587 = arith.constant 0 : i32
      %while3A_588 = arith.subi %select_n3A_586, %while3A_587 : i32
      %while3A_589 = arith.addi %while3A_587, %while3A_588 : i32
      %while3A_590 = arith.constant 1 : i32
      %while3A_591 = arith.divsi %while3A_588, %while3A_590 : i32
      %while3A_592 = arith.muli %while3A_591, %while3A_590 : i32
      %while3A_593 = arith.addi %while3A_587, %while3A_592 : i32
      %while3A_594 = arith.constant 1 : i32
      %while3A_595 = scf.for %while3A_649 = %while3A_587 to %while3A_593 step %while3A_594 iter_args(%while3A_650 = %broadcast_in_dim3A_9) -> (vector<16xi32>)  : i32 {
        %mul3A_651 = arith.constant 4 : i32
        %mul3A_652 = arith.muli %while3A_649, %mul3A_651 : i32
        %add3A_653 = arith.constant 0 : i32
        %add3A_654 = arith.addi %mul3A_652, %add3A_653 : i32
        %mul3A_655 = arith.constant 16 : i32
        %mul3A_656 = arith.muli %add3A_654, %mul3A_655 : i32
        %get3A = arith.index_cast %mul3A_656 : i32 to index
        %get3A_657 = tpu.vector_load %arg8[%get3A] {strides = array<i32>} : memref<1280xi32, #tpu.memory_space<vmem>>, vector<16xi32>,
        %mul3A_658 = arith.constant 4 : i32
        %mul3A_659 = arith.muli %while3A_649, %mul3A_658 : i32
        %add3A_660 = arith.constant 1 : i32
        %add3A_661 = arith.addi %mul3A_659, %add3A_660 : i32
        %mul3A_662 = arith.constant 16 : i32
        %mul3A_663 = arith.muli %add3A_661, %mul3A_662 : i32
        %get3A_664 = arith.index_cast %mul3A_663 : i32 to index
        %get3A_665 = tpu.vector_load %arg8[%get3A_664] {strides = array<i32>} : memref<1280xi32, #tpu.memory_space<vmem>>, vector<16xi32>,
        %mul3A_666 = arith.constant 4 : i32
        %mul3A_667 = arith.muli %while3A_649, %mul3A_666 : i32
        %add3A_668 = arith.constant 2 : i32
        %add3A_669 = arith.addi %mul3A_667, %add3A_668 : i32
        %mul3A_670 = arith.constant 16 : i32
        %mul3A_671 = arith.muli %add3A_669, %mul3A_670 : i32
        %get3A_672 = arith.index_cast %mul3A_671 : i32 to index
        %get3A_673 = tpu.vector_load %arg8[%get3A_672] {strides = array<i32>} : memref<1280xi32, #tpu.memory_space<vmem>>, vector<16xi32>,
        %mul3A_674 = arith.constant 4 : i32
        %mul3A_675 = arith.muli %while3A_649, %mul3A_674 : i32
        %add3A_676 = arith.constant 3 : i32
        %add3A_677 = arith.addi %mul3A_675, %add3A_676 : i32
        %mul3A_678 = arith.constant 16 : i32
        %mul3A_679 = arith.muli %add3A_677, %mul3A_678 : i32
        %get3A_680 = arith.index_cast %mul3A_679 : i32 to index
        %get3A_681 = tpu.vector_load %arg8[%get3A_680] {strides = array<i32>} : memref<1280xi32, #tpu.memory_space<vmem>>, vector<16xi32>,
        %gather3A_682 = tpu.vector_load_idx %arg5[%get3A_657] : memref<32768xf32, #tpu.memory_space<vmem>>[vector<16xi32>], vector<16xf32>,
        %gather3A_683 = tpu.vector_load_idx %arg5[%get3A_665] : memref<32768xf32, #tpu.memory_space<vmem>>[vector<16xi32>], vector<16xf32>,
        %gather3A_684 = tpu.vector_load_idx %arg5[%get3A_673] : memref<32768xf32, #tpu.memory_space<vmem>>[vector<16xi32>], vector<16xf32>,
        %gather3A_685 = tpu.vector_load_idx %arg5[%get3A_681] : memref<32768xf32, #tpu.memory_space<vmem>>[vector<16xi32>], vector<16xf32>,
        %add3A_686 = arith.constant 0 : i32
        %add3A_687 = vector.broadcast %add3A_686 : i32 to vector<16xi32>
        %add3A_688 = arith.addi %while3A_650, %add3A_687 : vector<16xi32>
        %lt3A_689 = arith.cmpi slt, %add3A_688, %shift_right_logical3A_546 : vector<16xi32>
        %jit3A_690 = arith.constant 0.000000e+00 : f32
        %broadcast_in_dim3A_691 = vector.broadcast %jit3A_690 : f32 to vector<16xf32>
        %select_n3A_692 = arith.select %lt3A_689, %gather3A_682, %broadcast_in_dim3A_691 : vector<16xi1>, vector<16xf32>
        %mul3A_693 = arith.constant 4 : i32
        %mul3A_694 = arith.muli %while3A_649, %mul3A_693 : i32
        %add3A_695 = arith.constant 0 : i32
        %add3A_696 = arith.addi %mul3A_694, %add3A_695 : i32
        %mul3A_697 = arith.constant 16 : i32
        %mul3A_698 = arith.muli %add3A_696, %mul3A_697 : i32
        %swap3A_699 = arith.index_cast %mul3A_698 : i32 to index
        %swap3A_700 = tpu.vector_load %arg10[%swap3A_699] {strides = array<i32>} : memref<1280xf32, #tpu.memory_space<vmem>>, vector<16xf32>,
        tpu.vector_store %arg10[%swap3A_699], %select_n3A_692 {strides = array<i32>} : memref<1280xf32, #tpu.memory_space<vmem>>, vector<16xf32>,
        %add3A_701 = arith.constant 1 : i32
        %add3A_702 = vector.broadcast %add3A_701 : i32 to vector<16xi32>
        %add3A_703 = arith.addi %while3A_650, %add3A_702 : vector<16xi32>
        %lt3A_704 = arith.cmpi slt, %add3A_703, %shift_right_logical3A_546 : vector<16xi32>
        %jit3A_705 = arith.constant 0.000000e+00 : f32
        %broadcast_in_dim3A_706 = vector.broadcast %jit3A_705 : f32 to vector<16xf32>
        %select_n3A_707 = arith.select %lt3A_704, %gather3A_683, %broadcast_in_dim3A_706 : vector<16xi1>, vector<16xf32>
        %mul3A_708 = arith.constant 4 : i32
        %mul3A_709 = arith.muli %while3A_649, %mul3A_708 : i32
        %add3A_710 = arith.constant 1 : i32
        %add3A_711 = arith.addi %mul3A_709, %add3A_710 : i32
        %mul3A_712 = arith.constant 16 : i32
        %mul3A_713 = arith.muli %add3A_711, %mul3A_712 : i32
        %swap3A_714 = arith.index_cast %mul3A_713 : i32 to index
        %swap3A_715 = tpu.vector_load %arg10[%swap3A_714] {strides = array<i32>} : memref<1280xf32, #tpu.memory_space<vmem>>, vector<16xf32>,
        tpu.vector_store %arg10[%swap3A_714], %select_n3A_707 {strides = array<i32>} : memref<1280xf32, #tpu.memory_space<vmem>>, vector<16xf32>,
        %add3A_716 = arith.constant 2 : i32
        %add3A_717 = vector.broadcast %add3A_716 : i32 to vector<16xi32>
        %add3A_718 = arith.addi %while3A_650, %add3A_717 : vector<16xi32>
        %lt3A_719 = arith.cmpi slt, %add3A_718, %shift_right_logical3A_546 : vector<16xi32>
        %jit3A_720 = arith.constant 0.000000e+00 : f32
        %broadcast_in_dim3A_721 = vector.broadcast %jit3A_720 : f32 to vector<16xf32>
        %select_n3A_722 = arith.select %lt3A_719, %gather3A_684, %broadcast_in_dim3A_721 : vector<16xi1>, vector<16xf32>
        %mul3A_723 = arith.constant 4 : i32
        %mul3A_724 = arith.muli %while3A_649, %mul3A_723 : i32
        %add3A_725 = arith.constant 2 : i32
        %add3A_726 = arith.addi %mul3A_724, %add3A_725 : i32
        %mul3A_727 = arith.constant 16 : i32
        %mul3A_728 = arith.muli %add3A_726, %mul3A_727 : i32
        %swap3A_729 = arith.index_cast %mul3A_728 : i32 to index
        %swap3A_730 = tpu.vector_load %arg10[%swap3A_729] {strides = array<i32>} : memref<1280xf32, #tpu.memory_space<vmem>>, vector<16xf32>,
        tpu.vector_store %arg10[%swap3A_729], %select_n3A_722 {strides = array<i32>} : memref<1280xf32, #tpu.memory_space<vmem>>, vector<16xf32>,
        %add3A_731 = arith.constant 3 : i32
        %add3A_732 = vector.broadcast %add3A_731 : i32 to vector<16xi32>
        %add3A_733 = arith.addi %while3A_650, %add3A_732 : vector<16xi32>
        %lt3A_734 = arith.cmpi slt, %add3A_733, %shift_right_logical3A_546 : vector<16xi32>
        %jit3A_735 = arith.constant 0.000000e+00 : f32
        %broadcast_in_dim3A_736 = vector.broadcast %jit3A_735 : f32 to vector<16xf32>
        %select_n3A_737 = arith.select %lt3A_734, %gather3A_685, %broadcast_in_dim3A_736 : vector<16xi1>, vector<16xf32>
        %mul3A_738 = arith.constant 4 : i32
        %mul3A_739 = arith.muli %while3A_649, %mul3A_738 : i32
        %add3A_740 = arith.constant 3 : i32
        %add3A_741 = arith.addi %mul3A_739, %add3A_740 : i32
        %mul3A_742 = arith.constant 16 : i32
        %mul3A_743 = arith.muli %add3A_741, %mul3A_742 : i32
        %swap3A_744 = arith.index_cast %mul3A_743 : i32 to index
        %swap3A_745 = tpu.vector_load %arg10[%swap3A_744] {strides = array<i32>} : memref<1280xf32, #tpu.memory_space<vmem>>, vector<16xf32>,
        tpu.vector_store %arg10[%swap3A_744], %select_n3A_737 {strides = array<i32>} : memref<1280xf32, #tpu.memory_space<vmem>>, vector<16xf32>,
        %add3A_746 = arith.constant 4 : i32
        %add3A_747 = vector.broadcast %add3A_746 : i32 to vector<16xi32>
        %add3A_748 = arith.addi %while3A_650, %add3A_747 : vector<16xi32>
        scf.yield %add3A_748 : vector<16xi32>
      }
      %while3A_596 = arith.constant 1 : i32
      %while3A_597 = scf.for %while3A_649 = %while3A_593 to %while3A_589 step %while3A_596 iter_args(%while3A_650 = %while3A_595) -> (vector<16xi32>)  : i32 {
        %mul3A_651 = arith.constant 4 : i32
        %mul3A_652 = arith.muli %while3A_649, %mul3A_651 : i32
        %add3A_653 = arith.constant 0 : i32
        %add3A_654 = arith.addi %mul3A_652, %add3A_653 : i32
        %mul3A_655 = arith.constant 16 : i32
        %mul3A_656 = arith.muli %add3A_654, %mul3A_655 : i32
        %get3A = arith.index_cast %mul3A_656 : i32 to index
        %get3A_657 = tpu.vector_load %arg8[%get3A] {strides = array<i32>} : memref<1280xi32, #tpu.memory_space<vmem>>, vector<16xi32>,
        %mul3A_658 = arith.constant 4 : i32
        %mul3A_659 = arith.muli %while3A_649, %mul3A_658 : i32
        %add3A_660 = arith.constant 1 : i32
        %add3A_661 = arith.addi %mul3A_659, %add3A_660 : i32
        %mul3A_662 = arith.constant 16 : i32
        %mul3A_663 = arith.muli %add3A_661, %mul3A_662 : i32
        %get3A_664 = arith.index_cast %mul3A_663 : i32 to index
        %get3A_665 = tpu.vector_load %arg8[%get3A_664] {strides = array<i32>} : memref<1280xi32, #tpu.memory_space<vmem>>, vector<16xi32>,
        %mul3A_666 = arith.constant 4 : i32
        %mul3A_667 = arith.muli %while3A_649, %mul3A_666 : i32
        %add3A_668 = arith.constant 2 : i32
        %add3A_669 = arith.addi %mul3A_667, %add3A_668 : i32
        %mul3A_670 = arith.constant 16 : i32
        %mul3A_671 = arith.muli %add3A_669, %mul3A_670 : i32
        %get3A_672 = arith.index_cast %mul3A_671 : i32 to index
        %get3A_673 = tpu.vector_load %arg8[%get3A_672] {strides = array<i32>} : memref<1280xi32, #tpu.memory_space<vmem>>, vector<16xi32>,
        %mul3A_674 = arith.constant 4 : i32
        %mul3A_675 = arith.muli %while3A_649, %mul3A_674 : i32
        %add3A_676 = arith.constant 3 : i32
        %add3A_677 = arith.addi %mul3A_675, %add3A_676 : i32
        %mul3A_678 = arith.constant 16 : i32
        %mul3A_679 = arith.muli %add3A_677, %mul3A_678 : i32
        %get3A_680 = arith.index_cast %mul3A_679 : i32 to index
        %get3A_681 = tpu.vector_load %arg8[%get3A_680] {strides = array<i32>} : memref<1280xi32, #tpu.memory_space<vmem>>, vector<16xi32>,
        %gather3A_682 = tpu.vector_load_idx %arg5[%get3A_657] : memref<32768xf32, #tpu.memory_space<vmem>>[vector<16xi32>], vector<16xf32>,
        %gather3A_683 = tpu.vector_load_idx %arg5[%get3A_665] : memref<32768xf32, #tpu.memory_space<vmem>>[vector<16xi32>], vector<16xf32>,
        %gather3A_684 = tpu.vector_load_idx %arg5[%get3A_673] : memref<32768xf32, #tpu.memory_space<vmem>>[vector<16xi32>], vector<16xf32>,
        %gather3A_685 = tpu.vector_load_idx %arg5[%get3A_681] : memref<32768xf32, #tpu.memory_space<vmem>>[vector<16xi32>], vector<16xf32>,
        %add3A_686 = arith.constant 0 : i32
        %add3A_687 = vector.broadcast %add3A_686 : i32 to vector<16xi32>
        %add3A_688 = arith.addi %while3A_650, %add3A_687 : vector<16xi32>
        %lt3A_689 = arith.cmpi slt, %add3A_688, %shift_right_logical3A_546 : vector<16xi32>
        %jit3A_690 = arith.constant 0.000000e+00 : f32
        %broadcast_in_dim3A_691 = vector.broadcast %jit3A_690 : f32 to vector<16xf32>
        %select_n3A_692 = arith.select %lt3A_689, %gather3A_682, %broadcast_in_dim3A_691 : vector<16xi1>, vector<16xf32>
        %mul3A_693 = arith.constant 4 : i32
        %mul3A_694 = arith.muli %while3A_649, %mul3A_693 : i32
        %add3A_695 = arith.constant 0 : i32
        %add3A_696 = arith.addi %mul3A_694, %add3A_695 : i32
        %mul3A_697 = arith.constant 16 : i32
        %mul3A_698 = arith.muli %add3A_696, %mul3A_697 : i32
        %swap3A_699 = arith.index_cast %mul3A_698 : i32 to index
        %swap3A_700 = tpu.vector_load %arg10[%swap3A_699] {strides = array<i32>} : memref<1280xf32, #tpu.memory_space<vmem>>, vector<16xf32>,
        tpu.vector_store %arg10[%swap3A_699], %select_n3A_692 {strides = array<i32>} : memref<1280xf32, #tpu.memory_space<vmem>>, vector<16xf32>,
        %add3A_701 = arith.constant 1 : i32
        %add3A_702 = vector.broadcast %add3A_701 : i32 to vector<16xi32>
        %add3A_703 = arith.addi %while3A_650, %add3A_702 : vector<16xi32>
        %lt3A_704 = arith.cmpi slt, %add3A_703, %shift_right_logical3A_546 : vector<16xi32>
        %jit3A_705 = arith.constant 0.000000e+00 : f32
        %broadcast_in_dim3A_706 = vector.broadcast %jit3A_705 : f32 to vector<16xf32>
        %select_n3A_707 = arith.select %lt3A_704, %gather3A_683, %broadcast_in_dim3A_706 : vector<16xi1>, vector<16xf32>
        %mul3A_708 = arith.constant 4 : i32
        %mul3A_709 = arith.muli %while3A_649, %mul3A_708 : i32
        %add3A_710 = arith.constant 1 : i32
        %add3A_711 = arith.addi %mul3A_709, %add3A_710 : i32
        %mul3A_712 = arith.constant 16 : i32
        %mul3A_713 = arith.muli %add3A_711, %mul3A_712 : i32
        %swap3A_714 = arith.index_cast %mul3A_713 : i32 to index
        %swap3A_715 = tpu.vector_load %arg10[%swap3A_714] {strides = array<i32>} : memref<1280xf32, #tpu.memory_space<vmem>>, vector<16xf32>,
        tpu.vector_store %arg10[%swap3A_714], %select_n3A_707 {strides = array<i32>} : memref<1280xf32, #tpu.memory_space<vmem>>, vector<16xf32>,
        %add3A_716 = arith.constant 2 : i32
        %add3A_717 = vector.broadcast %add3A_716 : i32 to vector<16xi32>
        %add3A_718 = arith.addi %while3A_650, %add3A_717 : vector<16xi32>
        %lt3A_719 = arith.cmpi slt, %add3A_718, %shift_right_logical3A_546 : vector<16xi32>
        %jit3A_720 = arith.constant 0.000000e+00 : f32
        %broadcast_in_dim3A_721 = vector.broadcast %jit3A_720 : f32 to vector<16xf32>
        %select_n3A_722 = arith.select %lt3A_719, %gather3A_684, %broadcast_in_dim3A_721 : vector<16xi1>, vector<16xf32>
        %mul3A_723 = arith.constant 4 : i32
        %mul3A_724 = arith.muli %while3A_649, %mul3A_723 : i32
        %add3A_725 = arith.constant 2 : i32
        %add3A_726 = arith.addi %mul3A_724, %add3A_725 : i32
        %mul3A_727 = arith.constant 16 : i32
        %mul3A_728 = arith.muli %add3A_726, %mul3A_727 : i32
        %swap3A_729 = arith.index_cast %mul3A_728 : i32 to index
        %swap3A_730 = tpu.vector_load %arg10[%swap3A_729] {strides = array<i32>} : memref<1280xf32, #tpu.memory_space<vmem>>, vector<16xf32>,
        tpu.vector_store %arg10[%swap3A_729], %select_n3A_722 {strides = array<i32>} : memref<1280xf32, #tpu.memory_space<vmem>>, vector<16xf32>,
        %add3A_731 = arith.constant 3 : i32
        %add3A_732 = vector.broadcast %add3A_731 : i32 to vector<16xi32>
        %add3A_733 = arith.addi %while3A_650, %add3A_732 : vector<16xi32>
        %lt3A_734 = arith.cmpi slt, %add3A_733, %shift_right_logical3A_546 : vector<16xi32>
        %jit3A_735 = arith.constant 0.000000e+00 : f32
        %broadcast_in_dim3A_736 = vector.broadcast %jit3A_735 : f32 to vector<16xf32>
        %select_n3A_737 = arith.select %lt3A_734, %gather3A_685, %broadcast_in_dim3A_736 : vector<16xi1>, vector<16xf32>
        %mul3A_738 = arith.constant 4 : i32
        %mul3A_739 = arith.muli %while3A_649, %mul3A_738 : i32
        %add3A_740 = arith.constant 3 : i32
        %add3A_741 = arith.addi %mul3A_739, %add3A_740 : i32
        %mul3A_742 = arith.constant 16 : i32
        %mul3A_743 = arith.muli %add3A_741, %mul3A_742 : i32
        %swap3A_744 = arith.index_cast %mul3A_743 : i32 to index
        %swap3A_745 = tpu.vector_load %arg10[%swap3A_744] {strides = array<i32>} : memref<1280xf32, #tpu.memory_space<vmem>>, vector<16xf32>,
        tpu.vector_store %arg10[%swap3A_744], %select_n3A_737 {strides = array<i32>} : memref<1280xf32, #tpu.memory_space<vmem>>, vector<16xf32>,
        %add3A_746 = arith.constant 4 : i32
        %add3A_747 = vector.broadcast %add3A_746 : i32 to vector<16xi32>
        %add3A_748 = arith.addi %while3A_650, %add3A_747 : vector<16xi32>
        scf.yield %add3A_748 : vector<16xi32>
      }
      %lt3A_598 = arith.constant 63 : i32
      %lt3A_599 = arith.cmpi slt, %scan3A_371, %lt3A_598 : i32
      %convert_element_type3A_600 = arith.extui %lt3A_599 : i1 to i32
      %cond3A_601 = arith.constant 0 : i32
      %cond3A_602 = arith.cmpi ne, %convert_element_type3A_600, %cond3A_601 : i32
      scf.if %cond3A_602 {
        %add3A_649 = arith.constant 2 : i32
        %add3A_650 = arith.addi %add3A_504, %add3A_649 : i32
        %dma_start3A_651 = arith.constant 0 : i32
        %dma_start3A_652 = tpu.memref_slice %arg2[%add3A_650, %dma_start3A_651] : memref<4096x32768xf32, #tpu.memory_space<hbm>> -> memref<1x32768xf32, #tpu.memory_space<hbm>>
        %dma_start3A_653 = tpu.memref_squeeze %dma_start3A_652 : memref<1x32768xf32, #tpu.memory_space<hbm>> -> memref<32768xf32, #tpu.memory_space<hbm>>
        %dma_start3A_654 = arith.constant 0 : i32
        %dma_start3A_655 = tpu.memref_slice %arg2[%add3A_650, %dma_start3A_654] : memref<4096x32768xf32, #tpu.memory_space<hbm>> -> memref<1x32768xf32, #tpu.memory_space<hbm>>
        %dma_start3A_656 = tpu.memref_squeeze %dma_start3A_655 : memref<1x32768xf32, #tpu.memory_space<hbm>> -> memref<32768xf32, #tpu.memory_space<hbm>>
        tpu.enqueue_dma source(%dma_start3A_656 : memref<32768xf32, #tpu.memory_space<hbm>>) target(%arg5 : memref<32768xf32, #tpu.memory_space<vmem>>) target_semaphore(%arg12 : memref<!tpu.dma_semaphore, #tpu.memory_space<semaphore_mem>>)
      } else {
      }
      %broadcast_in_dim3A_603 = arith.constant 1073741824 : i32
      %broadcast_in_dim3A_604 = vector.broadcast %broadcast_in_dim3A_603 : i32 to vector<16xi32>
      %scan3A_605 = arith.constant 0 : i32
      %scan3A_606 = arith.constant 31 : i32
      %scan3A_607 = arith.addi %scan3A_605, %scan3A_606 : i32
      %scan3A_608 = arith.constant 1 : i32
      %scan3A_609:2 = scf.for %scan3A_649 = %scan3A_605 to %scan3A_607 step %scan3A_608 iter_args(%scan3A_650 = %broadcast_in_dim3A_9, %scan3A_651 = %broadcast_in_dim3A_604) -> (vector<16xi32>, vector<16xi32>)  : i32 {
        %or3A = arith.ori %scan3A_650, %scan3A_651 : vector<16xi32>
        %bitcast3A_652 = vector.bitcast %or3A : vector<16xi32> to vector<16xf32>
        %while3A_653 = arith.constant 0 : i32
        %while3A_654 = arith.subi %select_n3A_586, %while3A_653 : i32
        %while3A_655 = arith.addi %while3A_653, %while3A_654 : i32
        %while3A_656 = arith.constant 1 : i32
        %while3A_657 = arith.divsi %while3A_654, %while3A_656 : i32
        %while3A_658 = arith.muli %while3A_657, %while3A_656 : i32
        %while3A_659 = arith.addi %while3A_653, %while3A_658 : i32
        %while3A_660 = arith.constant 1 : i32
        %while3A_661 = scf.for %while3A_681 = %while3A_653 to %while3A_659 step %while3A_660 iter_args(%while3A_682 = %broadcast_in_dim3A_9) -> (vector<16xi32>)  : i32 {
          %mul3A_683 = arith.constant 4 : i32
          %mul3A_684 = arith.muli %while3A_681, %mul3A_683 : i32
          %add3A_685 = arith.constant 0 : i32
          %add3A_686 = arith.addi %mul3A_684, %add3A_685 : i32
          %mul3A_687 = arith.constant 16 : i32
          %mul3A_688 = arith.muli %add3A_686, %mul3A_687 : i32
          %get3A = arith.index_cast %mul3A_688 : i32 to index
          %get3A_689 = tpu.vector_load %arg10[%get3A] {strides = array<i32>} : memref<1280xf32, #tpu.memory_space<vmem>>, vector<16xf32>,
          %mul3A_690 = arith.constant 4 : i32
          %mul3A_691 = arith.muli %while3A_681, %mul3A_690 : i32
          %add3A_692 = arith.constant 1 : i32
          %add3A_693 = arith.addi %mul3A_691, %add3A_692 : i32
          %mul3A_694 = arith.constant 16 : i32
          %mul3A_695 = arith.muli %add3A_693, %mul3A_694 : i32
          %get3A_696 = arith.index_cast %mul3A_695 : i32 to index
          %get3A_697 = tpu.vector_load %arg10[%get3A_696] {strides = array<i32>} : memref<1280xf32, #tpu.memory_space<vmem>>, vector<16xf32>,
          %mul3A_698 = arith.constant 4 : i32
          %mul3A_699 = arith.muli %while3A_681, %mul3A_698 : i32
          %add3A_700 = arith.constant 2 : i32
          %add3A_701 = arith.addi %mul3A_699, %add3A_700 : i32
          %mul3A_702 = arith.constant 16 : i32
          %mul3A_703 = arith.muli %add3A_701, %mul3A_702 : i32
          %get3A_704 = arith.index_cast %mul3A_703 : i32 to index
          %get3A_705 = tpu.vector_load %arg10[%get3A_704] {strides = array<i32>} : memref<1280xf32, #tpu.memory_space<vmem>>, vector<16xf32>,
          %mul3A_706 = arith.constant 4 : i32
          %mul3A_707 = arith.muli %while3A_681, %mul3A_706 : i32
          %add3A_708 = arith.constant 3 : i32
          %add3A_709 = arith.addi %mul3A_707, %add3A_708 : i32
          %mul3A_710 = arith.constant 16 : i32
          %mul3A_711 = arith.muli %add3A_709, %mul3A_710 : i32
          %get3A_712 = arith.index_cast %mul3A_711 : i32 to index
          %get3A_713 = tpu.vector_load %arg10[%get3A_712] {strides = array<i32>} : memref<1280xf32, #tpu.memory_space<vmem>>, vector<16xf32>,
          %ge3A_714 = arith.cmpf oge, %get3A_689, %bitcast3A_652 : vector<16xf32>
          %select_n3A_715 = arith.select %ge3A_714, %broadcast_in_dim3A_5, %broadcast_in_dim3A_9 : vector<16xi1>, vector<16xi32>
          %add3A_716 = arith.addi %while3A_682, %select_n3A_715 : vector<16xi32>
          %ge3A_717 = arith.cmpf oge, %get3A_697, %bitcast3A_652 : vector<16xf32>
          %select_n3A_718 = arith.select %ge3A_717, %broadcast_in_dim3A_5, %broadcast_in_dim3A_9 : vector<16xi1>, vector<16xi32>
          %add3A_719 = arith.addi %add3A_716, %select_n3A_718 : vector<16xi32>
          %ge3A_720 = arith.cmpf oge, %get3A_705, %bitcast3A_652 : vector<16xf32>
          %select_n3A_721 = arith.select %ge3A_720, %broadcast_in_dim3A_5, %broadcast_in_dim3A_9 : vector<16xi1>, vector<16xi32>
          %add3A_722 = arith.addi %add3A_719, %select_n3A_721 : vector<16xi32>
          %ge3A_723 = arith.cmpf oge, %get3A_713, %bitcast3A_652 : vector<16xf32>
          %select_n3A_724 = arith.select %ge3A_723, %broadcast_in_dim3A_5, %broadcast_in_dim3A_9 : vector<16xi1>, vector<16xi32>
          %add3A_725 = arith.addi %add3A_722, %select_n3A_724 : vector<16xi32>
          scf.yield %add3A_725 : vector<16xi32>
        }
        %while3A_662 = arith.constant 1 : i32
        %while3A_663 = scf.for %while3A_681 = %while3A_659 to %while3A_655 step %while3A_662 iter_args(%while3A_682 = %while3A_661) -> (vector<16xi32>)  : i32 {
          %mul3A_683 = arith.constant 4 : i32
          %mul3A_684 = arith.muli %while3A_681, %mul3A_683 : i32
          %add3A_685 = arith.constant 0 : i32
          %add3A_686 = arith.addi %mul3A_684, %add3A_685 : i32
          %mul3A_687 = arith.constant 16 : i32
          %mul3A_688 = arith.muli %add3A_686, %mul3A_687 : i32
          %get3A = arith.index_cast %mul3A_688 : i32 to index
          %get3A_689 = tpu.vector_load %arg10[%get3A] {strides = array<i32>} : memref<1280xf32, #tpu.memory_space<vmem>>, vector<16xf32>,
          %mul3A_690 = arith.constant 4 : i32
          %mul3A_691 = arith.muli %while3A_681, %mul3A_690 : i32
          %add3A_692 = arith.constant 1 : i32
          %add3A_693 = arith.addi %mul3A_691, %add3A_692 : i32
          %mul3A_694 = arith.constant 16 : i32
          %mul3A_695 = arith.muli %add3A_693, %mul3A_694 : i32
          %get3A_696 = arith.index_cast %mul3A_695 : i32 to index
          %get3A_697 = tpu.vector_load %arg10[%get3A_696] {strides = array<i32>} : memref<1280xf32, #tpu.memory_space<vmem>>, vector<16xf32>,
          %mul3A_698 = arith.constant 4 : i32
          %mul3A_699 = arith.muli %while3A_681, %mul3A_698 : i32
          %add3A_700 = arith.constant 2 : i32
          %add3A_701 = arith.addi %mul3A_699, %add3A_700 : i32
          %mul3A_702 = arith.constant 16 : i32
          %mul3A_703 = arith.muli %add3A_701, %mul3A_702 : i32
          %get3A_704 = arith.index_cast %mul3A_703 : i32 to index
          %get3A_705 = tpu.vector_load %arg10[%get3A_704] {strides = array<i32>} : memref<1280xf32, #tpu.memory_space<vmem>>, vector<16xf32>,
          %mul3A_706 = arith.constant 4 : i32
          %mul3A_707 = arith.muli %while3A_681, %mul3A_706 : i32
          %add3A_708 = arith.constant 3 : i32
          %add3A_709 = arith.addi %mul3A_707, %add3A_708 : i32
          %mul3A_710 = arith.constant 16 : i32
          %mul3A_711 = arith.muli %add3A_709, %mul3A_710 : i32
          %get3A_712 = arith.index_cast %mul3A_711 : i32 to index
          %get3A_713 = tpu.vector_load %arg10[%get3A_712] {strides = array<i32>} : memref<1280xf32, #tpu.memory_space<vmem>>, vector<16xf32>,
          %ge3A_714 = arith.cmpf oge, %get3A_689, %bitcast3A_652 : vector<16xf32>
          %select_n3A_715 = arith.select %ge3A_714, %broadcast_in_dim3A_5, %broadcast_in_dim3A_9 : vector<16xi1>, vector<16xi32>
          %add3A_716 = arith.addi %while3A_682, %select_n3A_715 : vector<16xi32>
          %ge3A_717 = arith.cmpf oge, %get3A_697, %bitcast3A_652 : vector<16xf32>
          %select_n3A_718 = arith.select %ge3A_717, %broadcast_in_dim3A_5, %broadcast_in_dim3A_9 : vector<16xi1>, vector<16xi32>
          %add3A_719 = arith.addi %add3A_716, %select_n3A_718 : vector<16xi32>
          %ge3A_720 = arith.cmpf oge, %get3A_705, %bitcast3A_652 : vector<16xf32>
          %select_n3A_721 = arith.select %ge3A_720, %broadcast_in_dim3A_5, %broadcast_in_dim3A_9 : vector<16xi1>, vector<16xi32>
          %add3A_722 = arith.addi %add3A_719, %select_n3A_721 : vector<16xi32>
          %ge3A_723 = arith.cmpf oge, %get3A_713, %bitcast3A_652 : vector<16xf32>
          %select_n3A_724 = arith.select %ge3A_723, %broadcast_in_dim3A_5, %broadcast_in_dim3A_9 : vector<16xi1>, vector<16xi32>
          %add3A_725 = arith.addi %add3A_722, %select_n3A_724 : vector<16xi32>
          scf.yield %add3A_725 : vector<16xi32>
        }
        %broadcast_in_dim3A_664 = arith.constant true
        %broadcast_in_dim3A_665 = vector.broadcast %broadcast_in_dim3A_664 : i1 to vector<16xi1>
        %masked_cumsum3A = tpu.scan <sum>, %while3A_663 masked %broadcast_in_dim3A_665 : vector<16xi32>, vector<16xi1> -> vector<16xi32>
        %lt3A_666 = arith.constant 0 : i32
        %lt3A_667 = vector.broadcast %lt3A_666 : i32 to vector<16xi32>
        %lt3A_668 = arith.cmpi slt, %broadcast_in_dim3A_11, %lt3A_667 : vector<16xi32>
        %add3A_669 = arith.constant 16 : i32
        %add3A_670 = vector.broadcast %add3A_669 : i32 to vector<16xi32>
        %add3A_671 = arith.addi %broadcast_in_dim3A_11, %add3A_670 : vector<16xi32>
        %select_n3A_672 = arith.select %lt3A_668, %add3A_671, %broadcast_in_dim3A_11 : vector<16xi1>, vector<16xi32>
        %broadcast_in_dim3A_673 = vector.shape_cast %select_n3A_672 : vector<16xi32> to vector<16x1xi32>
        %gather3A_674 = vector.shape_cast %broadcast_in_dim3A_673 : vector<16x1xi32> to vector<16xi32>
        %gather3A_675 = tpu.dynamic_gather %masked_cumsum3A[%gather3A_674] in [0] : vector<16xi32>, vector<16xi32> -> vector<16xi32>
        %ge3A_676 = arith.cmpi sge, %gather3A_675, %broadcast_in_dim3A_13 : vector<16xi32>
        %select_n3A_677 = arith.select %ge3A_676, %or3A, %scan3A_650 : vector<16xi1>, vector<16xi32>
        %shift_right_logical3A_678 = arith.constant 1 : i32
        %shift_right_logical3A_679 = vector.broadcast %shift_right_logical3A_678 : i32 to vector<16xi32>
        %shift_right_logical3A_680 = arith.shrui %scan3A_651, %shift_right_logical3A_679 : vector<16xi32>
        scf.yield %select_n3A_677, %shift_right_logical3A_680 : vector<16xi32>, vector<16xi32>
      }
      %scan3A_610 = arith.constant 31 : i32
      %max3A_611 = arith.maxsi %scan3A_609#0, %broadcast_in_dim3A_5 : vector<16xi32>
      %bitcast3A_612 = vector.bitcast %max3A_611 : vector<16xi32> to vector<16xf32>
      %dma_wait3A_613 = arith.constant 0 : i32
      %dma_wait3A_614 = tpu.memref_slice %arg3[%mul3A_2, %dma_wait3A_613] : memref<4096x32768xf32, #tpu.memory_space<hbm>> -> memref<1x32768xf32, #tpu.memory_space<hbm>>
      %dma_wait3A_615 = tpu.memref_squeeze %dma_wait3A_614 : memref<1x32768xf32, #tpu.memory_space<hbm>> -> memref<32768xf32, #tpu.memory_space<hbm>>
      %dma_wait3A_616 = arith.constant 0 : i32
      %dma_wait3A_617 = tpu.memref_slice %arg3[%mul3A_2, %dma_wait3A_616] : memref<4096x32768xf32, #tpu.memory_space<hbm>> -> memref<1x32768xf32, #tpu.memory_space<hbm>>
      %dma_wait3A_618 = tpu.memref_squeeze %dma_wait3A_617 : memref<1x32768xf32, #tpu.memory_space<hbm>> -> memref<32768xf32, #tpu.memory_space<hbm>>
      tpu.wait_dma2 semaphore(%arg13 : memref<!tpu.dma_semaphore, #tpu.memory_space<semaphore_mem>>) src(%arg6 : memref<32768xf32, #tpu.memory_space<vmem>>) dst(%dma_wait3A_618 : memref<32768xf32, #tpu.memory_space<hbm>>)
      %while3A_619 = arith.constant 0 : i32
      %while3A_620 = arith.constant 0 : i32
      %while3A_621 = arith.subi %select_n3A_443, %while3A_619 : i32
      %while3A_622 = arith.addi %while3A_619, %while3A_621 : i32
      %while3A_623 = arith.constant 1 : i32
      %while3A_624 = arith.divsi %while3A_621, %while3A_623 : i32
      %while3A_625 = arith.muli %while3A_624, %while3A_623 : i32
      %while3A_626 = arith.addi %while3A_619, %while3A_625 : i32
      %while3A_627 = arith.constant 1 : i32
      %while3A_628 = scf.for %while3A_649 = %while3A_619 to %while3A_626 step %while3A_627 iter_args(%while3A_650 = %while3A_620) -> (i32)  : i32 {
        %mul3A_651 = arith.constant 4 : i32
        %mul3A_652 = arith.muli %while3A_649, %mul3A_651 : i32
        %add3A_653 = arith.constant 0 : i32
        %add3A_654 = arith.addi %mul3A_652, %add3A_653 : i32
        %mul3A_655 = arith.constant 16 : i32
        %mul3A_656 = arith.muli %add3A_654, %mul3A_655 : i32
        %get3A = arith.index_cast %mul3A_656 : i32 to index
        %get3A_657 = tpu.vector_load %arg9[%get3A] {strides = array<i32>} : memref<1280xf32, #tpu.memory_space<vmem>>, vector<16xf32>,
        %mul3A_658 = arith.constant 4 : i32
        %mul3A_659 = arith.muli %while3A_649, %mul3A_658 : i32
        %add3A_660 = arith.constant 1 : i32
        %add3A_661 = arith.addi %mul3A_659, %add3A_660 : i32
        %mul3A_662 = arith.constant 16 : i32
        %mul3A_663 = arith.muli %add3A_661, %mul3A_662 : i32
        %get3A_664 = arith.index_cast %mul3A_663 : i32 to index
        %get3A_665 = tpu.vector_load %arg9[%get3A_664] {strides = array<i32>} : memref<1280xf32, #tpu.memory_space<vmem>>, vector<16xf32>,
        %mul3A_666 = arith.constant 4 : i32
        %mul3A_667 = arith.muli %while3A_649, %mul3A_666 : i32
        %add3A_668 = arith.constant 2 : i32
        %add3A_669 = arith.addi %mul3A_667, %add3A_668 : i32
        %mul3A_670 = arith.constant 16 : i32
        %mul3A_671 = arith.muli %add3A_669, %mul3A_670 : i32
        %get3A_672 = arith.index_cast %mul3A_671 : i32 to index
        %get3A_673 = tpu.vector_load %arg9[%get3A_672] {strides = array<i32>} : memref<1280xf32, #tpu.memory_space<vmem>>, vector<16xf32>,
        %mul3A_674 = arith.constant 4 : i32
        %mul3A_675 = arith.muli %while3A_649, %mul3A_674 : i32
        %add3A_676 = arith.constant 3 : i32
        %add3A_677 = arith.addi %mul3A_675, %add3A_676 : i32
        %mul3A_678 = arith.constant 16 : i32
        %mul3A_679 = arith.muli %add3A_677, %mul3A_678 : i32
        %get3A_680 = arith.index_cast %mul3A_679 : i32 to index
        %get3A_681 = tpu.vector_load %arg9[%get3A_680] {strides = array<i32>} : memref<1280xf32, #tpu.memory_space<vmem>>, vector<16xf32>,
        %mul3A_682 = arith.constant 4 : i32
        %mul3A_683 = arith.muli %while3A_649, %mul3A_682 : i32
        %add3A_684 = arith.constant 0 : i32
        %add3A_685 = arith.addi %mul3A_683, %add3A_684 : i32
        %mul3A_686 = arith.constant 16 : i32
        %mul3A_687 = arith.muli %add3A_685, %mul3A_686 : i32
        %get3A_688 = arith.index_cast %mul3A_687 : i32 to index
        %get3A_689 = tpu.vector_load %arg7[%get3A_688] {strides = array<i32>} : memref<1280xi32, #tpu.memory_space<vmem>>, vector<16xi32>,
        %mul3A_690 = arith.constant 4 : i32
        %mul3A_691 = arith.muli %while3A_649, %mul3A_690 : i32
        %add3A_692 = arith.constant 1 : i32
        %add3A_693 = arith.addi %mul3A_691, %add3A_692 : i32
        %mul3A_694 = arith.constant 16 : i32
        %mul3A_695 = arith.muli %add3A_693, %mul3A_694 : i32
        %get3A_696 = arith.index_cast %mul3A_695 : i32 to index
        %get3A_697 = tpu.vector_load %arg7[%get3A_696] {strides = array<i32>} : memref<1280xi32, #tpu.memory_space<vmem>>, vector<16xi32>,
        %mul3A_698 = arith.constant 4 : i32
        %mul3A_699 = arith.muli %while3A_649, %mul3A_698 : i32
        %add3A_700 = arith.constant 2 : i32
        %add3A_701 = arith.addi %mul3A_699, %add3A_700 : i32
        %mul3A_702 = arith.constant 16 : i32
        %mul3A_703 = arith.muli %add3A_701, %mul3A_702 : i32
        %get3A_704 = arith.index_cast %mul3A_703 : i32 to index
        %get3A_705 = tpu.vector_load %arg7[%get3A_704] {strides = array<i32>} : memref<1280xi32, #tpu.memory_space<vmem>>, vector<16xi32>,
        %mul3A_706 = arith.constant 4 : i32
        %mul3A_707 = arith.muli %while3A_649, %mul3A_706 : i32
        %add3A_708 = arith.constant 3 : i32
        %add3A_709 = arith.addi %mul3A_707, %add3A_708 : i32
        %mul3A_710 = arith.constant 16 : i32
        %mul3A_711 = arith.muli %add3A_709, %mul3A_710 : i32
        %get3A_712 = arith.index_cast %mul3A_711 : i32 to index
        %get3A_713 = tpu.vector_load %arg7[%get3A_712] {strides = array<i32>} : memref<1280xi32, #tpu.memory_space<vmem>>, vector<16xi32>,
        %ge3A_714 = arith.cmpf oge, %get3A_657, %bitcast3A : vector<16xf32>
        tpu.vector_store_idx %arg6[%get3A_689], %broadcast_in_dim3A_3 masked %ge3A_714 : memref<32768xf32, #tpu.memory_space<vmem>>[vector<16xi32>], vector<16xf32>, vector<16xi1>
        %ge3A_715 = arith.cmpf oge, %get3A_665, %bitcast3A : vector<16xf32>
        tpu.vector_store_idx %arg6[%get3A_697], %broadcast_in_dim3A_3 masked %ge3A_715 : memref<32768xf32, #tpu.memory_space<vmem>>[vector<16xi32>], vector<16xf32>, vector<16xi1>
        %ge3A_716 = arith.cmpf oge, %get3A_673, %bitcast3A : vector<16xf32>
        tpu.vector_store_idx %arg6[%get3A_705], %broadcast_in_dim3A_3 masked %ge3A_716 : memref<32768xf32, #tpu.memory_space<vmem>>[vector<16xi32>], vector<16xf32>, vector<16xi1>
        %ge3A_717 = arith.cmpf oge, %get3A_681, %bitcast3A : vector<16xf32>
        tpu.vector_store_idx %arg6[%get3A_713], %broadcast_in_dim3A_3 masked %ge3A_717 : memref<32768xf32, #tpu.memory_space<vmem>>[vector<16xi32>], vector<16xf32>, vector<16xi1>
        %while3A_718 = arith.constant 0 : i32
        scf.yield %while3A_718 : i32
      }
      %while3A_629 = arith.constant 1 : i32
      %while3A_630 = scf.for %while3A_649 = %while3A_626 to %while3A_622 step %while3A_629 iter_args(%while3A_650 = %while3A_628) -> (i32)  : i32 {
        %mul3A_651 = arith.constant 4 : i32
        %mul3A_652 = arith.muli %while3A_649, %mul3A_651 : i32
        %add3A_653 = arith.constant 0 : i32
        %add3A_654 = arith.addi %mul3A_652, %add3A_653 : i32
        %mul3A_655 = arith.constant 16 : i32
        %mul3A_656 = arith.muli %add3A_654, %mul3A_655 : i32
        %get3A = arith.index_cast %mul3A_656 : i32 to index
        %get3A_657 = tpu.vector_load %arg9[%get3A] {strides = array<i32>} : memref<1280xf32, #tpu.memory_space<vmem>>, vector<16xf32>,
        %mul3A_658 = arith.constant 4 : i32
        %mul3A_659 = arith.muli %while3A_649, %mul3A_658 : i32
        %add3A_660 = arith.constant 1 : i32
        %add3A_661 = arith.addi %mul3A_659, %add3A_660 : i32
        %mul3A_662 = arith.constant 16 : i32
        %mul3A_663 = arith.muli %add3A_661, %mul3A_662 : i32
        %get3A_664 = arith.index_cast %mul3A_663 : i32 to index
        %get3A_665 = tpu.vector_load %arg9[%get3A_664] {strides = array<i32>} : memref<1280xf32, #tpu.memory_space<vmem>>, vector<16xf32>,
        %mul3A_666 = arith.constant 4 : i32
        %mul3A_667 = arith.muli %while3A_649, %mul3A_666 : i32
        %add3A_668 = arith.constant 2 : i32
        %add3A_669 = arith.addi %mul3A_667, %add3A_668 : i32
        %mul3A_670 = arith.constant 16 : i32
        %mul3A_671 = arith.muli %add3A_669, %mul3A_670 : i32
        %get3A_672 = arith.index_cast %mul3A_671 : i32 to index
        %get3A_673 = tpu.vector_load %arg9[%get3A_672] {strides = array<i32>} : memref<1280xf32, #tpu.memory_space<vmem>>, vector<16xf32>,
        %mul3A_674 = arith.constant 4 : i32
        %mul3A_675 = arith.muli %while3A_649, %mul3A_674 : i32
        %add3A_676 = arith.constant 3 : i32
        %add3A_677 = arith.addi %mul3A_675, %add3A_676 : i32
        %mul3A_678 = arith.constant 16 : i32
        %mul3A_679 = arith.muli %add3A_677, %mul3A_678 : i32
        %get3A_680 = arith.index_cast %mul3A_679 : i32 to index
        %get3A_681 = tpu.vector_load %arg9[%get3A_680] {strides = array<i32>} : memref<1280xf32, #tpu.memory_space<vmem>>, vector<16xf32>,
        %mul3A_682 = arith.constant 4 : i32
        %mul3A_683 = arith.muli %while3A_649, %mul3A_682 : i32
        %add3A_684 = arith.constant 0 : i32
        %add3A_685 = arith.addi %mul3A_683, %add3A_684 : i32
        %mul3A_686 = arith.constant 16 : i32
        %mul3A_687 = arith.muli %add3A_685, %mul3A_686 : i32
        %get3A_688 = arith.index_cast %mul3A_687 : i32 to index
        %get3A_689 = tpu.vector_load %arg7[%get3A_688] {strides = array<i32>} : memref<1280xi32, #tpu.memory_space<vmem>>, vector<16xi32>,
        %mul3A_690 = arith.constant 4 : i32
        %mul3A_691 = arith.muli %while3A_649, %mul3A_690 : i32
        %add3A_692 = arith.constant 1 : i32
        %add3A_693 = arith.addi %mul3A_691, %add3A_692 : i32
        %mul3A_694 = arith.constant 16 : i32
        %mul3A_695 = arith.muli %add3A_693, %mul3A_694 : i32
        %get3A_696 = arith.index_cast %mul3A_695 : i32 to index
        %get3A_697 = tpu.vector_load %arg7[%get3A_696] {strides = array<i32>} : memref<1280xi32, #tpu.memory_space<vmem>>, vector<16xi32>,
        %mul3A_698 = arith.constant 4 : i32
        %mul3A_699 = arith.muli %while3A_649, %mul3A_698 : i32
        %add3A_700 = arith.constant 2 : i32
        %add3A_701 = arith.addi %mul3A_699, %add3A_700 : i32
        %mul3A_702 = arith.constant 16 : i32
        %mul3A_703 = arith.muli %add3A_701, %mul3A_702 : i32
        %get3A_704 = arith.index_cast %mul3A_703 : i32 to index
        %get3A_705 = tpu.vector_load %arg7[%get3A_704] {strides = array<i32>} : memref<1280xi32, #tpu.memory_space<vmem>>, vector<16xi32>,
        %mul3A_706 = arith.constant 4 : i32
        %mul3A_707 = arith.muli %while3A_649, %mul3A_706 : i32
        %add3A_708 = arith.constant 3 : i32
        %add3A_709 = arith.addi %mul3A_707, %add3A_708 : i32
        %mul3A_710 = arith.constant 16 : i32
        %mul3A_711 = arith.muli %add3A_709, %mul3A_710 : i32
        %get3A_712 = arith.index_cast %mul3A_711 : i32 to index
        %get3A_713 = tpu.vector_load %arg7[%get3A_712] {strides = array<i32>} : memref<1280xi32, #tpu.memory_space<vmem>>, vector<16xi32>,
        %ge3A_714 = arith.cmpf oge, %get3A_657, %bitcast3A : vector<16xf32>
        tpu.vector_store_idx %arg6[%get3A_689], %broadcast_in_dim3A_3 masked %ge3A_714 : memref<32768xf32, #tpu.memory_space<vmem>>[vector<16xi32>], vector<16xf32>, vector<16xi1>
        %ge3A_715 = arith.cmpf oge, %get3A_665, %bitcast3A : vector<16xf32>
        tpu.vector_store_idx %arg6[%get3A_697], %broadcast_in_dim3A_3 masked %ge3A_715 : memref<32768xf32, #tpu.memory_space<vmem>>[vector<16xi32>], vector<16xf32>, vector<16xi1>
        %ge3A_716 = arith.cmpf oge, %get3A_673, %bitcast3A : vector<16xf32>
        tpu.vector_store_idx %arg6[%get3A_705], %broadcast_in_dim3A_3 masked %ge3A_716 : memref<32768xf32, #tpu.memory_space<vmem>>[vector<16xi32>], vector<16xf32>, vector<16xi1>
        %ge3A_717 = arith.cmpf oge, %get3A_681, %bitcast3A : vector<16xf32>
        tpu.vector_store_idx %arg6[%get3A_713], %broadcast_in_dim3A_3 masked %ge3A_717 : memref<32768xf32, #tpu.memory_space<vmem>>[vector<16xi32>], vector<16xf32>, vector<16xi1>
        %while3A_718 = arith.constant 0 : i32
        scf.yield %while3A_718 : i32
      }
      %while3A_631 = arith.constant 0 : i32
      %while3A_632 = arith.constant 0 : i32
      %while3A_633 = arith.subi %select_n3A_586, %while3A_631 : i32
      %while3A_634 = arith.addi %while3A_631, %while3A_633 : i32
      %while3A_635 = arith.constant 1 : i32
      %while3A_636 = arith.divsi %while3A_633, %while3A_635 : i32
      %while3A_637 = arith.muli %while3A_636, %while3A_635 : i32
      %while3A_638 = arith.addi %while3A_631, %while3A_637 : i32
      %while3A_639 = arith.constant 1 : i32
      %while3A_640 = scf.for %while3A_649 = %while3A_631 to %while3A_638 step %while3A_639 iter_args(%while3A_650 = %while3A_632) -> (i32)  : i32 {
        %mul3A_651 = arith.constant 4 : i32
        %mul3A_652 = arith.muli %while3A_649, %mul3A_651 : i32
        %add3A_653 = arith.constant 0 : i32
        %add3A_654 = arith.addi %mul3A_652, %add3A_653 : i32
        %mul3A_655 = arith.constant 16 : i32
        %mul3A_656 = arith.muli %add3A_654, %mul3A_655 : i32
        %get3A = arith.index_cast %mul3A_656 : i32 to index
        %get3A_657 = tpu.vector_load %arg10[%get3A] {strides = array<i32>} : memref<1280xf32, #tpu.memory_space<vmem>>, vector<16xf32>,
        %mul3A_658 = arith.constant 4 : i32
        %mul3A_659 = arith.muli %while3A_649, %mul3A_658 : i32
        %add3A_660 = arith.constant 1 : i32
        %add3A_661 = arith.addi %mul3A_659, %add3A_660 : i32
        %mul3A_662 = arith.constant 16 : i32
        %mul3A_663 = arith.muli %add3A_661, %mul3A_662 : i32
        %get3A_664 = arith.index_cast %mul3A_663 : i32 to index
        %get3A_665 = tpu.vector_load %arg10[%get3A_664] {strides = array<i32>} : memref<1280xf32, #tpu.memory_space<vmem>>, vector<16xf32>,
        %mul3A_666 = arith.constant 4 : i32
        %mul3A_667 = arith.muli %while3A_649, %mul3A_666 : i32
        %add3A_668 = arith.constant 2 : i32
        %add3A_669 = arith.addi %mul3A_667, %add3A_668 : i32
        %mul3A_670 = arith.constant 16 : i32
        %mul3A_671 = arith.muli %add3A_669, %mul3A_670 : i32
        %get3A_672 = arith.index_cast %mul3A_671 : i32 to index
        %get3A_673 = tpu.vector_load %arg10[%get3A_672] {strides = array<i32>} : memref<1280xf32, #tpu.memory_space<vmem>>, vector<16xf32>,
        %mul3A_674 = arith.constant 4 : i32
        %mul3A_675 = arith.muli %while3A_649, %mul3A_674 : i32
        %add3A_676 = arith.constant 3 : i32
        %add3A_677 = arith.addi %mul3A_675, %add3A_676 : i32
        %mul3A_678 = arith.constant 16 : i32
        %mul3A_679 = arith.muli %add3A_677, %mul3A_678 : i32
        %get3A_680 = arith.index_cast %mul3A_679 : i32 to index
        %get3A_681 = tpu.vector_load %arg10[%get3A_680] {strides = array<i32>} : memref<1280xf32, #tpu.memory_space<vmem>>, vector<16xf32>,
        %mul3A_682 = arith.constant 4 : i32
        %mul3A_683 = arith.muli %while3A_649, %mul3A_682 : i32
        %add3A_684 = arith.constant 0 : i32
        %add3A_685 = arith.addi %mul3A_683, %add3A_684 : i32
        %mul3A_686 = arith.constant 16 : i32
        %mul3A_687 = arith.muli %add3A_685, %mul3A_686 : i32
        %get3A_688 = arith.index_cast %mul3A_687 : i32 to index
        %get3A_689 = tpu.vector_load %arg8[%get3A_688] {strides = array<i32>} : memref<1280xi32, #tpu.memory_space<vmem>>, vector<16xi32>,
        %mul3A_690 = arith.constant 4 : i32
        %mul3A_691 = arith.muli %while3A_649, %mul3A_690 : i32
        %add3A_692 = arith.constant 1 : i32
        %add3A_693 = arith.addi %mul3A_691, %add3A_692 : i32
        %mul3A_694 = arith.constant 16 : i32
        %mul3A_695 = arith.muli %add3A_693, %mul3A_694 : i32
        %get3A_696 = arith.index_cast %mul3A_695 : i32 to index
        %get3A_697 = tpu.vector_load %arg8[%get3A_696] {strides = array<i32>} : memref<1280xi32, #tpu.memory_space<vmem>>, vector<16xi32>,
        %mul3A_698 = arith.constant 4 : i32
        %mul3A_699 = arith.muli %while3A_649, %mul3A_698 : i32
        %add3A_700 = arith.constant 2 : i32
        %add3A_701 = arith.addi %mul3A_699, %add3A_700 : i32
        %mul3A_702 = arith.constant 16 : i32
        %mul3A_703 = arith.muli %add3A_701, %mul3A_702 : i32
        %get3A_704 = arith.index_cast %mul3A_703 : i32 to index
        %get3A_705 = tpu.vector_load %arg8[%get3A_704] {strides = array<i32>} : memref<1280xi32, #tpu.memory_space<vmem>>, vector<16xi32>,
        %mul3A_706 = arith.constant 4 : i32
        %mul3A_707 = arith.muli %while3A_649, %mul3A_706 : i32
        %add3A_708 = arith.constant 3 : i32
        %add3A_709 = arith.addi %mul3A_707, %add3A_708 : i32
        %mul3A_710 = arith.constant 16 : i32
        %mul3A_711 = arith.muli %add3A_709, %mul3A_710 : i32
        %get3A_712 = arith.index_cast %mul3A_711 : i32 to index
        %get3A_713 = tpu.vector_load %arg8[%get3A_712] {strides = array<i32>} : memref<1280xi32, #tpu.memory_space<vmem>>, vector<16xi32>,
        %ge3A_714 = arith.cmpf oge, %get3A_657, %bitcast3A_612 : vector<16xf32>
        tpu.vector_store_idx %arg6[%get3A_689], %get3A_657 masked %ge3A_714 : memref<32768xf32, #tpu.memory_space<vmem>>[vector<16xi32>], vector<16xf32>, vector<16xi1>
        %ge3A_715 = arith.cmpf oge, %get3A_665, %bitcast3A_612 : vector<16xf32>
        tpu.vector_store_idx %arg6[%get3A_697], %get3A_665 masked %ge3A_715 : memref<32768xf32, #tpu.memory_space<vmem>>[vector<16xi32>], vector<16xf32>, vector<16xi1>
        %ge3A_716 = arith.cmpf oge, %get3A_673, %bitcast3A_612 : vector<16xf32>
        tpu.vector_store_idx %arg6[%get3A_705], %get3A_673 masked %ge3A_716 : memref<32768xf32, #tpu.memory_space<vmem>>[vector<16xi32>], vector<16xf32>, vector<16xi1>
        %ge3A_717 = arith.cmpf oge, %get3A_681, %bitcast3A_612 : vector<16xf32>
        tpu.vector_store_idx %arg6[%get3A_713], %get3A_681 masked %ge3A_717 : memref<32768xf32, #tpu.memory_space<vmem>>[vector<16xi32>], vector<16xf32>, vector<16xi1>
        %while3A_718 = arith.constant 0 : i32
        scf.yield %while3A_718 : i32
      }
      %while3A_641 = arith.constant 1 : i32
      %while3A_642 = scf.for %while3A_649 = %while3A_638 to %while3A_634 step %while3A_641 iter_args(%while3A_650 = %while3A_640) -> (i32)  : i32 {
        %mul3A_651 = arith.constant 4 : i32
        %mul3A_652 = arith.muli %while3A_649, %mul3A_651 : i32
        %add3A_653 = arith.constant 0 : i32
        %add3A_654 = arith.addi %mul3A_652, %add3A_653 : i32
        %mul3A_655 = arith.constant 16 : i32
        %mul3A_656 = arith.muli %add3A_654, %mul3A_655 : i32
        %get3A = arith.index_cast %mul3A_656 : i32 to index
        %get3A_657 = tpu.vector_load %arg10[%get3A] {strides = array<i32>} : memref<1280xf32, #tpu.memory_space<vmem>>, vector<16xf32>,
        %mul3A_658 = arith.constant 4 : i32
        %mul3A_659 = arith.muli %while3A_649, %mul3A_658 : i32
        %add3A_660 = arith.constant 1 : i32
        %add3A_661 = arith.addi %mul3A_659, %add3A_660 : i32
        %mul3A_662 = arith.constant 16 : i32
        %mul3A_663 = arith.muli %add3A_661, %mul3A_662 : i32
        %get3A_664 = arith.index_cast %mul3A_663 : i32 to index
        %get3A_665 = tpu.vector_load %arg10[%get3A_664] {strides = array<i32>} : memref<1280xf32, #tpu.memory_space<vmem>>, vector<16xf32>,
        %mul3A_666 = arith.constant 4 : i32
        %mul3A_667 = arith.muli %while3A_649, %mul3A_666 : i32
        %add3A_668 = arith.constant 2 : i32
        %add3A_669 = arith.addi %mul3A_667, %add3A_668 : i32
        %mul3A_670 = arith.constant 16 : i32
        %mul3A_671 = arith.muli %add3A_669, %mul3A_670 : i32
        %get3A_672 = arith.index_cast %mul3A_671 : i32 to index
        %get3A_673 = tpu.vector_load %arg10[%get3A_672] {strides = array<i32>} : memref<1280xf32, #tpu.memory_space<vmem>>, vector<16xf32>,
        %mul3A_674 = arith.constant 4 : i32
        %mul3A_675 = arith.muli %while3A_649, %mul3A_674 : i32
        %add3A_676 = arith.constant 3 : i32
        %add3A_677 = arith.addi %mul3A_675, %add3A_676 : i32
        %mul3A_678 = arith.constant 16 : i32
        %mul3A_679 = arith.muli %add3A_677, %mul3A_678 : i32
        %get3A_680 = arith.index_cast %mul3A_679 : i32 to index
        %get3A_681 = tpu.vector_load %arg10[%get3A_680] {strides = array<i32>} : memref<1280xf32, #tpu.memory_space<vmem>>, vector<16xf32>,
        %mul3A_682 = arith.constant 4 : i32
        %mul3A_683 = arith.muli %while3A_649, %mul3A_682 : i32
        %add3A_684 = arith.constant 0 : i32
        %add3A_685 = arith.addi %mul3A_683, %add3A_684 : i32
        %mul3A_686 = arith.constant 16 : i32
        %mul3A_687 = arith.muli %add3A_685, %mul3A_686 : i32
        %get3A_688 = arith.index_cast %mul3A_687 : i32 to index
        %get3A_689 = tpu.vector_load %arg8[%get3A_688] {strides = array<i32>} : memref<1280xi32, #tpu.memory_space<vmem>>, vector<16xi32>,
        %mul3A_690 = arith.constant 4 : i32
        %mul3A_691 = arith.muli %while3A_649, %mul3A_690 : i32
        %add3A_692 = arith.constant 1 : i32
        %add3A_693 = arith.addi %mul3A_691, %add3A_692 : i32
        %mul3A_694 = arith.constant 16 : i32
        %mul3A_695 = arith.muli %add3A_693, %mul3A_694 : i32
        %get3A_696 = arith.index_cast %mul3A_695 : i32 to index
        %get3A_697 = tpu.vector_load %arg8[%get3A_696] {strides = array<i32>} : memref<1280xi32, #tpu.memory_space<vmem>>, vector<16xi32>,
        %mul3A_698 = arith.constant 4 : i32
        %mul3A_699 = arith.muli %while3A_649, %mul3A_698 : i32
        %add3A_700 = arith.constant 2 : i32
        %add3A_701 = arith.addi %mul3A_699, %add3A_700 : i32
        %mul3A_702 = arith.constant 16 : i32
        %mul3A_703 = arith.muli %add3A_701, %mul3A_702 : i32
        %get3A_704 = arith.index_cast %mul3A_703 : i32 to index
        %get3A_705 = tpu.vector_load %arg8[%get3A_704] {strides = array<i32>} : memref<1280xi32, #tpu.memory_space<vmem>>, vector<16xi32>,
        %mul3A_706 = arith.constant 4 : i32
        %mul3A_707 = arith.muli %while3A_649, %mul3A_706 : i32
        %add3A_708 = arith.constant 3 : i32
        %add3A_709 = arith.addi %mul3A_707, %add3A_708 : i32
        %mul3A_710 = arith.constant 16 : i32
        %mul3A_711 = arith.muli %add3A_709, %mul3A_710 : i32
        %get3A_712 = arith.index_cast %mul3A_711 : i32 to index
        %get3A_713 = tpu.vector_load %arg8[%get3A_712] {strides = array<i32>} : memref<1280xi32, #tpu.memory_space<vmem>>, vector<16xi32>,
        %ge3A_714 = arith.cmpf oge, %get3A_657, %bitcast3A_612 : vector<16xf32>
        tpu.vector_store_idx %arg6[%get3A_689], %get3A_657 masked %ge3A_714 : memref<32768xf32, #tpu.memory_space<vmem>>[vector<16xi32>], vector<16xf32>, vector<16xi1>
        %ge3A_715 = arith.cmpf oge, %get3A_665, %bitcast3A_612 : vector<16xf32>
        tpu.vector_store_idx %arg6[%get3A_697], %get3A_665 masked %ge3A_715 : memref<32768xf32, #tpu.memory_space<vmem>>[vector<16xi32>], vector<16xf32>, vector<16xi1>
        %ge3A_716 = arith.cmpf oge, %get3A_673, %bitcast3A_612 : vector<16xf32>
        tpu.vector_store_idx %arg6[%get3A_705], %get3A_673 masked %ge3A_716 : memref<32768xf32, #tpu.memory_space<vmem>>[vector<16xi32>], vector<16xf32>, vector<16xi1>
        %ge3A_717 = arith.cmpf oge, %get3A_681, %bitcast3A_612 : vector<16xf32>
        tpu.vector_store_idx %arg6[%get3A_713], %get3A_681 masked %ge3A_717 : memref<32768xf32, #tpu.memory_space<vmem>>[vector<16xi32>], vector<16xf32>, vector<16xi1>
        %while3A_718 = arith.constant 0 : i32
        scf.yield %while3A_718 : i32
      }
      %dma_start3A_643 = arith.constant 0 : i32
      %dma_start3A_644 = tpu.memref_slice %arg3[%add3A_504, %dma_start3A_643] : memref<4096x32768xf32, #tpu.memory_space<hbm>> -> memref<1x32768xf32, #tpu.memory_space<hbm>>
      %dma_start3A_645 = tpu.memref_squeeze %dma_start3A_644 : memref<1x32768xf32, #tpu.memory_space<hbm>> -> memref<32768xf32, #tpu.memory_space<hbm>>
      %dma_start3A_646 = arith.constant 0 : i32
      %dma_start3A_647 = tpu.memref_slice %arg3[%add3A_504, %dma_start3A_646] : memref<4096x32768xf32, #tpu.memory_space<hbm>> -> memref<1x32768xf32, #tpu.memory_space<hbm>>
      %dma_start3A_648 = tpu.memref_squeeze %dma_start3A_647 : memref<1x32768xf32, #tpu.memory_space<hbm>> -> memref<32768xf32, #tpu.memory_space<hbm>>
      tpu.enqueue_dma source(%arg6 : memref<32768xf32, #tpu.memory_space<vmem>>) target(%dma_start3A_648 : memref<32768xf32, #tpu.memory_space<hbm>>) target_semaphore(%arg13 : memref<!tpu.dma_semaphore, #tpu.memory_space<semaphore_mem>>)
      scf.yield %bitcast3A_612, %select_n3A_586 : vector<16xf32>, i32
    }
    %scan3A_365 = arith.constant 64 : i32
    %dma_wait3A = arith.constant 0 : i32
    %dma_wait3A_366 = tpu.memref_slice %arg3[%mul3A_2, %dma_wait3A] : memref<4096x32768xf32, #tpu.memory_space<hbm>> -> memref<1x32768xf32, #tpu.memory_space<hbm>>
    %dma_wait3A_367 = tpu.memref_squeeze %dma_wait3A_366 : memref<1x32768xf32, #tpu.memory_space<hbm>> -> memref<32768xf32, #tpu.memory_space<hbm>>
    %dma_wait3A_368 = arith.constant 0 : i32
    %dma_wait3A_369 = tpu.memref_slice %arg3[%mul3A_2, %dma_wait3A_368] : memref<4096x32768xf32, #tpu.memory_space<hbm>> -> memref<1x32768xf32, #tpu.memory_space<hbm>>
    %dma_wait3A_370 = tpu.memref_squeeze %dma_wait3A_369 : memref<1x32768xf32, #tpu.memory_space<hbm>> -> memref<32768xf32, #tpu.memory_space<hbm>>
    tpu.wait_dma2 semaphore(%arg13 : memref<!tpu.dma_semaphore, #tpu.memory_space<semaphore_mem>>) src(%arg6 : memref<32768xf32, #tpu.memory_space<vmem>>) dst(%dma_wait3A_370 : memref<32768xf32, #tpu.memory_space<hbm>>)
    return
  }
}

</mosaic_0001>

<sc_bundles>
// kernel: kernel.3.cloned.1.call-start
scs
__scs_entry_jumppad:
0x0: {  	(pc) =	sbr.rel $0x88, $3  }
0x1: {  	(tag) =	ssettag $0x0;
	lr =	simm.s32 $0x1  }
0x2: {  	[smem:$0x3FA0] =	sst lr;
	_ =	strace $0xD0000000  }
0x3: {  	_ = 	snop  }
0x4: {  	_ = 	snop  }
0x5: {  	_ = 	snop  }
0x6: {  	_ = 	snop  }
0x7: {  	_ = 	snop  }
__scs_overlays_trampoline_lowered:
0x8: {  	[smem:$0x3FAF] =	sst s0  }
0x9: {  	[smem:$0x3FB0] =	sst s1  }
0xa: {  	[smem:$0x3FB1] =	sst s2  }
0xb: {  	[smem:$0x3FB2] =	sst s3  }
0xc: {  	[smem:$0x3FB3] =	sst s4  }
0xd: {  	[smem:$0x3FB4] =	sst s5  }
0xe: {  	[smem:$0x3FB5] =	sst s6  }
0xf: {  	[smem:$0x3FB6] =	sst s7  }
0x10: {  	[smem:$0x3FB7] =	sst s8  }
0x11: {  	[smem:$0x3FB8] =	sst s9;
	s0 =	simm.s32 @!p0 $0x0  }
0x12: {  	s1 =	sld [smem:$0x3F9E];
	s0 =	simm.s32 @p0 $0x1  }
0x13: {  	[smem:$0x3FB9] =	sst s0;
	s0 =	simm.s32 @!p1 $0x0  }
0x14: {  	s2 =	sld [smem:$0x3F9D];
	s0 =	simm.s32 @p1 $0x1  }
0x15: {  	[smem:$0x3FBA] =	sst s0;
	s0 =	simm.s32 @!p2 $0x0  }
0x16: {  	s3 =	sld [smem:$0x3FDB];
	s0 =	simm.s32 @p2 $0x1  }
0x17: {  	s4 =	simm.s32 $0x1BF5;
	[smem:$0x3FBC] =	sst s0  }
0x18: {  	s0 =	sld [smem:$0x3F9F];
	_ =	swait.ge [sflag:s4], $0x0  }
0x19: {  	s7 =	sld [smem:$0x3FA0]  }
0x1a: {  	s8 =	sadd.s32 $0xFFFFE003, lr  }
0x1b: {  	s9 =	sadd.s32 $0xFFFFFEF7, lr;
	s5 =	simm.s32 $0xFFFFFFFF;
	p2 =	slt.u32 s8, $0xFFFFF086  }
0x1c: {  	p1 =	slt.u32 s9, $0xF7A;
	s5 =	simm.s32 @!p2 $0x0  }
0x1d: {  	s5 =	simm.s32 @p1 $0x1;
	p0 =	seq.s32 s7, s2  }
0x1e: {  	s7 =	smul.u32 @!p0 $0xF7A, s2;
	p2 =	seq.s32 @!p0 s5, $0x0  }
0x1f: {  	s9 =	smul.u32 $0xF7A, s1;
	s8 =	simm.s32 @!p0 $0x1BF5;
	p2 =	por !p2, p0  }
0x20: {  	[sflag:s8] =	ssyncset.s32 @!p0 $0xFFFFF086;
	s6 =	sadd.s32 @!p0 s3, s7;
	s7 =	simm.s32 @!p0 $0x108  }
0x21: {  	s3 =	sadd.s32 s3, s9;
	s6 =	sadd.s32 @!p0 $0x88, s6;
	s7 =	simm.s32 @p2 $0x1082  }
0x22: {  	[simem:s7], [sflag:s8] =	dma.local @!p0 [hbm:s6], $0xF7A  }
0x23: {  	s9 =	sor.u32 $0xD0000000, s2;
	s6 =	simm.s32 $0x108;
	_ =	swait.ge @!p0 [sflag:s8], $0x0  }
0x24: {  	s3 =	sadd.s32 $0x88, s3;
	s6 =	simm.s32 @!p1 $0x1082;
	[sflag:s4] =	ssyncset.s32 $0xFFFFF086  }
0x25: {  	[simem:s6], [sflag:s4] =	dma.local [hbm:s3], $0xF7A  }
0x26: {  	[smem:$0x3FA0] =	sst s1;
	(tag) =	ssettag s2;
	_ =	strace s9  }
0x27: {  	s1 =	sld [smem:$0x3FB0]  }
0x28: {  	s2 =	sld [smem:$0x3FB1]  }
0x29: {  	s4 =	sld [smem:$0x3FB3]  }
0x2a: {  	p0 =	seq.s32 s5, $0x0;
	s5 =	sld [smem:$0x3FB4]  }
0x2b: {  	s6 =	sld [smem:$0x3FB5]  }
0x2c: {  	s7 =	sld [smem:$0x3FB6]  }
0x2d: {  	s3 =	simm.s32 $0x108;
	s8 =	sld [smem:$0x3FB7]  }
0x2e: {  	s3 =	simm.s32 @!p0 $0x1082;
	s9 =	sld [smem:$0x3FB8]  }
0x2f: {  	lr =	sadd.s32 s0, s3;
	s0 =	sld [smem:$0x3FAF]  }
0x30: {  	s3 =	sld [smem:$0x3FB2]  }
0x31: {  	[smem:$0x3FBB] =	sst s10  }
0x32: {  	s10 =	sld [smem:$0x3FB9];
	_ =	sdelay $0x3  }
0x33: {  	p0 =	seq.s32 s10, $0x1;
	s10 =	sld [smem:$0x3FBB];
	_ =	sdelay $0x3  }
0x34: {  	[smem:$0x3FBB] =	sst s10  }
0x35: {  	s10 =	sld [smem:$0x3FBA];
	_ =	sdelay $0x3  }
0x36: {  	p1 =	seq.s32 s10, $0x1;
	s10 =	sld [smem:$0x3FBB];
	_ =	sdelay $0x3  }
0x37: {  	[smem:$0x3FBB] =	sst s10  }
0x38: {  	s10 =	sld [smem:$0x3FBC]  }
0x39: {  	_ = 	snop;
	(pc) =	sbr.ind lr, $3  }
0x3a: {  	_ = 	snop  }
0x3b: {  	_ = 	snop  }
0x3c: {  	p2 =	seq.s32 s10, $0x1;
	s10 =	sld [smem:$0x3FBB]  }
0x3d: {  	_ =	shalt  }
0x3e: {  	_ =	shalt  }
0x3f: {  	_ =	shalt  }
0x40: {  	_ =	shalt  }
0x41: {  	_ =	shalt  }
0x42: {  	_ =	shalt  }
0x43: {  	_ =	shalt  }
0x44: {  	_ =	shalt  }
0x45: {  	_ =	shalt  }
0x46: {  	_ =	shalt  }
0x47: {  	_ =	shalt  }
0x48: {  	_ =	shalt  }
0x49: {  	_ =	shalt  }
0x4a: {  	_ =	shalt  }
0x4b: {  	_ =	shalt  }
0x4c: {  	_ =	shalt  }
0x4d: {  	_ =	shalt  }
0x4e: {  	_ =	shalt  }
0x4f: {  	_ =	shalt  }
0x50: {  	_ =	shalt  }
0x51: {  	_ =	shalt  }
0x52: {  	_ =	shalt  }
0x53: {  	_ =	shalt  }
0x54: {  	_ =	shalt  }
0x55: {  	_ =	shalt  }
0x56: {  	_ =	shalt  }
0x57: {  	_ =	shalt  }
0x58: {  	_ =	shalt  }
0x59: {  	_ =	shalt  }
0x5a: {  	_ =	shalt  }
0x5b: {  	_ =	shalt  }
0x5c: {  	_ =	shalt  }
0x5d: {  	_ =	shalt  }
0x5e: {  	_ =	shalt  }
0x5f: {  	_ =	shalt  }
0x60: {  	_ =	shalt  }
0x61: {  	_ =	shalt  }
0x62: {  	_ =	shalt  }
0x63: {  	_ =	shalt  }
0x64: {  	_ =	shalt  }
0x65: {  	_ =	shalt  }
0x66: {  	_ =	shalt  }
0x67: {  	_ =	shalt  }
0x68: {  	_ =	shalt  }
0x69: {  	_ =	shalt  }
0x6a: {  	_ =	shalt  }
0x6b: {  	_ =	shalt  }
0x6c: {  	_ =	shalt  }
0x6d: {  	_ =	shalt  }
0x6e: {  	_ =	shalt  }
0x6f: {  	_ =	shalt  }
0x70: {  	_ =	shalt  }
0x71: {  	_ =	shalt  }
0x72: {  	_ =	shalt  }
0x73: {  	_ =	shalt  }
0x74: {  	_ =	shalt  }
0x75: {  	_ =	shalt  }
0x76: {  	_ =	shalt  }
0x77: {  	_ =	shalt  }
0x78: {  	_ =	shalt  }
0x79: {  	_ =	shalt  }
0x7a: {  	_ =	shalt  }
0x7b: {  	_ =	shalt  }
0x7c: {  	_ =	shalt  }
0x7d: {  	_ =	shalt  }
0x7e: {  	_ =	shalt  }
0x7f: {  	_ =	shalt  }
0x80: {  	_ =	shalt  }
0x81: {  	_ =	shalt  }
0x82: {  	_ =	shalt  }
0x83: {  	_ =	shalt  }
0x84: {  	_ =	shalt  }
0x85: {  	_ =	shalt  }
0x86: {  	_ =	shalt  }
0x87: {  	_ =	shalt  }
.Lfunc_end0:
.L_simem_size_0:
called_computation_lowered:
.L_overlay_start_0:
0x88: {  	s2 =	sld [smem:$0x3FD9]  }
0x89: {  	s3 =	sld [smem:$0x3FFE];
	_ =	sdelay $0x1  }
0x8a: {  	s1 =	srdreg.scid  }
0x8b: {  	s0 =	sand.u32 $0x1, s1  }
0x8c: {  	s18 =	sshll.u32 s0, $0xA;
	s2 =	sadd.s32 s3, s2  }
0x8d: {  	s2 =	sadd.s32 s2, s18  }
0x8e: {  	[smem:$0x3FC7] =	sst s2  }
0x8f: {  	_ = 	snop  }
0x90: {  	s2 =	sld [smem:$0x3FC9]  }
0x91: {  	s19 =	sld [smem:$0x3FD0];
	(tm) =	ssettm $0x1  }
0x92: {  	s4 =	sld [smem:$0x3FFB];
	_ =	sdelay $0x3  }
0x93: {  	_ =	strace s4  }
0x94: {  	s4 =	sld [smem:$0x3FFC];
	_ =	sdelay $0x3  }
0x95: {  	_ =	strace s4  }
0x96: {  	s4 =	sld [smem:$0x3FFD];
	_ =	sdelay $0x3  }
0x97: {  	_ =	strace s4  }
0x98: {  	_ =	strace $0x8FFFFFFF  }
0x99: {  	s20 =	sld [smem:$0x3FDB];
	_ =	sdelay $0x1  }
0x9a: {  	s5 =	simm.s32 $_scs_section_size  }
0x9b: {  	s6 =	simm.s32 $_size__tile_overlayer_lowered;
	s7 =	simm.s32 $_tile_overlayer_lowered  }
0x9c: {  	s23 =	simm.s32 $0x1BFF;
	s22 =	sshll.u32 s7, $0x1;
	s4 =	sadd.s32 s5, s20  }
0x9d: {  	s8 =	simm.s32 $0x0;
	s21 =	sshll.u32 s6, $0x1;
	s6 =	sadd.s32 s22, s4  }
0x9e: {  	[timem:s8], [sflag:s23] =	dma.local [hbm:s6], s21  }
0x9f: {  	_ =	swait.ge [sflag:s23], s21  }
0xa0: {  	s5 =	ssub.s32 $0x0, s21;
	[sflag:s23] =	ssyncset.done $0x0  }
0xa1: {  	[sflag:s23] =	ssyncadd.s32 s5;
	_ =	sdelay $0x1  }
0xa2: {  	s24 =	simm.s32 $0x1B8B  }
0xa3: {  	_ =	swait.ge [sflag:s24], $0x1  }
0xa4: {  	[sflag:s24] =	ssyncset.done $0x0  }
0xa5: {  	s25 =	simm.s32 $0x1B8E;
	[sflag:s24] =	ssyncadd.s32 $0xFFFFFFFF  }
0xa6: {  	s26 =	simm.s32 $execute0_lowered;
	[smem:$0x3FD2] =	sst s25  }
0xa7: {  	s5 =	sshll.u32 s26, $0x1;
	_ =	strace $0x80000046;
	[dreg:$0x1] =	wrdreg $0xFFFFFFFF  }
0xa8: {  	s28 =	simm.s32 $_size_execute0_lowered;
	s4 =	sadd.s32 s4, s5;
	[dreg:$0x0] =	wrdreg $0x0  }
0xa9: {  	s5 =	sshll.u32 s28, $0x1;
	[dreg:$0x2] =	wrdreg s4  }
0xaa: {  	[dreg:$0x3] =	wrdreg s5  }
0xab: {  	[dreg:$0x4] =	wrdreg $0xC0  }
0xac: {  	_ =	task [dreg:s8], $0x5FFFF  }
0xad: {  	[dreg:$0x1] =	wrdreg $0xFFFFFFFF  }
0xae: {  	[dreg:$0x0] =	wrdreg $0x60  }
0xaf: {  	[dreg:$0x2] =	wrdreg s2  }
0xb0: {  	[dreg:$0x3] =	wrdreg s19  }
0xb1: {  	[dreg:$0x4] =	wrdreg $0x9  }
0xb2: {  	_ =	task.clear_ibuf [dreg:s8], $0x5FFFF;
	_ =	strace $0x90000046  }
0xb3: {  	s29 =	simm.s32 $0x9;
	_ =	strace $0x80000048  }
0xb4: {  	_ =	swait.ge [sflag:s29], $0x1  }
0xb5: {  	[sflag:s29] =	ssyncadd.s32 $0xFFFFFFFF  }
0xb6: {  	_ =	strace $0x90000048  }
0xb7: {  	_ =	sfence  }
0xb8: {  	s30 =	sld [smem:$0x0];
	_ =	sdelay $0x2  }
0xb9: {  	s31 =	sshll.u32 s1, $0xD;
	s1 =	sshrl.u32 s1, $0x2  }
0xba: {  	s3 =	sand.u32 $0x4000, s31;
	s1 =	sadd.s32 s1, s30  }
0xbb: {  	s0 =	sor.u32 s3, s0;
	s1 =	sshll.u32 s1, $0x11  }
0xbc: {  	s0 =	sor.u32 s1, s0  }
0xbd: {  	s0 =	sadd.s32 $0x8F2B, s0  }
0xbe: {  	[sflag:s0] =	ssyncadd.remote.s32 $0x1  }
0xbf: {  	_ =	sfence.sel $0xFFFF  }
0xc0: {  	[dreg:$0x0] =	wrdreg $0xFFFFFFFF;
	(pc) =	sbr.abs _section_cstart, $3  }
0xc1: {  	[dreg:$0x1] =	wrdreg $0xFFFFFFFF  }
0xc2: {  	_ =	task.clear_ibuf [dreg:s8], $0x2FFFF;
	_ =	strace $0x9FFFFFFF  }
0xc3: {  	(tm) =	ssettm $0x7FFFFFFF  }
tec
execute0_lowered:
.L_overlay_start_1:
0x0: {  	(tag) =	ssettag $0x1  }
0x1: {  	s2 =	rddreg [dreg:$0x0]  }
0x2: {  	s0 =	srdreg.scid;
	s3 =	rddreg [dreg:$0x1]  }
0x3: {  	s1 =	stileid.u32;
	s4 =	simm.s32 $0x0;
	s9 =	simm.s32 $0x80  }
0x4: {  	s10 =	simm.s32 $0x400;
	s11 =	simm.s32 $0x8000;
	s12 =	simm.s32 $0x1  }
0x5: {  	s13 =	simm.s32 $0x18000;
	s14 =	simm.s32 $0x10000;
	s15 =	simm.s32 $0x2  }
0x6: {  	s16 =	simm.s32 $0x18500;
	s17 =	simm.s32 $0x3;
	s5 =	sand.u32 $0x1, s0  }
.Ltmp0:
0x7: {  	s6 =	sshll.u32 s1, $0x8;
	s7 =	sshll.u32 s5, $0x7;
	(pc) =	sbr.rel .LBB2_1-.Ltmp0, $4  }
0x8: {  	s18 =	simm.s32 $0x0;
	s8 =	ssub.s32 $0x2, s5;
	s5 =	sor.u32 s7, s6  }
0x9: {  	s0 =	rddreg [dreg:$0x2];
	s31 =	sshrl.u32 s8, $0x1;
	s7 =	sshll.u32 s5, $0xC  }
0xa: {  	v0 =	vimm.f32 $0.0e+00;
	v1 =	vimm.s32 $0x0;
	v4 =	vlaneseq.u32;
	[smem:$0x7FF] =	sst s4;
	s8 =	ssub.s32 s8, s31;
	s6 =	sadd.s32 s2, s7  }
0xb: {  	v2 =	vimm.s32 $0xF;
	v3 =	vor.u32 $0x3F0, v4;
	v4 =	vmul.u32 $0xFFFFFFFF, v4;
	_ =	strace $0x80000047;
	s8 =	smax.u32 s8, $0x1;
	s7 =	sadd.s32 $0x10, s6  }
.LBB2_49:
0xc: {  	s18 =	sadd.s32 $0x1, s18  }
0xd: {  	p0 =	sne.s32 s18, s8  }
.Ltmp1:
0xe: {  	_ = 	snop;
	(pc) =	sbr.rel @!p0 .LBB2_50-.Ltmp1, $4  }
0xf: {  	_ = 	snop  }
0x10: {  	_ =	swait.ge [sflag:s17], $0x8000  }
0x11: {  	[sflag:s17] =	ssyncset.done $0x0  }
0x12: {  	[sflag:s17] =	ssyncadd.s32 $0xFFFF8000  }
.LBB2_1:
0x13: {  	s19 =	simm.s32 $0x0;
	s20 =	simm.s32 $0x200  }
.LBB2_2:
0x14: {  	p0 =	sne.s32 s20, $0x1FE00;
	[tilespmem:s19+$0x10070] =	vst v0  }
0x15: {  	[tilespmem:s19+$0x10000] =	vst v0  }
0x16: {  	[tilespmem:s19+$0x10010] =	vst v0  }
.Ltmp2:
0x17: {  	[tilespmem:s19+$0x10020] =	vst v0;
	(pc) =	sbr.rel @p0 .LBB2_2-.Ltmp2, $4  }
0x18: {  	[tilespmem:s19+$0x10030] =	vst v0  }
0x19: {  	[tilespmem:s19+$0x10040] =	vst v0  }
0x1a: {  	[tilespmem:s19+$0x10050] =	vst v0  }
0x1b: {  	[tilespmem:s19+$0x10060] =	vst v0;
	s19 =	sshra.s32 s20, $0x2;
	s20 =	sadd.s32 $0x200, s20  }
0x1c: {  	[tilespmem:s19+$0x10070] =	vst v0  }
0x1d: {  	[tilespmem:s19+$0x10000] =	vst v0  }
0x1e: {  	[tilespmem:s19+$0x10010] =	vst v0  }
0x1f: {  	[tilespmem:s19+$0x10020] =	vst v0  }
0x20: {  	[tilespmem:s19+$0x10030] =	vst v0  }
0x21: {  	[tilespmem:s19+$0x10040] =	vst v0  }
0x22: {  	[tilespmem:s19+$0x10050] =	vst v0  }
0x23: {  	[tilespmem:s19+$0x10060] =	vst v0  }
0x24: {  	[tilespmem:$0x18000] =	vst v1  }
0x25: {  	[tilespmem:$0x18500] =	vst v1  }
0x26: {  	[tilespmem:$0x18010] =	vst v1  }
0x27: {  	[tilespmem:$0x18510] =	vst v1  }
0x28: {  	[tilespmem:$0x18020] =	vst v1  }
0x29: {  	[tilespmem:$0x18520] =	vst v1  }
0x2a: {  	[tilespmem:$0x18030] =	vst v1  }
0x2b: {  	[tilespmem:$0x18530] =	vst v1  }
0x2c: {  	[tilespmem:$0x18040] =	vst v1  }
0x2d: {  	[tilespmem:$0x18540] =	vst v1  }
0x2e: {  	[tilespmem:$0x18050] =	vst v1  }
0x2f: {  	[tilespmem:$0x18550] =	vst v1  }
0x30: {  	[tilespmem:$0x18060] =	vst v1  }
0x31: {  	[tilespmem:$0x18560] =	vst v1  }
0x32: {  	[tilespmem:$0x18070] =	vst v1  }
0x33: {  	[tilespmem:$0x18570] =	vst v1  }
0x34: {  	[tilespmem:$0x18080] =	vst v1  }
0x35: {  	[tilespmem:$0x18580] =	vst v1  }
0x36: {  	[tilespmem:$0x18090] =	vst v1  }
0x37: {  	[tilespmem:$0x18590] =	vst v1  }
0x38: {  	[tilespmem:$0x180A0] =	vst v1  }
0x39: {  	[tilespmem:$0x185A0] =	vst v1  }
0x3a: {  	[tilespmem:$0x180B0] =	vst v1  }
0x3b: {  	[tilespmem:$0x185B0] =	vst v1  }
0x3c: {  	[tilespmem:$0x180C0] =	vst v1  }
0x3d: {  	[tilespmem:$0x185C0] =	vst v1  }
0x3e: {  	[tilespmem:$0x180D0] =	vst v1  }
0x3f: {  	[tilespmem:$0x185D0] =	vst v1  }
0x40: {  	[tilespmem:$0x180E0] =	vst v1  }
0x41: {  	[tilespmem:$0x185E0] =	vst v1  }
0x42: {  	[tilespmem:$0x180F0] =	vst v1  }
0x43: {  	[tilespmem:$0x185F0] =	vst v1  }
0x44: {  	[tilespmem:$0x18100] =	vst v1  }
0x45: {  	[tilespmem:$0x18600] =	vst v1  }
0x46: {  	[tilespmem:$0x18110] =	vst v1  }
0x47: {  	[tilespmem:$0x18610] =	vst v1  }
0x48: {  	[tilespmem:$0x18120] =	vst v1  }
0x49: {  	[tilespmem:$0x18620] =	vst v1  }
0x4a: {  	[tilespmem:$0x18130] =	vst v1  }
0x4b: {  	[tilespmem:$0x18630] =	vst v1  }
0x4c: {  	[tilespmem:$0x18140] =	vst v1  }
0x4d: {  	[tilespmem:$0x18640] =	vst v1  }
0x4e: {  	[tilespmem:$0x18150] =	vst v1  }
0x4f: {  	[tilespmem:$0x18650] =	vst v1  }
0x50: {  	[tilespmem:$0x18160] =	vst v1  }
0x51: {  	[tilespmem:$0x18660] =	vst v1  }
0x52: {  	[tilespmem:$0x18170] =	vst v1  }
0x53: {  	[tilespmem:$0x18670] =	vst v1  }
0x54: {  	[tilespmem:$0x18180] =	vst v1  }
0x55: {  	[tilespmem:$0x18680] =	vst v1  }
0x56: {  	[tilespmem:$0x18190] =	vst v1  }
0x57: {  	[tilespmem:$0x18690] =	vst v1  }
0x58: {  	[tilespmem:$0x181A0] =	vst v1  }
0x59: {  	[tilespmem:$0x186A0] =	vst v1  }
0x5a: {  	[tilespmem:$0x181B0] =	vst v1  }
0x5b: {  	[tilespmem:$0x186B0] =	vst v1  }
0x5c: {  	[tilespmem:$0x181C0] =	vst v1  }
0x5d: {  	[tilespmem:$0x186C0] =	vst v1  }
0x5e: {  	[tilespmem:$0x181D0] =	vst v1  }
0x5f: {  	[tilespmem:$0x186D0] =	vst v1  }
0x60: {  	[tilespmem:$0x181E0] =	vst v1  }
0x61: {  	[tilespmem:$0x186E0] =	vst v1  }
0x62: {  	[tilespmem:$0x181F0] =	vst v1  }
0x63: {  	[tilespmem:$0x186F0] =	vst v1  }
0x64: {  	[tilespmem:$0x18200] =	vst v1  }
0x65: {  	[tilespmem:$0x18700] =	vst v1  }
0x66: {  	[tilespmem:$0x18210] =	vst v1  }
0x67: {  	[tilespmem:$0x18710] =	vst v1  }
0x68: {  	[tilespmem:$0x18220] =	vst v1  }
0x69: {  	[tilespmem:$0x18720] =	vst v1  }
0x6a: {  	[tilespmem:$0x18230] =	vst v1  }
0x6b: {  	[tilespmem:$0x18730] =	vst v1  }
0x6c: {  	[tilespmem:$0x18240] =	vst v1  }
0x6d: {  	[tilespmem:$0x18740] =	vst v1  }
0x6e: {  	[tilespmem:$0x18250] =	vst v1  }
0x6f: {  	[tilespmem:$0x18750] =	vst v1  }
0x70: {  	[tilespmem:$0x18260] =	vst v1  }
0x71: {  	[tilespmem:$0x18760] =	vst v1  }
0x72: {  	[tilespmem:$0x18270] =	vst v1  }
0x73: {  	[tilespmem:$0x18770] =	vst v1  }
0x74: {  	[tilespmem:$0x18280] =	vst v1  }
0x75: {  	[tilespmem:$0x18780] =	vst v1  }
0x76: {  	[tilespmem:$0x18290] =	vst v1  }
0x77: {  	[tilespmem:$0x18790] =	vst v1  }
0x78: {  	[tilespmem:$0x182A0] =	vst v1  }
0x79: {  	[tilespmem:$0x187A0] =	vst v1  }
0x7a: {  	[tilespmem:$0x182B0] =	vst v1  }
0x7b: {  	[tilespmem:$0x187B0] =	vst v1  }
0x7c: {  	[tilespmem:$0x182C0] =	vst v1  }
0x7d: {  	[tilespmem:$0x187C0] =	vst v1  }
0x7e: {  	[tilespmem:$0x182D0] =	vst v1  }
0x7f: {  	[tilespmem:$0x187D0] =	vst v1  }
0x80: {  	[tilespmem:$0x182E0] =	vst v1  }
0x81: {  	[tilespmem:$0x187E0] =	vst v1  }
0x82: {  	[tilespmem:$0x182F0] =	vst v1  }
0x83: {  	[tilespmem:$0x187F0] =	vst v1  }
0x84: {  	[tilespmem:$0x18300] =	vst v1  }
0x85: {  	[tilespmem:$0x18800] =	vst v1  }
0x86: {  	[tilespmem:$0x18310] =	vst v1  }
0x87: {  	[tilespmem:$0x18810] =	vst v1  }
0x88: {  	[tilespmem:$0x18320] =	vst v1  }
0x89: {  	[tilespmem:$0x18820] =	vst v1  }
0x8a: {  	[tilespmem:$0x18330] =	vst v1  }
0x8b: {  	[tilespmem:$0x18830] =	vst v1  }
0x8c: {  	[tilespmem:$0x18340] =	vst v1  }
0x8d: {  	[tilespmem:$0x18840] =	vst v1  }
0x8e: {  	[tilespmem:$0x18350] =	vst v1  }
0x8f: {  	[tilespmem:$0x18850] =	vst v1  }
0x90: {  	[tilespmem:$0x18360] =	vst v1  }
0x91: {  	[tilespmem:$0x18860] =	vst v1  }
0x92: {  	[tilespmem:$0x18370] =	vst v1  }
0x93: {  	[tilespmem:$0x18870] =	vst v1  }
0x94: {  	[tilespmem:$0x18380] =	vst v1  }
0x95: {  	[tilespmem:$0x18880] =	vst v1  }
0x96: {  	[tilespmem:$0x18390] =	vst v1  }
0x97: {  	[tilespmem:$0x18890] =	vst v1  }
0x98: {  	[tilespmem:$0x183A0] =	vst v1  }
0x99: {  	[tilespmem:$0x188A0] =	vst v1  }
0x9a: {  	[tilespmem:$0x183B0] =	vst v1  }
0x9b: {  	[tilespmem:$0x188B0] =	vst v1  }
0x9c: {  	[tilespmem:$0x183C0] =	vst v1  }
0x9d: {  	[tilespmem:$0x188C0] =	vst v1  }
0x9e: {  	[tilespmem:$0x183D0] =	vst v1  }
0x9f: {  	[tilespmem:$0x188D0] =	vst v1  }
0xa0: {  	[tilespmem:$0x183E0] =	vst v1  }
0xa1: {  	[tilespmem:$0x188E0] =	vst v1  }
0xa2: {  	[tilespmem:$0x183F0] =	vst v1  }
0xa3: {  	[tilespmem:$0x188F0] =	vst v1  }
0xa4: {  	[tilespmem:$0x18400] =	vst v1  }
0xa5: {  	[tilespmem:$0x18900] =	vst v1  }
0xa6: {  	[tilespmem:$0x18410] =	vst v1  }
0xa7: {  	[tilespmem:$0x18910] =	vst v1  }
0xa8: {  	[tilespmem:$0x18420] =	vst v1  }
0xa9: {  	[tilespmem:$0x18920] =	vst v1  }
0xaa: {  	[tilespmem:$0x18430] =	vst v1  }
0xab: {  	[tilespmem:$0x18930] =	vst v1  }
0xac: {  	[tilespmem:$0x18440] =	vst v1  }
0xad: {  	[tilespmem:$0x18940] =	vst v1  }
0xae: {  	[tilespmem:$0x18450] =	vst v1  }
0xaf: {  	[tilespmem:$0x18950] =	vst v1  }
0xb0: {  	[tilespmem:$0x18460] =	vst v1  }
0xb1: {  	[tilespmem:$0x18960] =	vst v1  }
0xb2: {  	[tilespmem:$0x18470] =	vst v1  }
0xb3: {  	[tilespmem:$0x18970] =	vst v1  }
0xb4: {  	[tilespmem:$0x18480] =	vst v1  }
0xb5: {  	[tilespmem:$0x18980] =	vst v1  }
0xb6: {  	[tilespmem:$0x18490] =	vst v1  }
0xb7: {  	[tilespmem:$0x18990] =	vst v1  }
0xb8: {  	[tilespmem:$0x184A0] =	vst v1  }
0xb9: {  	[tilespmem:$0x189A0] =	vst v1  }
0xba: {  	[tilespmem:$0x184B0] =	vst v1  }
0xbb: {  	[tilespmem:$0x189B0] =	vst v1  }
0xbc: {  	[tilespmem:$0x184C0] =	vst v1  }
0xbd: {  	[tilespmem:$0x189C0] =	vst v1  }
0xbe: {  	[tilespmem:$0x184D0] =	vst v1  }
0xbf: {  	[tilespmem:$0x189D0] =	vst v1  }
0xc0: {  	[tilespmem:$0x184E0] =	vst v1  }
0xc1: {  	[tilespmem:$0x189E0] =	vst v1  }
.Ltmp3:
0xc2: {  	[tilespmem:$0x184F0] =	vst v1;
	(pc) =	sbr.rel .LBB2_4-.Ltmp3, $4  }
0xc3: {  	s20 =	simm.s32 $0x0;
	[tilespmem:$0x189F0] =	vst v1  }
0xc4: {  	[tilespmem:s20], [sflag:$0x1] =	stream.strided.gather [hbm4b:s6+s9], $0x8000, s10, s9, $0x38;
	[tilespmem:$0x19400] =	vst v63  }
0xc5: {  	s19 =	simm.s32 $0x0  }
0xc6: {  	v5 =	vimm.f32 $1.000000000e+00;
	[tilespmem:s11], [sflag:$0x2] =	stream.strided.gather [hbm4b:s7+s9], $0x8000, s10, s9, $0x38;
	[tilespmem:$0x19400] =	vst v63  }
.LBB2_47:
0xc7: {  	_ =	sdelay $0x4  }
0xc8: {  	[tilespmem:v7+s14+$0x0] =	vst.idx.msk vm0, v6  }
.LBB2_48:
0xc9: {  	s19 =	sadd.s32 $0x1, s19  }
0xca: {  	p0 =	sne.s32 s19, $0x40  }
.Ltmp4:
0xcb: {  	_ = 	snop;
	(pc) =	sbr.rel @!p0 .LBB2_49-.Ltmp4, $4  }
0xcc: {  	s21 =	sadd.s32 s24, s3  }
0xcd: {  	s21 =	sadd.s32 s23, s21  }
0xce: {  	s21 =	sadd.s32 $0x10, s21  }
0xcf: {  	[hbm4b:s21+s9] =	stream.strided.scatter [tilespmem:s14], [sflag:$0x3], $0x8000, s10, s9, $0x38;
	[tilespmem:$0x19400] =	vst v63  }
.LBB2_4:
0xd0: {  	_ =	swait.ge [sflag:s12], $0x8000  }
0xd1: {  	[sflag:s12] =	ssyncset.done $0x0  }
0xd2: {  	s21 =	simm.s32 $0x0;
	[sflag:s12] =	ssyncadd.s32 $0xFFFF8000  }
0xd3: {  	v6 =	vld [tilespmem:s21+$0x0]  }
0xd4: {  	v7 =	vld [tilespmem:s21+$0x10]  }
0xd5: {  	v8 =	vld [tilespmem:s21+$0x20]  }
0xd6: {  	v9 =	vld [tilespmem:s21+$0x30]  }
0xd7: {  	v10 =	vld [tilespmem:s21+$0x40]  }
0xd8: {  	v11 =	vld [tilespmem:s21+$0x50]  }
0xd9: {  	v12 =	vld [tilespmem:s21+$0x60]  }
0xda: {  	v13 =	vld [tilespmem:s21+$0x70]  }
0xdb: {  	v14 =	vld [tilespmem:s21+$0x80]  }
0xdc: {  	v15 =	vld [tilespmem:s21+$0x90]  }
0xdd: {  	v16 =	vld [tilespmem:s21+$0xA0]  }
0xde: {  	v17 =	vld [tilespmem:s21+$0xB0];
	v6 =	vmax.f32 v6, $0.0e+00  }
0xdf: {  	v6 =	vmax.f32 v6, v7;
	v7 =	vld [tilespmem:s21+$0xC0]  }
0xe0: {  	v6 =	vmax.f32 v6, v8;
	v8 =	vld [tilespmem:s21+$0xD0]  }
0xe1: {  	v6 =	vmax.f32 v6, v9;
	v9 =	vld [tilespmem:s21+$0xE0]  }
0xe2: {  	s23 =	simm.s32 $0x100;
	v6 =	vmax.f32 v6, v10;
	v10 =	vld [tilespmem:s21+$0xF0]  }
0xe3: {  	v6 =	vmax.f32 v6, v11;
	v11 =	vld [tilespmem:s23+$0x0]  }
0xe4: {  	v6 =	vmax.f32 v6, v12;
	v12 =	vld [tilespmem:s23+$0x10]  }
0xe5: {  	v6 =	vmax.f32 v6, v13;
	v13 =	vld [tilespmem:s23+$0x20]  }
0xe6: {  	v6 =	vmax.f32 v6, v14;
	v14 =	vld [tilespmem:s23+$0x30]  }
0xe7: {  	v6 =	vmax.f32 v6, v15;
	v15 =	vld [tilespmem:s23+$0x40]  }
0xe8: {  	v6 =	vmax.f32 v6, v16;
	v11 =	vmax.f32 v11, $0.0e+00;
	v16 =	vld [tilespmem:s23+$0x50]  }
0xe9: {  	v6 =	vmax.f32 v6, v17;
	v11 =	vmax.f32 v11, v12;
	v12 =	vld [tilespmem:s23+$0x60]  }
0xea: {  	v6 =	vmax.f32 v6, v7;
	v7 =	vmax.f32 v11, v13;
	v11 =	vld [tilespmem:s23+$0x70]  }
0xeb: {  	v17 =	vld [tilespmem:s23+$0x80];
	v6 =	vmax.f32 v6, v8;
	v7 =	vmax.f32 v7, v14  }
0xec: {  	v18 =	vld [tilespmem:s23+$0x90];
	v6 =	vmax.f32 v6, v9;
	v8 =	vmax.f32 v7, v15  }
0xed: {  	v19 =	vld [tilespmem:s23+$0xA0];
	v7 =	vimm.f32 $0.0e+00;
	v9 =	vmax.f32 v6, v10;
	v6 =	vmax.f32 v8, v16  }
0xee: {  	v13 =	vld [tilespmem:s23+$0xB0];
	v10 =	vmin.f32 v7, v9;
	v6 =	vmax.f32 v6, v12  }
0xef: {  	v14 =	vld [tilespmem:s23+$0xC0];
	v8 =	vmin.f32 v7, v10;
	v6 =	vmax.f32 v6, v11  }
0xf0: {  	v15 =	vld [tilespmem:s23+$0xD0];
	v11 =	vmin.f32 v7, v8;
	v12 =	vmax.f32 v6, v17  }
0xf1: {  	v16 =	vld [tilespmem:s23+$0xE0];
	v6 =	vmax.f32 v7, v11;
	v11 =	vmax.f32 v12, v18  }
0xf2: {  	s22 =	simm.s32 $0xC00;
	s21 =	simm.s32 $0x200;
	v17 =	vld [tilespmem:s23+$0xF0];
	v12 =	vimm.f32 $0.0e+00;
	v18 =	vmax.f32 v11, v19;
	v11 =	vimm.f32 $0.0e+00  }
.LBB2_5:
0xf3: {  	p0 =	sne.s32 s22, $0x1FC00;
	v19 =	vld [tilespmem:s21+$0x0];
	v13 =	vmax.f32 v18, v13  }
0xf4: {  	v18 =	vld [tilespmem:s21+$0x10];
	v13 =	vmax.f32 v13, v14  }
0xf5: {  	v14 =	vld [tilespmem:s21+$0x20];
	v13 =	vmax.f32 v13, v15  }
0xf6: {  	v15 =	vld [tilespmem:s21+$0x30];
	v13 =	vmax.f32 v13, v16  }
0xf7: {  	v7 =	vmax.f32 v7, v9;
	v16 =	vld [tilespmem:s21+$0x40];
	v9 =	vmax.f32 v13, v17  }
0xf8: {  	v12 =	vmax.f32 v12, v10;
	v13 =	vmax.f32 v19, $0.0e+00;
	v17 =	vld [tilespmem:s21+$0x50];
	v10 =	vmin.f32 v7, v9  }
0xf9: {  	v11 =	vmax.f32 v11, v8;
	v13 =	vmax.f32 v13, v18;
	v18 =	vld [tilespmem:s21+$0x60];
	v8 =	vmin.f32 v12, v10  }
0xfa: {  	v13 =	vmax.f32 v13, v14;
	v14 =	vld [tilespmem:s21+$0x70];
	v19 =	vmin.f32 v11, v8  }
0xfb: {  	v13 =	vmax.f32 v13, v15;
	v15 =	vld [tilespmem:s21+$0x80];
	v6 =	vmax.f32 v6, v19  }
0xfc: {  	v13 =	vmax.f32 v13, v16;
	v16 =	vld [tilespmem:s21+$0x90]  }
0xfd: {  	v13 =	vmax.f32 v13, v17;
	v17 =	vld [tilespmem:s21+$0xA0]  }
.Ltmp5:
0xfe: {  	v18 =	vmax.f32 v13, v18;
	v13 =	vld [tilespmem:s21+$0xB0];
	(pc) =	sbr.rel @p0 .LBB2_5-.Ltmp5, $4  }
0xff: {  	v18 =	vmax.f32 v18, v14;
	v14 =	vld [tilespmem:s21+$0xC0]  }
0x100: {  	v18 =	vmax.f32 v18, v15;
	v15 =	vld [tilespmem:s21+$0xD0]  }
0x101: {  	v18 =	vmax.f32 v18, v16;
	v16 =	vld [tilespmem:s21+$0xE0]  }
0x102: {  	v18 =	vmax.f32 v18, v17;
	v17 =	vld [tilespmem:s21+$0xF0];
	s21 =	sshra.s32 s22, $0x2;
	s22 =	sadd.s32 $0x400, s22  }
0x103: {  	v19 =	vld [tilespmem:s21+$0x0]  }
0x104: {  	v20 =	vld [tilespmem:s21+$0x10]  }
0x105: {  	v21 =	vld [tilespmem:s21+$0x20]  }
0x106: {  	v22 =	vld [tilespmem:s21+$0x30]  }
0x107: {  	v23 =	vld [tilespmem:s21+$0x40]  }
0x108: {  	v24 =	vld [tilespmem:s21+$0x50];
	v19 =	vmax.f32 v19, $0.0e+00  }
0x109: {  	v41 =	vld [tilespmem:s21+$0x60];
	v19 =	vmax.f32 v19, v20  }
0x10a: {  	v42 =	vld [tilespmem:s21+$0x70];
	v19 =	vmax.f32 v19, v21  }
0x10b: {  	v43 =	vld [tilespmem:s21+$0x80];
	v19 =	vmax.f32 v19, v22  }
0x10c: {  	v44 =	vld [tilespmem:s21+$0x90];
	v19 =	vmax.f32 v19, v23  }
0x10d: {  	v45 =	vld [tilespmem:s21+$0xA0];
	v19 =	vmax.f32 v19, v24  }
0x10e: {  	v46 =	vld [tilespmem:s21+$0xB0];
	v19 =	vmax.f32 v19, v41  }
0x10f: {  	v47 =	vld [tilespmem:s21+$0xC0];
	v19 =	vmax.f32 v19, v42  }
0x110: {  	v48 =	vld [tilespmem:s21+$0xD0];
	v19 =	vmax.f32 v19, v43  }
0x111: {  	v50 =	vld [tilespmem:s21+$0xE0];
	v49 =	vmax.f32 v19, v44  }
0x112: {  	v13 =	vmax.f32 v18, v13;
	v52 =	vld [tilespmem:s21+$0xF0];
	v51 =	vmax.f32 v49, v45  }
0x113: {  	v13 =	vmax.f32 v13, v14;
	v14 =	vmax.f32 v51, v46  }
0x114: {  	v7 =	vmax.f32 v7, v9;
	v13 =	vmax.f32 v13, v15;
	v14 =	vmax.f32 v14, v47  }
0x115: {  	v10 =	vmax.f32 v12, v10;
	v13 =	vmax.f32 v13, v16;
	v9 =	vmax.f32 v14, v48  }
0x116: {  	v8 =	vmax.f32 v11, v8;
	v13 =	vmax.f32 v13, v17;
	v9 =	vmax.f32 v9, v50  }
0x117: {  	v53 =	vmin.f32 v7, v13;
	v7 =	vmax.f32 v7, v13;
	v9 =	vmax.f32 v9, v52  }
0x118: {  	v12 =	vmin.f32 v10, v53;
	v7 =	vmin.f32 v7, v9;
	v9 =	vmax.f32 v10, v53  }
0x119: {  	v10 =	vmin.f32 v8, v12;
	v8 =	vmax.f32 v8, v12;
	v7 =	vmin.f32 v9, v7  }
0x11a: {  	v6 =	vmax.f32 v6, v10;
	v7 =	vmin.f32 v8, v7  }
0x11b: {  	v6 =	vmax.f32 v6, v7  }
0x11c: {  	v6 =	vmax.f32 v6, $1.175494350e-38  }
0x11d: {  	v6 =	vsub.f32 $0.0e+00, v6;
	_ =	sdelay $0x1  }
0x11e: {  	(xrf0) =	vmax.scan.msk.f32 $0xffff, v6;
	_ =	sdelay $0x4  }
0x11f: {  	s31 =	simm.s32 $0x0  }
0x120: {  	v8 =	vld [tilespmem:s31+$0x0];
	v6, _, _ =	vpop (xrf0)  }
0x121: {  	v9 =	vld [tilespmem:s31+$0x10];
	v6 =	vsub.f32 $0.0e+00, v6  }
0x122: {  	v10 =	vld [tilespmem:s31+$0x20]  }
0x123: {  	v11 =	vld [tilespmem:s31+$0x30];
	v7 =	vperm.xlane v6, v2  }
0x124: {  	v54 =	vld [tilespmem:s31+$0x40]  }
0x125: {  	v55 =	vld [tilespmem:s31+$0x50];
	v6 =	vlaneseq.u32;
	vm0 =	vge.f32 v8, v7  }
0x126: {  	v56 =	vadd.s32 $0x10, v6;
	v8 =	vld [tilespmem:s31+$0x60];
	vm1 =	vge.f32 v9, v7;
	v9 =	vsel vm0, $0x10, v1  }
0x127: {  	vm2 =	vge.f32 v10, v7;
	v10 =	vsel vm1, $0x10, v1;
	v9 =	vadd.s32 v6, v9  }
0x128: {  	v57 =	vld [tilespmem:s31+$0x70];
	vm3 =	vge.f32 v11, v7;
	v11 =	vsel vm2, $0x10, v1;
	v10 =	vadd.s32 v10, v9  }
0x129: {  	vm4 =	vge.f32 v54, v7;
	v58 =	vsel vm3, $0x10, v1;
	v11 =	vadd.s32 v11, v10  }
0x12a: {  	vm5 =	vge.f32 v55, v7;
	v59 =	vsel vm4, $0x10, v1;
	v12 =	vadd.s32 v58, v11  }
0x12b: {  	vm6 =	vge.f32 v8, v7;
	v8 =	vsel vm5, $0x10, v1;
	[tilespmem:v6+s13+$0x0] =	vst.idx.msk vm0, v6;
	v13 =	vadd.s32 v59, v12  }
0x12c: {  	v60 =	vadd.s32 $0x20, v6;
	[tilespmem:v9+s13+$0x0] =	vst.idx.msk vm1, v56;
	v61 =	vadd.s32 v8, v13  }
0x12d: {  	v62 =	vadd.s32 $0x30, v6;
	vm0 =	vge.f32 v57, v7;
	v8 =	vsel vm6, $0x10, v1;
	[tilespmem:v10+s13+$0x0] =	vst.idx.msk vm2, v60  }
0x12e: {  	v10 =	vsel vm0, $0x10, v1;
	v9 =	vadd.s32 v8, v61;
	v8 =	vadd.s32 $0x40, v6;
	[tilespmem:v11+s13+$0x0] =	vst.idx.msk vm3, v62  }
0x12f: {  	v10 =	vadd.s32 v10, v9;
	v11 =	vadd.s32 $0x50, v6;
	[tilespmem:v12+s13+$0x0] =	vst.idx.msk vm4, v8  }
0x130: {  	v63 =	vadd.s32 $0x60, v6;
	vm1 =	vlt.s32 v10, v3;
	[tilespmem:v13+s13+$0x0] =	vst.idx.msk vm5, v11  }
0x131: {  	s22 =	simm.s32 $0x200;
	s21 =	simm.s32 $0x400;
	v8 =	vsel vm1, v10, v3;
	v10 =	vadd.s32 $0x70, v6;
	[tilespmem:v61+s13+$0x0] =	vst.idx.msk vm6, v63  }
.LBB2_7:
0x132: {  	p0 =	sne.s32 s21, $0x1FE00  }
0x133: {  	s23 =	sshra.s32 s22, $0x2;
	[tilespmem:v9+s13+$0x0] =	vst.idx.msk vm0, v10;
	v6 =	vadd.s32 $0x80, v6;
	s22 =	smov.u32 s21;
	s21 =	sadd.s32 $0x200, s21  }
0x134: {  	v9 =	vld [tilespmem:s23+$0x0]  }
0x135: {  	v10 =	vld [tilespmem:s23+$0x10]  }
0x136: {  	v11 =	vld [tilespmem:s23+$0x20]  }
0x137: {  	v12 =	vld [tilespmem:s23+$0x30]  }
0x138: {  	v13 =	vld [tilespmem:s23+$0x40]  }
0x139: {  	v14 =	vld [tilespmem:s23+$0x50];
	vm0 =	vge.f32 v9, v7;
	v9 =	vadd.s32 $0x20, v6  }
0x13a: {  	v16 =	vadd.s32 $0x10, v6;
	v15 =	vld [tilespmem:s23+$0x60];
	vm1 =	vge.f32 v10, v7;
	v10 =	vsel vm0, $0x10, v1  }
0x13b: {  	v17 =	vld [tilespmem:s23+$0x70];
	vm2 =	vge.f32 v11, v7;
	v11 =	vsel vm1, $0x10, v1;
	v10 =	vadd.s32 v8, v10  }
0x13c: {  	vm3 =	vge.f32 v12, v7;
	v12 =	vsel vm2, $0x10, v1;
	v11 =	vadd.s32 v11, v10  }
0x13d: {  	vm4 =	vge.f32 v13, v7;
	v13 =	vsel vm3, $0x10, v1;
	v12 =	vadd.s32 v12, v11  }
0x13e: {  	vm5 =	vge.f32 v14, v7;
	v14 =	vsel vm4, $0x10, v1;
	v13 =	vadd.s32 v13, v12  }
0x13f: {  	vm6 =	vge.f32 v15, v7;
	v15 =	vsel vm5, $0x10, v1;
	[tilespmem:v8+s13+$0x0] =	vst.idx.msk vm0, v6;
	v8 =	vadd.s32 v14, v13  }
0x140: {  	vm0 =	vge.f32 v17, v7;
	v14 =	vsel vm6, $0x10, v1;
	[tilespmem:v10+s13+$0x0] =	vst.idx.msk vm1, v16;
	v15 =	vadd.s32 v15, v8  }
.Ltmp6:
0x141: {  	v16 =	vadd.s32 $0x30, v6;
	v10 =	vsel vm0, $0x10, v1;
	[tilespmem:v11+s13+$0x0] =	vst.idx.msk vm2, v9;
	v9 =	vadd.s32 v14, v15;
	(pc) =	sbr.rel @p0 .LBB2_7-.Ltmp6, $4  }
0x142: {  	v11 =	vadd.s32 $0x40, v6;
	[tilespmem:v12+s13+$0x0] =	vst.idx.msk vm3, v16;
	v10 =	vadd.s32 v10, v9  }
0x143: {  	v12 =	vadd.s32 $0x50, v6;
	[tilespmem:v13+s13+$0x0] =	vst.idx.msk vm4, v11;
	vm1 =	vlt.s32 v10, v3  }
0x144: {  	v11 =	vadd.s32 $0x60, v6;
	[tilespmem:v8+s13+$0x0] =	vst.idx.msk vm5, v12;
	v8 =	vsel vm1, v10, v3  }
0x145: {  	v10 =	vadd.s32 $0x70, v6;
	[tilespmem:v15+s13+$0x0] =	vst.idx.msk vm6, v11  }
0x146: {  	_ =	sdelay $0x4  }
0x147: {  	s21 =	sshra.s32 s22, $0x2;
	[tilespmem:v9+s13+$0x0] =	vst.idx.msk vm0, v10  }
0x148: {  	v9 =	vld [tilespmem:s21+$0x0]  }
0x149: {  	v10 =	vld [tilespmem:s21+$0x10]  }
0x14a: {  	v11 =	vld [tilespmem:s21+$0x20]  }
0x14b: {  	v12 =	vld [tilespmem:s21+$0x30]  }
0x14c: {  	v13 =	vld [tilespmem:s21+$0x40]  }
0x14d: {  	v14 =	vld [tilespmem:s21+$0x50];
	vm7 =	vge.f32 v9, v7  }
0x14e: {  	v53 =	vld [tilespmem:s21+$0x60];
	vm6 =	vge.f32 v10, v7;
	v54 =	vsel vm7, $0x10, v1  }
0x14f: {  	v15 =	vld [tilespmem:s21+$0x70];
	vm5 =	vge.f32 v11, v7;
	v55 =	vsel vm6, $0x10, v1;
	v10 =	vadd.s32 v8, v54  }
0x150: {  	vm4 =	vge.f32 v12, v7;
	v56 =	vsel vm5, $0x10, v1;
	v11 =	vadd.s32 v55, v10  }
0x151: {  	vm2 =	vge.f32 v13, v7;
	v57 =	vsel vm4, $0x10, v1;
	v12 =	vadd.s32 v56, v11  }
0x152: {  	vm15 =	vge.f32 v14, v7;
	v58 =	vsel vm2, $0x10, v1;
	v13 =	vadd.s32 v57, v12  }
0x153: {  	vm1 =	vge.f32 v53, v7;
	v59 =	vsel vm15, $0x10, v1;
	v14 =	vadd.s32 v58, v13  }
0x154: {  	vm3 =	vge.f32 v15, v7;
	v7 =	vsel vm1, $0x10, v1;
	v9 =	vadd.s32 v59, v14  }
0x155: {  	v15 =	vsel vm3, $0x10, v1;
	v16 =	vadd.s32 v7, v9  }
0x156: {  	v7 =	vadd.s32 v15, v16  }
0x157: {  	vm8 =	vlt.s32 v7, v3  }
0x158: {  	v7 =	vsel vm8, v7, v3  }
0x159: {  	v60 =	vxor.u32 $0x80000000, v7  }
0x15a: {  	(xrf0) =	vmax.scan.msk.u32 $0xffff, v60;
	_ =	sdelay $0x5  }
0x15b: {  	v15, _, _ =	vpop (xrf0)  }
0x15c: {  	(v2sf) =	vpush v15, $0xF;
	_ =	sdelay $0xe  }
0x15d: {  	s29 =	spop (v2sf)  }
0x15e: {  	s21 =	sshra.s32 s29, $0x4  }
0x15f: {  	s21 =	sxor.u32 $0xF8000000, s21  }
0x160: {  	p0 =	slt.s32 s21, $0x3F  }
0x161: {  	p1 =	slt.s32 s21, $0xFFFFFFFD;
	s21 =	simm.s32 @!p0 $0x3F  }
0x162: {  	s30 =	sand.u32 $0x3, s21  }
0x163: {  	s21 =	sadd.s32 $0x4, s21;
	p6 =	sne.s32 s30, $0x0  }
0x164: {  	s31 =	sshrl.u32 s21, $0x1E;
	p0 =	por !p1, !p6  }
0x165: {  	v6 =	vadd.s32 $0x80, v6;
	s22 =	simm.s32 $0x1;
	s21 =	sadd.s32 s31, s21;
	p0 =	por !p0, !p0  }
0x166: {  	[tilespmem:v8+s13+$0x0] =	vst.idx.msk vm7, v6;
	v8 =	vadd.s32 $0x10, v6;
	s21 =	sshra.s32 s21, $0x2;
	s22 =	simm.s32 @!p0 $0x0  }
0x167: {  	v61 =	vadd.s32 $0x20, v6;
	[tilespmem:v10+s13+$0x0] =	vst.idx.msk vm6, v8;
	s21 =	ssub.s32 s21, s22  }
0x168: {  	v8 =	vadd.s32 $0x30, v6;
	[tilespmem:v11+s13+$0x0] =	vst.idx.msk vm5, v61;
	p1 =	slt.s32 s21, $0x1  }
.Ltmp7:
0x169: {  	v62 =	vadd.s32 $0x40, v6;
	[tilespmem:v12+s13+$0x0] =	vst.idx.msk vm4, v8;
	(pc) =	sbr.rel @p1 .LBB2_12-.Ltmp7, $4  }
0x16a: {  	v8 =	vadd.s32 $0x50, v6;
	[tilespmem:v13+s13+$0x0] =	vst.idx.msk vm2, v62  }
0x16b: {  	v63 =	vadd.s32 $0x60, v6;
	[tilespmem:v14+s13+$0x0] =	vst.idx.msk vm15, v8  }
0x16c: {  	v6 =	vadd.s32 $0x70, v6;
	[tilespmem:v9+s13+$0x0] =	vst.idx.msk vm1, v63  }
0x16d: {  	[tilespmem:v16+s13+$0x0] =	vst.idx.msk vm3, v6  }
0x16e: {  	s22 =	simm.s32 $0x18020  }
0x16f: {  	v6 =	vld [tilespmem:s22+$0x0]  }
0x170: {  	v9 =	vld [tilespmem:s22+$0xFFFFFFE0]  }
0x171: {  	v8 =	vld [tilespmem:s22+$0x10]  }
0x172: {  	v10 =	vld [tilespmem:s22+$0xFFFFFFF0];
	_ =	sdelay $0x4  }
0x173: {  	v11 =	vld.idx.msk [tilespmem:v6+s4+$0x0], $0xffff  }
0x174: {  	v6 =	vadd.s32 v4, v7;
	v13 =	vld.idx.msk [tilespmem:v9+s4+$0x0], $0xffff  }
0x175: {  	v12 =	vld.idx.msk [tilespmem:v8+s4+$0x0], $0xffff;
	v6 =	vshrl.u32 v6, $0x4  }
0x176: {  	p0 =	sne.s32 s21, $0x1;
	v8 =	vimm.s32 $0x0;
	v14 =	vld.idx.msk [tilespmem:v10+s4+$0x0], $0xffff;
	v7 =	vadd.s32 $0xFFFFFFFE, v6  }
.Ltmp8:
0x177: {  	vm0 =	vlt.s32 v8, v7;
	(pc) =	sbr.rel @!p0 .LBB2_11-.Ltmp8, $4  }
0x178: {  	s23 =	simm.s32 $0x18A20;
	v9 =	vadd.s32 $0xFFFFFFFD, v6;
	vm1 =	vlt.s32 v8, v6;
	v11 =	vnsel vm0, $0x0, v11  }
0x179: {  	v10 =	vadd.s32 $0xFFFFFFFF, v6;
	vm14 =	vlt.s32 v8, v9;
	v63 =	vnsel vm1, $0x0, v13;
	[tilespmem:s23+$0x0] =	vst v11  }
0x17a: {  	vm15 =	vlt.s32 v8, v10;
	v11 =	vnsel vm14, $0x0, v12;
	[tilespmem:s23+$0xFFFFFFE0] =	vst v63  }
0x17b: {  	s24 =	sadd.s32 $0xFFFFFFFF, s21;
	[tilespmem:s23+$0x10] =	vst v11;
	v11 =	vnsel vm15, $0x0, v14  }
.LBB2_10:
0x17c: {  	p0 =	sne.s32 s24, $0x1;
	[tilespmem:s23+$0xFFFFFFF0] =	vst v11;
	v8 =	vadd.s32 $0x4, v8;
	s23 =	sadd.s32 $0x40, s23;
	s22 =	sadd.s32 $0x40, s22  }
0x17d: {  	s24 =	sadd.s32 $0xFFFFFFFF, s24;
	v11 =	vld [tilespmem:s22+$0x0]  }
0x17e: {  	v12 =	vld [tilespmem:s22+$0x10]  }
0x17f: {  	v13 =	vld [tilespmem:s22+$0xFFFFFFE0]  }
0x180: {  	v14 =	vld [tilespmem:s22+$0xFFFFFFF0];
	_ =	sdelay $0x4  }
0x181: {  	v11 =	vld.idx.msk [tilespmem:v11+s4+$0x0], $0xffff  }
0x182: {  	v12 =	vld.idx.msk [tilespmem:v12+s4+$0x0], $0xffff  }
0x183: {  	v13 =	vld.idx.msk [tilespmem:v13+s4+$0x0], $0xffff  }
0x184: {  	v14 =	vld.idx.msk [tilespmem:v14+s4+$0x0], $0xffff;
	_ =	sdelay $0x1  }
.Ltmp9:
0x185: {  	vm0 =	vlt.s32 v8, v7;
	(pc) =	sbr.rel @p0 .LBB2_10-.Ltmp9, $4  }
0x186: {  	v11 =	vnsel vm0, $0x0, v11;
	vm0 =	vlt.s32 v8, v9  }
0x187: {  	vm1 =	vlt.s32 v8, v6;
	[tilespmem:s23+$0x0] =	vst v11;
	v11 =	vnsel vm0, $0x0, v12  }
0x188: {  	v12 =	vnsel vm1, $0x0, v13;
	vm0 =	vlt.s32 v8, v10;
	[tilespmem:s23+$0x10] =	vst v11  }
0x189: {  	v11 =	vnsel vm0, $0x0, v14;
	[tilespmem:s23+$0xFFFFFFE0] =	vst v12  }
.LBB2_11:
0x18a: {  	[tilespmem:s23+$0xFFFFFFF0] =	vst v11  }
.LBB2_12:
0x18b: {  	s22 =	sshll.u32 s19, $0x1  }
0x18c: {  	p0 =	seq.s32 s19, $0x3F;
	s22 =	sadd.s32 s5, s22  }
0x18d: {  	s23 =	sadd.s32 @!p0 $0x2, s22  }
0x18e: {  	s24 =	sshll.u32 @!p0 s23, $0x4  }
.Ltmp10:
0x18f: {  	s23 =	sshll.u32 @!p0 s23, $0xC;
	s24 =	sand.u32 @!p0 $0x60, s24;
	(pc) =	sbr.rel .LBB2_13-.Ltmp10, $4  }
0x190: {  	s25 =	simm.s32 @!p0 $0x400;
	s23 =	sand.u32 @!p0 $0xFFF8000, s23;
	s24 =	sadd.s32 @!p0 s2, s24  }
0x191: {  	s26 =	simm.s32 @!p0 $0x0;
	s23 =	sadd.s32 @!p0 s23, s24;
	s24 =	simm.s32 @!p0 $0x80  }
0x192: {  	[tilespmem:s26], [sflag:$0x1] =	stream.strided.gather @!p0 [hbm4b:s23+s24], $0x8000, s25, s24, $0x38;
	[tilespmem:$0x19400] =	vst v63  }
0x193: {  	v6 =	vimm.s32 $0x0;
	v7 =	vimm.s32 $0x40000000;
	s23 =	simm.s32 $0x0  }
.LBB2_16:
0x194: {  	v13 =	vsel vm0, $0x1, v1;
	vm13 =	vge.f32 v11, v8  }
0x195: {  	vm14 =	vge.f32 v10, v8;
	v11 =	vadd.s32 v13, v12;
	v63 =	vsel vm13, $0x1, v1  }
0x196: {  	vm15 =	vge.f32 v9, v8;
	v10 =	vadd.s32 v63, v11;
	v11 =	vsel vm14, $0x1, v1  }
0x197: {  	v9 =	vadd.s32 v11, v10;
	v10 =	vsel vm15, $0x1, v1  }
0x198: {  	v9 =	vadd.s32 v10, v9  }
.LBB2_17:
0x199: {  	(xrf0) =	vadd.scan.msk.s32 $0xffff, v9;
	_ =	sdelay $0x3  }
0x19a: {  	s23 =	sadd.s32 $0x1, s23  }
0x19b: {  	p2 =	sne.s32 s23, $0x1F  }
.Ltmp11:
0x19c: {  	v9, _, _ =	vpop (xrf0);
	(pc) =	sbr.rel @!p2 .LBB2_18-.Ltmp11, $3  }
0x19d: {  	v9 =	vperm.xlane v9, v2;
	_ =	sdelay $0x1  }
0x19e: {  	vm0 =	vgt.s32 v9, $0x3F  }
0x19f: {  	v7 =	vshrl.u32 v7, $0x1;
	v6 =	vsel vm0, v8, v6  }
.LBB2_13:
.Ltmp12:
0x1a0: {  	(pc) =	sbr.rel @p1 .LBB2_17-.Ltmp12, $2  }
0x1a1: {  	_ =	sdelay $0x2  }
0x1a2: {  	v8 =	vor.u32 v6, v7;
	s25 =	simm.s32 $0x18A20;
	v9 =	vimm.s32 $0x0  }
0x1a3: {  	v12 =	vld [tilespmem:s25+$0xFFFFFFE0];
	p2 =	sne.s32 s21, $0x1  }
.Ltmp13:
0x1a4: {  	v11 =	vld [tilespmem:s25+$0xFFFFFFF0];
	(pc) =	sbr.rel @!p2 .LBB2_16-.Ltmp13, $3  }
0x1a5: {  	v10 =	vld [tilespmem:s25+$0x0]  }
0x1a6: {  	v9 =	vld [tilespmem:s25+$0x10];
	_ =	sdelay $0x1  }
0x1a7: {  	s24 =	sadd.s32 $0xFFFFFFFF, s21;
	s25 =	sadd.s32 $0x40, s25;
	vm0 =	vge.f32 v12, v8;
	v12 =	vimm.s32 $0x0  }
.LBB2_15:
0x1a8: {  	v13 =	vld [tilespmem:s25+$0xFFFFFFE0];
	p2 =	sne.s32 s24, $0x1;
	s24 =	sadd.s32 $0xFFFFFFFF, s24;
	v14 =	vsel vm0, $0x1, v1;
	vm0 =	vge.f32 v11, v8  }
.Ltmp14:
0x1a9: {  	v11 =	vld [tilespmem:s25+$0xFFFFFFF0];
	v12 =	vadd.s32 v14, v12;
	v14 =	vsel vm0, $0x1, v1;
	vm0 =	vge.f32 v10, v8;
	(pc) =	sbr.rel @p2 .LBB2_15-.Ltmp14, $4  }
0x1aa: {  	v10 =	vld [tilespmem:s25+$0x0];
	v12 =	vadd.s32 v14, v12;
	v14 =	vsel vm0, $0x1, v1;
	vm0 =	vge.f32 v9, v8  }
0x1ab: {  	v9 =	vld [tilespmem:s25+$0x10];
	v12 =	vadd.s32 v14, v12;
	v14 =	vsel vm0, $0x1, v1  }
0x1ac: {  	v12 =	vadd.s32 v14, v12  }
0x1ad: {  	s25 =	sadd.s32 $0x40, s25;
	vm0 =	vge.f32 v13, v8  }
.Ltmp15:
0x1ae: {  	_ = 	snop;
	(pc) =	sbr.rel .LBB2_16-.Ltmp15, $1  }
0x1af: {  	_ =	sdelay $0x3  }
.LBB2_18:
0x1b0: {  	p2 =	sgt.s32 s20, $0x0  }
.Ltmp16:
0x1b1: {  	p1 =	seq.s32 s19, $0x0;
	(pc) =	sbr.rel @!p2 .LBB2_22-.Ltmp16, $4  }
0x1b2: {  	s23 =	simm.s32 @!p1 $0x3  }
0x1b3: {  	_ =	swait.ge @!p1 [sflag:s23], $0x8000  }
0x1b4: {  	[sflag:s23] =	ssyncset.done @!p1 $0x0  }
0x1b5: {  	[sflag:s23] =	ssyncadd.s32 @!p1 $0xFFFF8000  }
0x1b6: {  	s24 =	simm.s32 $0x18F20  }
0x1b7: {  	v7 =	vld [tilespmem:s24+$0xFFFFFFE0]  }
0x1b8: {  	v8 =	vld [tilespmem:s24+$0xFFFFFFF0]  }
0x1b9: {  	s23 =	simm.s32 $0x18520  }
0x1ba: {  	v10 =	vld [tilespmem:s23+$0xFFFFFFE0];
	_ =	sdelay $0x1  }
0x1bb: {  	v9 =	vld [tilespmem:s24+$0x0];
	vm0 =	vge.f32 v7, v5  }
0x1bc: {  	vm1 =	vge.f32 v8, v5;
	v8 =	vld [tilespmem:s24+$0x10]  }
0x1bd: {  	v11 =	vld [tilespmem:s23+$0xFFFFFFF0]  }
0x1be: {  	v12 =	vld [tilespmem:s23+$0x0]  }
0x1bf: {  	v7 =	vld [tilespmem:s23+$0x10]  }
0x1c0: {  	vm2 =	vge.f32 v9, v5  }
0x1c1: {  	p1 =	seq.s32 s20, $0x1;
	[tilespmem:v10+s14+$0x0] =	vst.idx.msk vm0, v0;
	vm0 =	vge.f32 v8, v5  }
.Ltmp17:
0x1c2: {  	_ = 	snop;
	(pc) =	sbr.rel @p1 .LBB2_21-.Ltmp17, $3  }
0x1c3: {  	_ =	sdelay $0x1  }
0x1c4: {  	[tilespmem:v11+s14+$0x0] =	vst.idx.msk vm1, v0  }
0x1c5: {  	s20 =	sadd.s32 $0xFFFFFFFF, s20;
	[tilespmem:v12+s14+$0x0] =	vst.idx.msk vm2, v0  }
.LBB2_20:
0x1c6: {  	p1 =	seq.s32 s20, $0x1;
	[tilespmem:v7+s14+$0x0] =	vst.idx.msk vm0, v0;
	s23 =	sadd.s32 $0x40, s23;
	s24 =	sadd.s32 $0x40, s24  }
0x1c7: {  	s20 =	sadd.s32 $0xFFFFFFFF, s20;
	v8 =	vld [tilespmem:s23+$0xFFFFFFE0]  }
0x1c8: {  	v7 =	vld [tilespmem:s24+$0xFFFFFFE0]  }
0x1c9: {  	v9 =	vld [tilespmem:s24+$0xFFFFFFF0]  }
0x1ca: {  	v10 =	vld [tilespmem:s24+$0x0]  }
0x1cb: {  	v11 =	vld [tilespmem:s24+$0x10]  }
0x1cc: {  	v12 =	vld [tilespmem:s23+$0xFFFFFFF0]  }
0x1cd: {  	v13 =	vld [tilespmem:s23+$0x0];
	vm1 =	vge.f32 v7, v5  }
0x1ce: {  	v7 =	vld [tilespmem:s23+$0x10];
	vm2 =	vge.f32 v9, v5  }
0x1cf: {  	vm3 =	vge.f32 v10, v5  }
0x1d0: {  	vm0 =	vge.f32 v11, v5  }
.Ltmp18:
0x1d1: {  	(pc) =	sbr.rel @!p1 .LBB2_20-.Ltmp18, $4  }
0x1d2: {  	_ = 	snop  }
0x1d3: {  	[tilespmem:v8+s14+$0x0] =	vst.idx.msk vm1, v0  }
0x1d4: {  	[tilespmem:v12+s14+$0x0] =	vst.idx.msk vm2, v0  }
0x1d5: {  	[tilespmem:v13+s14+$0x0] =	vst.idx.msk vm3, v0  }
.LBB2_21:
0x1d6: {  	_ =	sdelay $0x4  }
0x1d7: {  	[tilespmem:v7+s14+$0x0] =	vst.idx.msk vm0, v0  }
.LBB2_22:
0x1d8: {  	p1 =	sgt.s32 s21, $0x0  }
.Ltmp19:
0x1d9: {  	_ = 	snop;
	(pc) =	sbr.rel @!p1 .LBB2_26-.Ltmp19, $3  }
0x1da: {  	_ =	sdelay $0x1  }
0x1db: {  	vm0 =	vgt.s32 v6, $0x1  }
0x1dc: {  	v5 =	vnsel vm0, $0x1, v6  }
0x1dd: {  	s23 =	simm.s32 $0x18A20  }
0x1de: {  	v8 =	vld [tilespmem:s23+$0xFFFFFFE0];
	_ =	sdelay $0x1  }
0x1df: {  	s20 =	simm.s32 $0x18020  }
0x1e0: {  	v11 =	vld [tilespmem:s20+$0xFFFFFFE0]  }
0x1e1: {  	v9 =	vld [tilespmem:s23+$0xFFFFFFF0]  }
0x1e2: {  	v10 =	vld [tilespmem:s23+$0x0];
	vm0 =	vge.f32 v8, v5  }
0x1e3: {  	v6 =	vld [tilespmem:s23+$0x10]  }
0x1e4: {  	v12 =	vld [tilespmem:s20+$0xFFFFFFF0]  }
0x1e5: {  	v13 =	vld [tilespmem:s20+$0x0]  }
0x1e6: {  	v7 =	vld [tilespmem:s20+$0x10];
	vm1 =	vge.f32 v9, v5  }
0x1e7: {  	vm2 =	vge.f32 v10, v5  }
0x1e8: {  	p2 =	sne.s32 s21, $0x1;
	[tilespmem:v11+s14+$0x0] =	vst.idx.msk vm0, v8;
	vm0 =	vge.f32 v6, v5  }
.Ltmp20:
0x1e9: {  	_ = 	snop;
	(pc) =	sbr.rel @!p2 .LBB2_25-.Ltmp20, $3  }
0x1ea: {  	_ =	sdelay $0x1  }
0x1eb: {  	[tilespmem:v12+s14+$0x0] =	vst.idx.msk vm1, v9  }
0x1ec: {  	s24 =	sadd.s32 $0xFFFFFFFF, s21;
	[tilespmem:v13+s14+$0x0] =	vst.idx.msk vm2, v10  }
.LBB2_24:
0x1ed: {  	p2 =	sne.s32 s24, $0x1;
	[tilespmem:v7+s14+$0x0] =	vst.idx.msk vm0, v6;
	s20 =	sadd.s32 $0x40, s20;
	s23 =	sadd.s32 $0x40, s23  }
0x1ee: {  	s24 =	sadd.s32 $0xFFFFFFFF, s24;
	v8 =	vld [tilespmem:s20+$0xFFFFFFE0]  }
0x1ef: {  	v9 =	vld [tilespmem:s23+$0xFFFFFFE0]  }
0x1f0: {  	v10 =	vld [tilespmem:s23+$0xFFFFFFF0]  }
0x1f1: {  	v11 =	vld [tilespmem:s23+$0x0]  }
0x1f2: {  	v6 =	vld [tilespmem:s23+$0x10]  }
0x1f3: {  	v12 =	vld [tilespmem:s20+$0xFFFFFFF0]  }
0x1f4: {  	v13 =	vld [tilespmem:s20+$0x0];
	vm1 =	vge.f32 v9, v5  }
0x1f5: {  	v7 =	vld [tilespmem:s20+$0x10];
	vm2 =	vge.f32 v10, v5  }
0x1f6: {  	vm3 =	vge.f32 v11, v5  }
0x1f7: {  	vm0 =	vge.f32 v6, v5  }
.Ltmp21:
0x1f8: {  	(pc) =	sbr.rel @p2 .LBB2_24-.Ltmp21, $4  }
0x1f9: {  	_ = 	snop  }
0x1fa: {  	[tilespmem:v8+s14+$0x0] =	vst.idx.msk vm1, v9  }
0x1fb: {  	[tilespmem:v12+s14+$0x0] =	vst.idx.msk vm2, v10  }
0x1fc: {  	[tilespmem:v13+s14+$0x0] =	vst.idx.msk vm3, v11  }
.LBB2_25:
0x1fd: {  	_ =	sdelay $0x4  }
0x1fe: {  	[tilespmem:v7+s14+$0x0] =	vst.idx.msk vm0, v6  }
.LBB2_26:
0x1ff: {  	s20 =	sshll.u32 s19, $0x5  }
0x200: {  	s23 =	sshll.u32 s22, $0xC;
	s24 =	sand.u32 $0x60, s20  }
0x201: {  	s23 =	sand.u32 $0xFF8000, s23;
	s20 =	sadd.s32 s3, s24  }
0x202: {  	s20 =	sadd.s32 s23, s20  }
0x203: {  	[hbm4b:s20+s9] =	stream.strided.scatter [tilespmem:s14], [sflag:$0x3], $0x8000, s10, s9, $0x38;
	[tilespmem:$0x19400] =	vst v63  }
0x204: {  	_ =	swait.ge [sflag:s15], $0x8000  }
0x205: {  	[sflag:s15] =	ssyncset.done $0x0  }
0x206: {  	s31 =	simm.s32 $0x0;
	[sflag:s15] =	ssyncadd.s32 $0xFFFF8000  }
0x207: {  	v6 =	vld [tilespmem:s31+$0x8000]  }
0x208: {  	v7 =	vld [tilespmem:s31+$0x8010]  }
0x209: {  	v8 =	vld [tilespmem:s31+$0x8020]  }
0x20a: {  	v9 =	vld [tilespmem:s31+$0x8030]  }
0x20b: {  	v10 =	vld [tilespmem:s31+$0x8040]  }
0x20c: {  	v11 =	vld [tilespmem:s31+$0x8050]  }
0x20d: {  	v12 =	vld [tilespmem:s31+$0x8060]  }
0x20e: {  	v13 =	vld [tilespmem:s31+$0x8070]  }
0x20f: {  	v14 =	vld [tilespmem:s31+$0x8080]  }
0x210: {  	v15 =	vld [tilespmem:s31+$0x8090]  }
0x211: {  	v16 =	vld [tilespmem:s31+$0x80A0]  }
0x212: {  	v17 =	vld [tilespmem:s31+$0x80B0];
	v6 =	vmax.f32 v6, $0.0e+00  }
0x213: {  	v6 =	vmax.f32 v6, v7;
	v7 =	vld [tilespmem:s31+$0x80C0]  }
0x214: {  	v6 =	vmax.f32 v6, v8;
	v8 =	vld [tilespmem:s31+$0x80D0]  }
0x215: {  	v6 =	vmax.f32 v6, v9;
	v9 =	vld [tilespmem:s31+$0x80E0]  }
0x216: {  	s26 =	simm.s32 $0x100;
	v6 =	vmax.f32 v6, v10;
	v10 =	vld [tilespmem:s31+$0x80F0]  }
0x217: {  	v6 =	vmax.f32 v6, v11;
	v11 =	vld [tilespmem:s26+$0x8000]  }
0x218: {  	v6 =	vmax.f32 v6, v12;
	v12 =	vld [tilespmem:s26+$0x8010]  }
0x219: {  	v6 =	vmax.f32 v6, v13;
	v13 =	vld [tilespmem:s26+$0x8020]  }
0x21a: {  	v6 =	vmax.f32 v6, v14;
	v14 =	vld [tilespmem:s26+$0x8030]  }
0x21b: {  	v6 =	vmax.f32 v6, v15;
	v15 =	vld [tilespmem:s26+$0x8040]  }
0x21c: {  	v6 =	vmax.f32 v6, v16;
	v11 =	vmax.f32 v11, $0.0e+00;
	v16 =	vld [tilespmem:s26+$0x8050]  }
0x21d: {  	v6 =	vmax.f32 v6, v17;
	v11 =	vmax.f32 v11, v12;
	v12 =	vld [tilespmem:s26+$0x8060]  }
0x21e: {  	v6 =	vmax.f32 v6, v7;
	v7 =	vmax.f32 v11, v13;
	v11 =	vld [tilespmem:s26+$0x8070]  }
0x21f: {  	v17 =	vld [tilespmem:s26+$0x8080];
	v6 =	vmax.f32 v6, v8;
	v7 =	vmax.f32 v7, v14  }
0x220: {  	v18 =	vld [tilespmem:s26+$0x8090];
	v6 =	vmax.f32 v6, v9;
	v8 =	vmax.f32 v7, v15  }
0x221: {  	v19 =	vld [tilespmem:s26+$0x80A0];
	v7 =	vimm.f32 $0.0e+00;
	v9 =	vmax.f32 v6, v10;
	v6 =	vmax.f32 v8, v16  }
0x222: {  	v13 =	vld [tilespmem:s26+$0x80B0];
	v10 =	vmin.f32 v7, v9;
	v6 =	vmax.f32 v6, v12  }
0x223: {  	v14 =	vld [tilespmem:s26+$0x80C0];
	v8 =	vmin.f32 v7, v10;
	v6 =	vmax.f32 v6, v11  }
0x224: {  	v15 =	vld [tilespmem:s26+$0x80D0];
	v11 =	vmin.f32 v7, v8;
	v12 =	vmax.f32 v6, v17  }
0x225: {  	v16 =	vld [tilespmem:s26+$0x80E0];
	v6 =	vmax.f32 v7, v11;
	v11 =	vmax.f32 v12, v18  }
0x226: {  	s25 =	simm.s32 $0xC00;
	s20 =	simm.s32 $0x200;
	v17 =	vld [tilespmem:s26+$0x80F0];
	v12 =	vimm.f32 $0.0e+00;
	v18 =	vmax.f32 v11, v19;
	v11 =	vimm.f32 $0.0e+00  }
.LBB2_27:
0x227: {  	p2 =	sne.s32 s25, $0x1FC00;
	v19 =	vld [tilespmem:s20+$0x8000];
	v13 =	vmax.f32 v18, v13  }
0x228: {  	v18 =	vld [tilespmem:s20+$0x8010];
	v13 =	vmax.f32 v13, v14  }
0x229: {  	v14 =	vld [tilespmem:s20+$0x8020];
	v13 =	vmax.f32 v13, v15  }
0x22a: {  	v15 =	vld [tilespmem:s20+$0x8030];
	v13 =	vmax.f32 v13, v16  }
0x22b: {  	v7 =	vmax.f32 v7, v9;
	v16 =	vld [tilespmem:s20+$0x8040];
	v9 =	vmax.f32 v13, v17  }
0x22c: {  	v12 =	vmax.f32 v12, v10;
	v13 =	vmax.f32 v19, $0.0e+00;
	v17 =	vld [tilespmem:s20+$0x8050];
	v10 =	vmin.f32 v7, v9  }
0x22d: {  	v11 =	vmax.f32 v11, v8;
	v13 =	vmax.f32 v13, v18;
	v18 =	vld [tilespmem:s20+$0x8060];
	v8 =	vmin.f32 v12, v10  }
0x22e: {  	v13 =	vmax.f32 v13, v14;
	v14 =	vld [tilespmem:s20+$0x8070];
	v19 =	vmin.f32 v11, v8  }
0x22f: {  	v13 =	vmax.f32 v13, v15;
	v15 =	vld [tilespmem:s20+$0x8080];
	v6 =	vmax.f32 v6, v19  }
0x230: {  	v13 =	vmax.f32 v13, v16;
	v16 =	vld [tilespmem:s20+$0x8090]  }
0x231: {  	v13 =	vmax.f32 v13, v17;
	v17 =	vld [tilespmem:s20+$0x80A0]  }
.Ltmp22:
0x232: {  	v18 =	vmax.f32 v13, v18;
	v13 =	vld [tilespmem:s20+$0x80B0];
	(pc) =	sbr.rel @p2 .LBB2_27-.Ltmp22, $4  }
0x233: {  	v18 =	vmax.f32 v18, v14;
	v14 =	vld [tilespmem:s20+$0x80C0]  }
0x234: {  	v18 =	vmax.f32 v18, v15;
	v15 =	vld [tilespmem:s20+$0x80D0]  }
0x235: {  	v18 =	vmax.f32 v18, v16;
	v16 =	vld [tilespmem:s20+$0x80E0]  }
0x236: {  	v18 =	vmax.f32 v18, v17;
	v17 =	vld [tilespmem:s20+$0x80F0];
	s20 =	sshra.s32 s25, $0x2;
	s25 =	sadd.s32 $0x400, s25  }
0x237: {  	v19 =	vld [tilespmem:s20+$0x8000]  }
0x238: {  	v20 =	vld [tilespmem:s20+$0x8010]  }
0x239: {  	v21 =	vld [tilespmem:s20+$0x8020]  }
0x23a: {  	v22 =	vld [tilespmem:s20+$0x8030]  }
0x23b: {  	v23 =	vld [tilespmem:s20+$0x8040]  }
0x23c: {  	v24 =	vld [tilespmem:s20+$0x8050];
	v19 =	vmax.f32 v19, $0.0e+00  }
0x23d: {  	v41 =	vld [tilespmem:s20+$0x8060];
	v19 =	vmax.f32 v19, v20  }
0x23e: {  	v42 =	vld [tilespmem:s20+$0x8070];
	v19 =	vmax.f32 v19, v21  }
0x23f: {  	v43 =	vld [tilespmem:s20+$0x8080];
	v19 =	vmax.f32 v19, v22  }
0x240: {  	v44 =	vld [tilespmem:s20+$0x8090];
	v19 =	vmax.f32 v19, v23  }
0x241: {  	v45 =	vld [tilespmem:s20+$0x80A0];
	v19 =	vmax.f32 v19, v24  }
0x242: {  	v46 =	vld [tilespmem:s20+$0x80B0];
	v19 =	vmax.f32 v19, v41  }
0x243: {  	v47 =	vld [tilespmem:s20+$0x80C0];
	v19 =	vmax.f32 v19, v42  }
0x244: {  	v48 =	vld [tilespmem:s20+$0x80D0];
	v19 =	vmax.f32 v19, v43  }
0x245: {  	v50 =	vld [tilespmem:s20+$0x80E0];
	v49 =	vmax.f32 v19, v44  }
0x246: {  	v13 =	vmax.f32 v18, v13;
	v52 =	vld [tilespmem:s20+$0x80F0];
	v51 =	vmax.f32 v49, v45  }
0x247: {  	v13 =	vmax.f32 v13, v14;
	v14 =	vmax.f32 v51, v46  }
0x248: {  	v7 =	vmax.f32 v7, v9;
	v13 =	vmax.f32 v13, v15;
	v14 =	vmax.f32 v14, v47  }
0x249: {  	v10 =	vmax.f32 v12, v10;
	v13 =	vmax.f32 v13, v16;
	v9 =	vmax.f32 v14, v48  }
0x24a: {  	v8 =	vmax.f32 v11, v8;
	v13 =	vmax.f32 v13, v17;
	v9 =	vmax.f32 v9, v50  }
0x24b: {  	v53 =	vmin.f32 v7, v13;
	v7 =	vmax.f32 v7, v13;
	v9 =	vmax.f32 v9, v52  }
0x24c: {  	v12 =	vmin.f32 v10, v53;
	v7 =	vmin.f32 v7, v9;
	v9 =	vmax.f32 v10, v53  }
0x24d: {  	v10 =	vmin.f32 v8, v12;
	v8 =	vmax.f32 v8, v12;
	v7 =	vmin.f32 v9, v7  }
0x24e: {  	v6 =	vmax.f32 v6, v10;
	v7 =	vmin.f32 v8, v7  }
0x24f: {  	v6 =	vmax.f32 v6, v7  }
0x250: {  	v6 =	vmax.f32 v6, $1.175494350e-38  }
0x251: {  	v6 =	vsub.f32 $0.0e+00, v6;
	_ =	sdelay $0x1  }
0x252: {  	(xrf0) =	vmax.scan.msk.f32 $0xffff, v6;
	_ =	sdelay $0x4  }
0x253: {  	s31 =	simm.s32 $0x0  }
0x254: {  	v8 =	vld [tilespmem:s31+$0x8000];
	v6, _, _ =	vpop (xrf0)  }
0x255: {  	v9 =	vld [tilespmem:s31+$0x8010];
	v6 =	vsub.f32 $0.0e+00, v6  }
0x256: {  	v10 =	vld [tilespmem:s31+$0x8020]  }
0x257: {  	v11 =	vld [tilespmem:s31+$0x8030];
	v7 =	vperm.xlane v6, v2  }
0x258: {  	v54 =	vld [tilespmem:s31+$0x8040]  }
0x259: {  	v55 =	vld [tilespmem:s31+$0x8050];
	v6 =	vlaneseq.u32;
	vm0 =	vge.f32 v8, v7  }
0x25a: {  	v56 =	vadd.s32 $0x10, v6;
	v8 =	vld [tilespmem:s31+$0x8060];
	vm1 =	vge.f32 v9, v7;
	v9 =	vsel vm0, $0x10, v1  }
0x25b: {  	vm2 =	vge.f32 v10, v7;
	v10 =	vsel vm1, $0x10, v1;
	v9 =	vadd.s32 v6, v9  }
0x25c: {  	v57 =	vld [tilespmem:s31+$0x8070];
	vm3 =	vge.f32 v11, v7;
	v11 =	vsel vm2, $0x10, v1;
	v10 =	vadd.s32 v10, v9  }
0x25d: {  	vm4 =	vge.f32 v54, v7;
	v58 =	vsel vm3, $0x10, v1;
	v11 =	vadd.s32 v11, v10  }
0x25e: {  	vm5 =	vge.f32 v55, v7;
	v59 =	vsel vm4, $0x10, v1;
	v12 =	vadd.s32 v58, v11  }
0x25f: {  	vm6 =	vge.f32 v8, v7;
	v8 =	vsel vm5, $0x10, v1;
	[tilespmem:v6+s16+$0x0] =	vst.idx.msk vm0, v6;
	v13 =	vadd.s32 v59, v12  }
0x260: {  	v60 =	vadd.s32 $0x20, v6;
	[tilespmem:v9+s16+$0x0] =	vst.idx.msk vm1, v56;
	v61 =	vadd.s32 v8, v13  }
0x261: {  	v62 =	vadd.s32 $0x30, v6;
	vm0 =	vge.f32 v57, v7;
	v8 =	vsel vm6, $0x10, v1;
	[tilespmem:v10+s16+$0x0] =	vst.idx.msk vm2, v60  }
0x262: {  	v10 =	vsel vm0, $0x10, v1;
	v9 =	vadd.s32 v8, v61;
	v8 =	vadd.s32 $0x40, v6;
	[tilespmem:v11+s16+$0x0] =	vst.idx.msk vm3, v62  }
0x263: {  	v10 =	vadd.s32 v10, v9;
	v11 =	vadd.s32 $0x50, v6;
	[tilespmem:v12+s16+$0x0] =	vst.idx.msk vm4, v8  }
0x264: {  	v63 =	vadd.s32 $0x60, v6;
	vm1 =	vlt.s32 v10, v3;
	[tilespmem:v13+s16+$0x0] =	vst.idx.msk vm5, v11  }
0x265: {  	s25 =	simm.s32 $0x200;
	s20 =	simm.s32 $0x400;
	v8 =	vsel vm1, v10, v3;
	v10 =	vadd.s32 $0x70, v6;
	[tilespmem:v61+s16+$0x0] =	vst.idx.msk vm6, v63  }
.LBB2_29:
0x266: {  	p2 =	sne.s32 s20, $0x1FE00  }
0x267: {  	s26 =	sshra.s32 s25, $0x2;
	[tilespmem:v9+s16+$0x0] =	vst.idx.msk vm0, v10;
	v6 =	vadd.s32 $0x80, v6;
	s25 =	smov.u32 s20;
	s20 =	sadd.s32 $0x200, s20  }
0x268: {  	v9 =	vld [tilespmem:s26+$0x8000]  }
0x269: {  	v10 =	vld [tilespmem:s26+$0x8010]  }
0x26a: {  	v11 =	vld [tilespmem:s26+$0x8020]  }
0x26b: {  	v12 =	vld [tilespmem:s26+$0x8030]  }
0x26c: {  	v13 =	vld [tilespmem:s26+$0x8040]  }
0x26d: {  	v14 =	vld [tilespmem:s26+$0x8050];
	vm0 =	vge.f32 v9, v7;
	v9 =	vadd.s32 $0x20, v6  }
0x26e: {  	v16 =	vadd.s32 $0x10, v6;
	v15 =	vld [tilespmem:s26+$0x8060];
	vm1 =	vge.f32 v10, v7;
	v10 =	vsel vm0, $0x10, v1  }
0x26f: {  	v17 =	vld [tilespmem:s26+$0x8070];
	vm2 =	vge.f32 v11, v7;
	v11 =	vsel vm1, $0x10, v1;
	v10 =	vadd.s32 v8, v10  }
0x270: {  	vm3 =	vge.f32 v12, v7;
	v12 =	vsel vm2, $0x10, v1;
	v11 =	vadd.s32 v11, v10  }
0x271: {  	vm4 =	vge.f32 v13, v7;
	v13 =	vsel vm3, $0x10, v1;
	v12 =	vadd.s32 v12, v11  }
0x272: {  	vm5 =	vge.f32 v14, v7;
	v14 =	vsel vm4, $0x10, v1;
	v13 =	vadd.s32 v13, v12  }
0x273: {  	vm6 =	vge.f32 v15, v7;
	v15 =	vsel vm5, $0x10, v1;
	[tilespmem:v8+s16+$0x0] =	vst.idx.msk vm0, v6;
	v8 =	vadd.s32 v14, v13  }
0x274: {  	vm0 =	vge.f32 v17, v7;
	v14 =	vsel vm6, $0x10, v1;
	[tilespmem:v10+s16+$0x0] =	vst.idx.msk vm1, v16;
	v15 =	vadd.s32 v15, v8  }
.Ltmp23:
0x275: {  	v16 =	vadd.s32 $0x30, v6;
	v10 =	vsel vm0, $0x10, v1;
	[tilespmem:v11+s16+$0x0] =	vst.idx.msk vm2, v9;
	v9 =	vadd.s32 v14, v15;
	(pc) =	sbr.rel @p2 .LBB2_29-.Ltmp23, $4  }
0x276: {  	v11 =	vadd.s32 $0x40, v6;
	[tilespmem:v12+s16+$0x0] =	vst.idx.msk vm3, v16;
	v10 =	vadd.s32 v10, v9  }
0x277: {  	v12 =	vadd.s32 $0x50, v6;
	[tilespmem:v13+s16+$0x0] =	vst.idx.msk vm4, v11;
	vm1 =	vlt.s32 v10, v3  }
0x278: {  	v11 =	vadd.s32 $0x60, v6;
	[tilespmem:v8+s16+$0x0] =	vst.idx.msk vm5, v12;
	v8 =	vsel vm1, v10, v3  }
0x279: {  	v10 =	vadd.s32 $0x70, v6;
	[tilespmem:v15+s16+$0x0] =	vst.idx.msk vm6, v11  }
0x27a: {  	_ =	sdelay $0x4  }
0x27b: {  	s20 =	sshra.s32 s25, $0x2;
	[tilespmem:v9+s16+$0x0] =	vst.idx.msk vm0, v10  }
0x27c: {  	v9 =	vld [tilespmem:s20+$0x8000]  }
0x27d: {  	v10 =	vld [tilespmem:s20+$0x8010]  }
0x27e: {  	v11 =	vld [tilespmem:s20+$0x8020]  }
0x27f: {  	v12 =	vld [tilespmem:s20+$0x8030]  }
0x280: {  	v13 =	vld [tilespmem:s20+$0x8040]  }
0x281: {  	v14 =	vld [tilespmem:s20+$0x8050];
	vm7 =	vge.f32 v9, v7  }
0x282: {  	v53 =	vld [tilespmem:s20+$0x8060];
	vm6 =	vge.f32 v10, v7;
	v54 =	vsel vm7, $0x10, v1  }
0x283: {  	v15 =	vld [tilespmem:s20+$0x8070];
	vm5 =	vge.f32 v11, v7;
	v55 =	vsel vm6, $0x10, v1;
	v10 =	vadd.s32 v8, v54  }
0x284: {  	vm4 =	vge.f32 v12, v7;
	v56 =	vsel vm5, $0x10, v1;
	v11 =	vadd.s32 v55, v10  }
0x285: {  	vm2 =	vge.f32 v13, v7;
	v57 =	vsel vm4, $0x10, v1;
	v12 =	vadd.s32 v56, v11  }
0x286: {  	vm15 =	vge.f32 v14, v7;
	v58 =	vsel vm2, $0x10, v1;
	v13 =	vadd.s32 v57, v12  }
0x287: {  	vm1 =	vge.f32 v53, v7;
	v59 =	vsel vm15, $0x10, v1;
	v14 =	vadd.s32 v58, v13  }
0x288: {  	vm3 =	vge.f32 v15, v7;
	v7 =	vsel vm1, $0x10, v1;
	v9 =	vadd.s32 v59, v14  }
0x289: {  	v15 =	vsel vm3, $0x10, v1;
	v16 =	vadd.s32 v7, v9  }
0x28a: {  	v7 =	vadd.s32 v15, v16  }
0x28b: {  	vm8 =	vlt.s32 v7, v3  }
0x28c: {  	v7 =	vsel vm8, v7, v3  }
0x28d: {  	v60 =	vxor.u32 $0x80000000, v7  }
0x28e: {  	(xrf0) =	vmax.scan.msk.u32 $0xffff, v60;
	_ =	sdelay $0x5  }
0x28f: {  	v15, _, _ =	vpop (xrf0)  }
0x290: {  	(v2sf) =	vpush v15, $0xF;
	_ =	sdelay $0xe  }
0x291: {  	s29 =	spop (v2sf)  }
0x292: {  	s20 =	sshra.s32 s29, $0x4  }
0x293: {  	s20 =	sxor.u32 $0xF8000000, s20  }
0x294: {  	p2 =	slt.s32 s20, $0x3F  }
0x295: {  	p3 =	slt.s32 s20, $0xFFFFFFFD;
	s20 =	simm.s32 @!p2 $0x3F  }
0x296: {  	s30 =	sand.u32 $0x3, s20  }
0x297: {  	s20 =	sadd.s32 $0x4, s20;
	p6 =	sne.s32 s30, $0x0  }
0x298: {  	s31 =	sshrl.u32 s20, $0x1E;
	p2 =	por !p3, !p6  }
0x299: {  	v6 =	vadd.s32 $0x80, v6;
	s25 =	simm.s32 $0x1;
	s20 =	sadd.s32 s31, s20;
	p2 =	por !p2, !p2  }
0x29a: {  	[tilespmem:v8+s16+$0x0] =	vst.idx.msk vm7, v6;
	v8 =	vadd.s32 $0x10, v6;
	s20 =	sshra.s32 s20, $0x2;
	s25 =	simm.s32 @!p2 $0x0  }
0x29b: {  	v61 =	vadd.s32 $0x20, v6;
	[tilespmem:v10+s16+$0x0] =	vst.idx.msk vm6, v8;
	s20 =	ssub.s32 s20, s25  }
0x29c: {  	v8 =	vadd.s32 $0x30, v6;
	[tilespmem:v11+s16+$0x0] =	vst.idx.msk vm5, v61;
	p2 =	slt.s32 s20, $0x1  }
.Ltmp24:
0x29d: {  	v62 =	vadd.s32 $0x40, v6;
	[tilespmem:v12+s16+$0x0] =	vst.idx.msk vm4, v8;
	(pc) =	sbr.rel @p2 .LBB2_34-.Ltmp24, $4  }
0x29e: {  	v8 =	vadd.s32 $0x50, v6;
	[tilespmem:v13+s16+$0x0] =	vst.idx.msk vm2, v62  }
0x29f: {  	v63 =	vadd.s32 $0x60, v6;
	[tilespmem:v14+s16+$0x0] =	vst.idx.msk vm15, v8  }
0x2a0: {  	v6 =	vadd.s32 $0x70, v6;
	[tilespmem:v9+s16+$0x0] =	vst.idx.msk vm1, v63  }
0x2a1: {  	[tilespmem:v16+s16+$0x0] =	vst.idx.msk vm3, v6  }
0x2a2: {  	s25 =	simm.s32 $0x18520  }
0x2a3: {  	v6 =	vld [tilespmem:s25+$0x0]  }
0x2a4: {  	v9 =	vld [tilespmem:s25+$0xFFFFFFE0]  }
0x2a5: {  	v8 =	vld [tilespmem:s25+$0x10]  }
0x2a6: {  	v10 =	vld [tilespmem:s25+$0xFFFFFFF0];
	_ =	sdelay $0x4  }
0x2a7: {  	v11 =	vld.idx.msk [tilespmem:v6+s11+$0x0], $0xffff  }
0x2a8: {  	v6 =	vadd.s32 v4, v7;
	v13 =	vld.idx.msk [tilespmem:v9+s11+$0x0], $0xffff  }
0x2a9: {  	v12 =	vld.idx.msk [tilespmem:v8+s11+$0x0], $0xffff;
	v6 =	vshrl.u32 v6, $0x4  }
0x2aa: {  	p3 =	sne.s32 s20, $0x1;
	v8 =	vimm.s32 $0x0;
	v14 =	vld.idx.msk [tilespmem:v10+s11+$0x0], $0xffff;
	v7 =	vadd.s32 $0xFFFFFFFE, v6  }
.Ltmp25:
0x2ab: {  	vm0 =	vlt.s32 v8, v7;
	(pc) =	sbr.rel @!p3 .LBB2_33-.Ltmp25, $4  }
0x2ac: {  	s26 =	simm.s32 $0x18F20;
	v9 =	vadd.s32 $0xFFFFFFFD, v6;
	vm1 =	vlt.s32 v8, v6;
	v11 =	vnsel vm0, $0x0, v11  }
0x2ad: {  	v10 =	vadd.s32 $0xFFFFFFFF, v6;
	vm14 =	vlt.s32 v8, v9;
	v63 =	vnsel vm1, $0x0, v13;
	[tilespmem:s26+$0x0] =	vst v11  }
0x2ae: {  	vm15 =	vlt.s32 v8, v10;
	v11 =	vnsel vm14, $0x0, v12;
	[tilespmem:s26+$0xFFFFFFE0] =	vst v63  }
0x2af: {  	s28 =	sadd.s32 $0xFFFFFFFF, s20;
	[tilespmem:s26+$0x10] =	vst v11;
	v11 =	vnsel vm15, $0x0, v14  }
.LBB2_32:
0x2b0: {  	p3 =	sne.s32 s28, $0x1;
	[tilespmem:s26+$0xFFFFFFF0] =	vst v11;
	v8 =	vadd.s32 $0x4, v8;
	s26 =	sadd.s32 $0x40, s26;
	s25 =	sadd.s32 $0x40, s25  }
0x2b1: {  	s28 =	sadd.s32 $0xFFFFFFFF, s28;
	v11 =	vld [tilespmem:s25+$0x0]  }
0x2b2: {  	v12 =	vld [tilespmem:s25+$0x10]  }
0x2b3: {  	v13 =	vld [tilespmem:s25+$0xFFFFFFE0]  }
0x2b4: {  	v14 =	vld [tilespmem:s25+$0xFFFFFFF0];
	_ =	sdelay $0x4  }
0x2b5: {  	v11 =	vld.idx.msk [tilespmem:v11+s11+$0x0], $0xffff  }
0x2b6: {  	v12 =	vld.idx.msk [tilespmem:v12+s11+$0x0], $0xffff  }
0x2b7: {  	v13 =	vld.idx.msk [tilespmem:v13+s11+$0x0], $0xffff  }
0x2b8: {  	v14 =	vld.idx.msk [tilespmem:v14+s11+$0x0], $0xffff;
	_ =	sdelay $0x1  }
.Ltmp26:
0x2b9: {  	vm0 =	vlt.s32 v8, v7;
	(pc) =	sbr.rel @p3 .LBB2_32-.Ltmp26, $4  }
0x2ba: {  	v11 =	vnsel vm0, $0x0, v11;
	vm0 =	vlt.s32 v8, v9  }
0x2bb: {  	vm1 =	vlt.s32 v8, v6;
	[tilespmem:s26+$0x0] =	vst v11;
	v11 =	vnsel vm0, $0x0, v12  }
0x2bc: {  	v12 =	vnsel vm1, $0x0, v13;
	vm0 =	vlt.s32 v8, v10;
	[tilespmem:s26+$0x10] =	vst v11  }
0x2bd: {  	v11 =	vnsel vm0, $0x0, v14;
	[tilespmem:s26+$0xFFFFFFE0] =	vst v12  }
.LBB2_33:
0x2be: {  	[tilespmem:s26+$0xFFFFFFF0] =	vst v11  }
.LBB2_34:
0x2bf: {  	s22 =	sadd.s32 @!p0 $0x3, s22  }
0x2c0: {  	s25 =	sshll.u32 @!p0 s22, $0x4  }
.Ltmp27:
0x2c1: {  	s22 =	sshll.u32 @!p0 s22, $0xC;
	s25 =	sand.u32 @!p0 $0x70, s25;
	(pc) =	sbr.rel .LBB2_35-.Ltmp27, $4  }
0x2c2: {  	s26 =	simm.s32 @!p0 $0x400;
	s22 =	sand.u32 @!p0 $0xFFF8000, s22;
	s25 =	sadd.s32 @!p0 s2, s25  }
0x2c3: {  	s28 =	simm.s32 @!p0 $0x8000;
	s22 =	sadd.s32 @!p0 s22, s25;
	s25 =	simm.s32 @!p0 $0x80  }
0x2c4: {  	[tilespmem:s28], [sflag:$0x2] =	stream.strided.gather @!p0 [hbm4b:s22+s25], $0x8000, s26, s25, $0x38;
	[tilespmem:$0x19400] =	vst v63  }
0x2c5: {  	v6 =	vimm.s32 $0x0;
	v7 =	vimm.s32 $0x40000000;
	s22 =	simm.s32 $0x0  }
.LBB2_38:
0x2c6: {  	v13 =	vsel vm0, $0x1, v1;
	vm13 =	vge.f32 v11, v8  }
0x2c7: {  	vm14 =	vge.f32 v10, v8;
	v11 =	vadd.s32 v13, v12;
	v63 =	vsel vm13, $0x1, v1  }
0x2c8: {  	vm15 =	vge.f32 v9, v8;
	v10 =	vadd.s32 v63, v11;
	v11 =	vsel vm14, $0x1, v1  }
0x2c9: {  	v9 =	vadd.s32 v11, v10;
	v10 =	vsel vm15, $0x1, v1  }
0x2ca: {  	v9 =	vadd.s32 v10, v9  }
.LBB2_39:
0x2cb: {  	(xrf0) =	vadd.scan.msk.s32 $0xffff, v9;
	_ =	sdelay $0x3  }
0x2cc: {  	s22 =	sadd.s32 $0x1, s22  }
0x2cd: {  	p0 =	sne.s32 s22, $0x1F  }
.Ltmp28:
0x2ce: {  	v9, _, _ =	vpop (xrf0);
	(pc) =	sbr.rel @!p0 .LBB2_40-.Ltmp28, $3  }
0x2cf: {  	v9 =	vperm.xlane v9, v2;
	_ =	sdelay $0x1  }
0x2d0: {  	vm0 =	vgt.s32 v9, $0x3F  }
0x2d1: {  	v7 =	vshrl.u32 v7, $0x1;
	v6 =	vsel vm0, v8, v6  }
.LBB2_35:
.Ltmp29:
0x2d2: {  	(pc) =	sbr.rel @p2 .LBB2_39-.Ltmp29, $2  }
0x2d3: {  	_ =	sdelay $0x2  }
0x2d4: {  	v8 =	vor.u32 v6, v7;
	s26 =	simm.s32 $0x18F20;
	v9 =	vimm.s32 $0x0  }
0x2d5: {  	v12 =	vld [tilespmem:s26+$0xFFFFFFE0];
	p0 =	sne.s32 s20, $0x1  }
.Ltmp30:
0x2d6: {  	v11 =	vld [tilespmem:s26+$0xFFFFFFF0];
	(pc) =	sbr.rel @!p0 .LBB2_38-.Ltmp30, $3  }
0x2d7: {  	v10 =	vld [tilespmem:s26+$0x0]  }
0x2d8: {  	v9 =	vld [tilespmem:s26+$0x10];
	_ =	sdelay $0x1  }
0x2d9: {  	s25 =	sadd.s32 $0xFFFFFFFF, s20;
	s26 =	sadd.s32 $0x40, s26;
	vm0 =	vge.f32 v12, v8;
	v12 =	vimm.s32 $0x0  }
.LBB2_37:
0x2da: {  	v13 =	vld [tilespmem:s26+$0xFFFFFFE0];
	p0 =	sne.s32 s25, $0x1;
	s25 =	sadd.s32 $0xFFFFFFFF, s25;
	v14 =	vsel vm0, $0x1, v1;
	vm0 =	vge.f32 v11, v8  }
.Ltmp31:
0x2db: {  	v11 =	vld [tilespmem:s26+$0xFFFFFFF0];
	v12 =	vadd.s32 v14, v12;
	v14 =	vsel vm0, $0x1, v1;
	vm0 =	vge.f32 v10, v8;
	(pc) =	sbr.rel @p0 .LBB2_37-.Ltmp31, $4  }
0x2dc: {  	v10 =	vld [tilespmem:s26+$0x0];
	v12 =	vadd.s32 v14, v12;
	v14 =	vsel vm0, $0x1, v1;
	vm0 =	vge.f32 v9, v8  }
0x2dd: {  	v9 =	vld [tilespmem:s26+$0x10];
	v12 =	vadd.s32 v14, v12;
	v14 =	vsel vm0, $0x1, v1  }
0x2de: {  	v12 =	vadd.s32 v14, v12  }
0x2df: {  	s26 =	sadd.s32 $0x40, s26;
	vm0 =	vge.f32 v13, v8  }
.Ltmp32:
0x2e0: {  	_ = 	snop;
	(pc) =	sbr.rel .LBB2_38-.Ltmp32, $1  }
0x2e1: {  	_ =	sdelay $0x3  }
.LBB2_40:
.Ltmp33:
0x2e2: {  	(pc) =	sbr.rel @!p1 .LBB2_44-.Ltmp33, $4  }
0x2e3: {  	_ = 	snop  }
0x2e4: {  	_ =	swait.ge [sflag:s17], $0x8000  }
0x2e5: {  	[sflag:s17] =	ssyncset.done $0x0  }
0x2e6: {  	[sflag:s17] =	ssyncadd.s32 $0xFFFF8000  }
0x2e7: {  	s25 =	simm.s32 $0x18A20  }
0x2e8: {  	v7 =	vld [tilespmem:s25+$0xFFFFFFE0]  }
0x2e9: {  	v8 =	vld [tilespmem:s25+$0xFFFFFFF0]  }
0x2ea: {  	s22 =	simm.s32 $0x18020  }
0x2eb: {  	v10 =	vld [tilespmem:s22+$0xFFFFFFE0];
	_ =	sdelay $0x1  }
0x2ec: {  	v9 =	vld [tilespmem:s25+$0x0];
	vm0 =	vge.f32 v7, v5  }
0x2ed: {  	vm1 =	vge.f32 v8, v5;
	v8 =	vld [tilespmem:s25+$0x10]  }
0x2ee: {  	v11 =	vld [tilespmem:s22+$0xFFFFFFF0]  }
0x2ef: {  	v12 =	vld [tilespmem:s22+$0x0]  }
0x2f0: {  	v7 =	vld [tilespmem:s22+$0x10]  }
0x2f1: {  	vm2 =	vge.f32 v9, v5  }
0x2f2: {  	p0 =	seq.s32 s21, $0x1;
	[tilespmem:v10+s14+$0x0] =	vst.idx.msk vm0, v0;
	vm0 =	vge.f32 v8, v5  }
.Ltmp34:
0x2f3: {  	_ = 	snop;
	(pc) =	sbr.rel @p0 .LBB2_43-.Ltmp34, $3  }
0x2f4: {  	_ =	sdelay $0x1  }
0x2f5: {  	[tilespmem:v11+s14+$0x0] =	vst.idx.msk vm1, v0  }
0x2f6: {  	s21 =	sadd.s32 $0xFFFFFFFF, s21;
	[tilespmem:v12+s14+$0x0] =	vst.idx.msk vm2, v0  }
.LBB2_42:
0x2f7: {  	p0 =	seq.s32 s21, $0x1;
	[tilespmem:v7+s14+$0x0] =	vst.idx.msk vm0, v0;
	s22 =	sadd.s32 $0x40, s22;
	s25 =	sadd.s32 $0x40, s25  }
0x2f8: {  	s21 =	sadd.s32 $0xFFFFFFFF, s21;
	v8 =	vld [tilespmem:s22+$0xFFFFFFE0]  }
0x2f9: {  	v7 =	vld [tilespmem:s25+$0xFFFFFFE0]  }
0x2fa: {  	v9 =	vld [tilespmem:s25+$0xFFFFFFF0]  }
0x2fb: {  	v10 =	vld [tilespmem:s25+$0x0]  }
0x2fc: {  	v11 =	vld [tilespmem:s25+$0x10]  }
0x2fd: {  	v12 =	vld [tilespmem:s22+$0xFFFFFFF0]  }
0x2fe: {  	v13 =	vld [tilespmem:s22+$0x0];
	vm1 =	vge.f32 v7, v5  }
0x2ff: {  	v7 =	vld [tilespmem:s22+$0x10];
	vm2 =	vge.f32 v9, v5  }
0x300: {  	vm3 =	vge.f32 v10, v5  }
0x301: {  	vm0 =	vge.f32 v11, v5  }
.Ltmp35:
0x302: {  	(pc) =	sbr.rel @!p0 .LBB2_42-.Ltmp35, $4  }
0x303: {  	_ = 	snop  }
0x304: {  	[tilespmem:v8+s14+$0x0] =	vst.idx.msk vm1, v0  }
0x305: {  	[tilespmem:v12+s14+$0x0] =	vst.idx.msk vm2, v0  }
0x306: {  	[tilespmem:v13+s14+$0x0] =	vst.idx.msk vm3, v0  }
.LBB2_43:
0x307: {  	_ =	sdelay $0x4  }
0x308: {  	[tilespmem:v7+s14+$0x0] =	vst.idx.msk vm0, v0  }
.LBB2_44:
0x309: {  	p0 =	sgt.s32 s20, $0x0  }
.Ltmp36:
0x30a: {  	_ = 	snop;
	(pc) =	sbr.rel @!p0 .LBB2_48-.Ltmp36, $3  }
0x30b: {  	_ =	sdelay $0x1  }
0x30c: {  	vm0 =	vgt.s32 v6, $0x1  }
0x30d: {  	v5 =	vnsel vm0, $0x1, v6  }
0x30e: {  	s22 =	simm.s32 $0x18F20  }
0x30f: {  	v8 =	vld [tilespmem:s22+$0xFFFFFFE0];
	_ =	sdelay $0x1  }
0x310: {  	s21 =	simm.s32 $0x18520  }
0x311: {  	v11 =	vld [tilespmem:s21+$0xFFFFFFE0]  }
0x312: {  	v9 =	vld [tilespmem:s22+$0xFFFFFFF0]  }
0x313: {  	v10 =	vld [tilespmem:s22+$0x0];
	vm0 =	vge.f32 v8, v5  }
0x314: {  	v6 =	vld [tilespmem:s22+$0x10]  }
0x315: {  	v12 =	vld [tilespmem:s21+$0xFFFFFFF0]  }
0x316: {  	v13 =	vld [tilespmem:s21+$0x0]  }
0x317: {  	v7 =	vld [tilespmem:s21+$0x10];
	vm1 =	vge.f32 v9, v5  }
0x318: {  	vm2 =	vge.f32 v10, v5  }
0x319: {  	p0 =	sne.s32 s20, $0x1;
	[tilespmem:v11+s14+$0x0] =	vst.idx.msk vm0, v8;
	vm0 =	vge.f32 v6, v5  }
.Ltmp37:
0x31a: {  	_ = 	snop;
	(pc) =	sbr.rel @!p0 .LBB2_47-.Ltmp37, $3  }
0x31b: {  	_ =	sdelay $0x1  }
0x31c: {  	[tilespmem:v12+s14+$0x0] =	vst.idx.msk vm1, v9  }
0x31d: {  	s25 =	sadd.s32 $0xFFFFFFFF, s20;
	[tilespmem:v13+s14+$0x0] =	vst.idx.msk vm2, v10  }
.LBB2_46:
0x31e: {  	p0 =	sne.s32 s25, $0x1;
	[tilespmem:v7+s14+$0x0] =	vst.idx.msk vm0, v6;
	s21 =	sadd.s32 $0x40, s21;
	s22 =	sadd.s32 $0x40, s22  }
0x31f: {  	s25 =	sadd.s32 $0xFFFFFFFF, s25;
	v8 =	vld [tilespmem:s21+$0xFFFFFFE0]  }
0x320: {  	v9 =	vld [tilespmem:s22+$0xFFFFFFE0]  }
0x321: {  	v10 =	vld [tilespmem:s22+$0xFFFFFFF0]  }
0x322: {  	v11 =	vld [tilespmem:s22+$0x0]  }
0x323: {  	v6 =	vld [tilespmem:s22+$0x10]  }
0x324: {  	v12 =	vld [tilespmem:s21+$0xFFFFFFF0]  }
0x325: {  	v13 =	vld [tilespmem:s21+$0x0];
	vm1 =	vge.f32 v9, v5  }
0x326: {  	v7 =	vld [tilespmem:s21+$0x10];
	vm2 =	vge.f32 v10, v5  }
0x327: {  	vm3 =	vge.f32 v11, v5  }
0x328: {  	vm0 =	vge.f32 v6, v5  }
.Ltmp38:
0x329: {  	(pc) =	sbr.rel @p0 .LBB2_46-.Ltmp38, $4  }
0x32a: {  	_ = 	snop  }
0x32b: {  	[tilespmem:v8+s14+$0x0] =	vst.idx.msk vm1, v9  }
0x32c: {  	[tilespmem:v12+s14+$0x0] =	vst.idx.msk vm2, v10  }
0x32d: {  	[tilespmem:v13+s14+$0x0] =	vst.idx.msk vm3, v11  }
.Ltmp39:
0x32e: {  	_ = 	snop;
	(pc) =	sbr.rel .LBB2_47-.Ltmp39, $1  }
0x32f: {  	_ =	sdelay $0x3  }
.LBB2_50:
0x330: {  	_ =	sfence.sel $0x180000  }
0x331: {  	[bflag:$0x0] =	sbarrier.arrive $0xFFFF  }
0x332: {  	p0 =	sne.s32 s1, $0x0;
	_ =	strace $0x90000047  }
0x333: {  	s0 =	sadd.s32 @!p0 $0x100000, s0;
	[bflag:$0x2] =	sbarrier.arrive $0xFFFF  }
0x334: {  	[sflag:s0] =	ssyncadd.tile.s32 @!p0 $0x1;
	_ =	shalt  }
.Lfunc_end2:
_tile_overlayer_lowered:
.L_overlay_start_2:
0x335: {  	(tag) =	ssettag $0x2  }
0x336: {  	s0 =	rddreg [dreg:$0x0];
	s2 =	stileid.u32  }
0x337: {  	s1 =	rddreg [dreg:$0x1];
	p0 =	sne.s32 s2, $0x0  }
0x338: {  	s3 =	rddreg [dreg:$0x2];
	[bflag:$0x3] =	sbarrier.arrive $0xFFFF;
	s2 =	simm.s32 @!p0 $0x1C04  }
0x339: {  	[timem:s3], [sflag:s2] =	dma.local @!p0 [hbm:s0], s1  }
0x33a: {  	s0 =	simm.s32 @!p0 $0x4  }
0x33b: {  	_ =	swait.ge @!p0 [sflag:s0], s1  }
0x33c: {  	s1 =	ssub.s32 @!p0 $0x0, s1;
	[sflag:s0] =	ssyncset.done @!p0 $0x0  }
0x33d: {  	[sflag:s0] =	ssyncadd.s32 @!p0 s1  }
0x33e: {  	[bflag:$0x3] =	sbarrier.arrive $0xFFFF  }
0x33f: {  	_ =	shalt  }

</sc_bundles>
